<compile_context>
chip_gen: v7x
topology: tpu7x:2x2x1
jax: 0.10.2.dev20260603
libtpu: 0.0.44.dev20260713+nightly
codegen_flags: <defaults>
</compile_context>

<pallas_src>
import functools

import jax
import jax.numpy as jnp
from jax import lax
from jax.experimental import pallas as pl
from jax.experimental.pallas import tpu as pltpu
from jax.experimental.pallas import tpu_sc as plsc

B, L, V, D = 16384, 200, 8, 16

NC, NS = 2, 16
NW = NC * NS
BW = B // NW
LB = 8
NCHUNK = L // LB
GPL = BW // 16
NGRP = LB * GPL


def _lt_body(emb_ref, wt_ref, b_ref, o_ref):
    o_ref[...] = (
        jnp.dot(emb_ref[...], wt_ref[...], preferred_element_type=jnp.float32)
        + b_ref[...]
    )


def _fused_table(emb_table, W, b):
    return pl.pallas_call(
        _lt_body,
        out_shape=jax.ShapeDtypeStruct((V, V), jnp.float32),
    )(emb_table, W.T, b.reshape(1, V))


def _sc_body(x2_hbm, t_hbm, o_hbm, ltbuf, xA, xB, oA, oB, sxA, sxB, soA, soB):
    c = lax.axis_index("c")
    s = lax.axis_index("s")
    wid = s * NC + c
    b0 = wid * BW

    def fire_x(ci, xbuf, sem):
        ci = jnp.minimum(ci, NCHUNK - 1)
        pltpu.async_copy(
            x2_hbm.at[pl.ds(ci * LB, LB), pl.ds(b0, BW)], xbuf, sem
        )

    fire_x(jnp.int32(0), xA, sxA)
    fire_x(jnp.int32(1), xB, sxB)
    pltpu.sync_copy(t_hbm, ltbuf)

    def wait_x(xbuf, sem):
        pltpu.make_async_copy(
            x2_hbm.at[pl.ds(0, LB), pl.ds(b0, BW)], xbuf, sem
        ).wait()

    def wait_o(obuf, sem):
        pltpu.make_async_copy(
            obuf, o_hbm.at[pl.ds(0, LB), :, pl.ds(b0, BW)], sem
        ).wait()

    def compute(xbuf, obuf):
        @plsc.parallel_loop(0, NGRP, unroll=8)
        def grp(g):
            l = g // GPL
            bo = (g % GPL) * 16
            xv = xbuf[l, pl.ds(bo, 16)]
            for v in range(V):
                obuf[l, v, pl.ds(bo, 16)] = plsc.load_gather(
                    ltbuf, [xv + (V * v)]
                )

    def do_chunk(ci, xbuf, obuf, sx, so):
        wait_x(xbuf, sx)
        compute(xbuf, obuf)
        pltpu.async_copy(
            obuf, o_hbm.at[pl.ds(ci * LB, LB), :, pl.ds(b0, BW)], so
        )
        fire_x(ci + 2, xbuf, sx)

    do_chunk(jnp.int32(0), xA, oA, sxA, soA)
    do_chunk(jnp.int32(1), xB, oB, sxB, soB)

    def body(h, carry):
        wait_o(oA, soA)
        do_chunk(2 * h, xA, oA, sxA, soA)
        wait_o(oB, soB)
        do_chunk(2 * h + 1, xB, oB, sxB, soB)
        return carry

    lax.fori_loop(1, NCHUNK // 2, body, 0)

    if NCHUNK % 2:
        wait_o(oA, soA)
        do_chunk(jnp.int32(NCHUNK - 1), xA, oA, sxA, soA)

    wait_o(oA, soA)
    wait_o(oB, soB)
    wait_x(xA, sxA)
    wait_x(xB, sxB)


@functools.partial(jax.jit, static_argnames=())
def kernel(x, emb_table, W, b):
    lt = _fused_table(emb_table, W, b)
    tflat = jnp.transpose(lt).reshape(V * V)
    x2 = x.astype(jnp.int32).T

    mesh = plsc.VectorSubcoreMesh(core_axis_name="c", subcore_axis_name="s")
    o3 = pl.kernel(
        _sc_body,
        out_type=jax.ShapeDtypeStruct((L, V, B), jnp.float32),
        mesh=mesh,
        compiler_params=pltpu.CompilerParams(needs_layout_passes=False),
        scratch_types=[
            pltpu.VMEM((V * V,), jnp.float32),
            pltpu.VMEM((LB, BW), jnp.int32),
            pltpu.VMEM((LB, BW), jnp.int32),
            pltpu.VMEM((LB, V, BW), jnp.float32),
            pltpu.VMEM((LB, V, BW), jnp.float32),
            pltpu.SemaphoreType.DMA,
            pltpu.SemaphoreType.DMA,
            pltpu.SemaphoreType.DMA,
            pltpu.SemaphoreType.DMA,
        ],
    )(x2, tflat)
    return jnp.transpose(o3, (2, 0, 1))

# --- scband reference (transcript-rebuilt; emitter-appended) ---
"""Pipeline reference for scband-tiny-transformer-21603685499206 (READ-ONLY COPY).

The authoritative reference and input builder live on the scoring server;
editing this copy changes nothing except your own understanding.
"""

import jax, jax.numpy as jnp
import numpy as np

VOCAB = 8
EMBED_DIM = 16

def setup_inputs(seed: int = 0) -> dict:
    key = jax.random.key(seed)
    k1, k2, k3, k4 = jax.random.split(key, 4)
    x = jax.random.randint(k1, (16384, 200), 0, VOCAB, dtype=jnp.int64 if jax.config.jax_enable_x64 else jnp.int32)
    emb_table = jax.random.normal(k2, (VOCAB, EMBED_DIM), dtype=jnp.float32)
    # torch nn.Linear(embedding_dim, vocab_size): weight [out, in], bias [out]
    bound = 1.0 / np.sqrt(EMBED_DIM)
    W = jax.random.uniform(k3, (VOCAB, EMBED_DIM), minval=-bound, maxval=bound, dtype=jnp.float32)
    b = jax.random.uniform(k4, (VOCAB,), minval=-bound, maxval=bound, dtype=jnp.float32)
    return {"x": x, "emb_table": emb_table, "W": W, "b": b}

def reference(x, emb_table, W, b):
    # nn.Embedding lookup: gather rows of the table
    h = jnp.take(emb_table, x, axis=0)  # [B, L, EMBED_DIM]
    # nn.Linear: h @ W.T + b
    logits = jnp.einsum('bld,vd->blv', h, W) + b  # [B, L, VOCAB]
    return logits

if __name__ == "__main__":
    import jax
    _d = setup_inputs()
    print(jax.jit(kernel)(*tuple(_d.values())))

</pallas_src>

<mosaic_0001>
#map = affine_map<(d0, d1) -> (0, 0)>
#map1 = affine_map<(d0, d1) -> (0)>
#map2 = affine_map<(d0, d1) -> (0, 0, 0)>
module attributes {stable_mosaic.version = 14 : i64} {
  func.func @_sc_body(%arg0: i32, %arg1: i32, %arg2: memref<200x16384xi32, #tpu.memory_space<hbm>>, %arg3: memref<64xf32, #tpu.memory_space<hbm>>, %arg4: memref<200x8x16384xf32, #tpu.memory_space<hbm>>, %arg5: memref<64xf32, #tpu.memory_space<vmem>>, %arg6: memref<8x512xi32, #tpu.memory_space<vmem>>, %arg7: memref<8x512xi32, #tpu.memory_space<vmem>>, %arg8: memref<8x8x512xf32, #tpu.memory_space<vmem>>, %arg9: memref<8x8x512xf32, #tpu.memory_space<vmem>>, %arg10: memref<!tpu.dma_semaphore, #tpu.memory_space<semaphore_mem>>, %arg11: memref<!tpu.dma_semaphore, #tpu.memory_space<semaphore_mem>>, %arg12: memref<!tpu.dma_semaphore, #tpu.memory_space<semaphore_mem>>, %arg13: memref<!tpu.dma_semaphore, #tpu.memory_space<semaphore_mem>>) attributes {dimension_semantics = [#tpu.dimension_semantics<core_parallel>, #tpu.dimension_semantics<subcore_parallel>], iteration_bounds = array<i64: 2, 16>, scalar_prefetch = 0 : i64, scratch_operands = 9 : i64, tpu.core_type = #tpu.core_type<sc_vector_subcore>, window_params = [{transform_indices = #map}, {transform_indices = #map1}, {transform_indices = #map2}]} {
    %mul3A = arith.constant 2 : i32
    %mul3A_0 = arith.muli %arg1, %mul3A : i32
    %add3A = arith.addi %mul3A_0, %arg0 : i32
    %mul3A_1 = arith.constant 512 : i32
    %mul3A_2 = arith.muli %add3A, %mul3A_1 : i32
    %min3A = arith.constant 0 : i32
    %min3A_3 = arith.constant 24 : i32
    %min3A_4 = arith.minsi %min3A, %min3A_3 : i32
    %mul3A_5 = arith.constant 8 : i32
    %mul3A_6 = arith.muli %min3A_4, %mul3A_5 : i32
    %dma_start3A = tpu.memref_slice %arg2[%mul3A_6, %mul3A_2] : memref<200x16384xi32, #tpu.memory_space<hbm>> -> memref<8x512xi32, #tpu.memory_space<hbm>>
    %dma_start3A_7 = tpu.memref_slice %arg2[%mul3A_6, %mul3A_2] : memref<200x16384xi32, #tpu.memory_space<hbm>> -> memref<8x512xi32, #tpu.memory_space<hbm>>
    tpu.enqueue_dma source(%dma_start3A_7 : memref<8x512xi32, #tpu.memory_space<hbm>>) target(%arg6 : memref<8x512xi32, #tpu.memory_space<vmem>>) target_semaphore(%arg10 : memref<!tpu.dma_semaphore, #tpu.memory_space<semaphore_mem>>)
    %min3A_8 = arith.constant 1 : i32
    %min3A_9 = arith.constant 24 : i32
    %min3A_10 = arith.minsi %min3A_8, %min3A_9 : i32
    %mul3A_11 = arith.constant 8 : i32
    %mul3A_12 = arith.muli %min3A_10, %mul3A_11 : i32
    %dma_start3A_13 = tpu.memref_slice %arg2[%mul3A_12, %mul3A_2] : memref<200x16384xi32, #tpu.memory_space<hbm>> -> memref<8x512xi32, #tpu.memory_space<hbm>>
    %dma_start3A_14 = tpu.memref_slice %arg2[%mul3A_12, %mul3A_2] : memref<200x16384xi32, #tpu.memory_space<hbm>> -> memref<8x512xi32, #tpu.memory_space<hbm>>
    tpu.enqueue_dma source(%dma_start3A_14 : memref<8x512xi32, #tpu.memory_space<hbm>>) target(%arg7 : memref<8x512xi32, #tpu.memory_space<vmem>>) target_semaphore(%arg11 : memref<!tpu.dma_semaphore, #tpu.memory_space<semaphore_mem>>)
    "tpu.region"() ({
      %run_scoped3A = tpu.sem_alloc : memref<!tpu.dma_semaphore, #tpu.memory_space<semaphore_mem>>
      tpu.enqueue_dma source(%arg3 : memref<64xf32, #tpu.memory_space<hbm>>) target(%arg5 : memref<64xf32, #tpu.memory_space<vmem>>) target_semaphore(%run_scoped3A : memref<!tpu.dma_semaphore, #tpu.memory_space<semaphore_mem>>)
      tpu.wait_dma2 semaphore(%run_scoped3A : memref<!tpu.dma_semaphore, #tpu.memory_space<semaphore_mem>>) src(%arg3 : memref<64xf32, #tpu.memory_space<hbm>>) dst(%arg5 : memref<64xf32, #tpu.memory_space<vmem>>)
      tpu.yield
    }) : () -> ()
    %dma_wait3A = arith.constant 0 : i32
    %dma_wait3A_15 = tpu.memref_slice %arg2[%dma_wait3A, %mul3A_2] : memref<200x16384xi32, #tpu.memory_space<hbm>> -> memref<8x512xi32, #tpu.memory_space<hbm>>
    %dma_wait3A_16 = arith.constant 0 : i32
    %dma_wait3A_17 = tpu.memref_slice %arg2[%dma_wait3A_16, %mul3A_2] : memref<200x16384xi32, #tpu.memory_space<hbm>> -> memref<8x512xi32, #tpu.memory_space<hbm>>
    tpu.wait_dma2 semaphore(%arg10 : memref<!tpu.dma_semaphore, #tpu.memory_space<semaphore_mem>>) src(%dma_wait3A_17 : memref<8x512xi32, #tpu.memory_space<hbm>>) dst(%arg6 : memref<8x512xi32, #tpu.memory_space<vmem>>)
    %parallel_loop3A = arith.constant 0 : i32
    %parallel_loop3A_18 = arith.constant 256 : i32
    %parallel_loop3A_19 = arith.constant 1 : i32
    scf.for %parallel_loop3A_113 = %parallel_loop3A to %parallel_loop3A_18 step %parallel_loop3A_19  : i32 {
      %parallel_loop3A_114 = arith.constant 32 : i32
      %parallel_loop3A_115 = arith.divsi %parallel_loop3A_113, %parallel_loop3A_114 : i32
      %parallel_loop3A_116 = arith.constant 0 : i32
      %parallel_loop3A_117 = arith.cmpi sgt, %parallel_loop3A_113, %parallel_loop3A_116 : i32
      %parallel_loop3A_118 = arith.extui %parallel_loop3A_117 : i1 to i32
      %parallel_loop3A_119 = arith.constant 0 : i32
      %parallel_loop3A_120 = arith.cmpi slt, %parallel_loop3A_113, %parallel_loop3A_119 : i32
      %parallel_loop3A_121 = arith.extui %parallel_loop3A_120 : i1 to i32
      %parallel_loop3A_122 = arith.subi %parallel_loop3A_118, %parallel_loop3A_121 : i32
      %parallel_loop3A_123 = arith.constant 0 : i32
      %parallel_loop3A_124 = arith.cmpi sgt, %parallel_loop3A_114, %parallel_loop3A_123 : i32
      %parallel_loop3A_125 = arith.extui %parallel_loop3A_124 : i1 to i32
      %parallel_loop3A_126 = arith.constant 0 : i32
      %parallel_loop3A_127 = arith.cmpi slt, %parallel_loop3A_114, %parallel_loop3A_126 : i32
      %parallel_loop3A_128 = arith.extui %parallel_loop3A_127 : i1 to i32
      %parallel_loop3A_129 = arith.subi %parallel_loop3A_125, %parallel_loop3A_128 : i32
      %parallel_loop3A_130 = arith.cmpi ne, %parallel_loop3A_122, %parallel_loop3A_129 : i32
      %parallel_loop3A_131 = arith.remsi %parallel_loop3A_113, %parallel_loop3A_114 : i32
      %parallel_loop3A_132 = arith.constant 0 : i32
      %parallel_loop3A_133 = arith.cmpi ne, %parallel_loop3A_131, %parallel_loop3A_132 : i32
      %parallel_loop3A_134 = arith.andi %parallel_loop3A_130, %parallel_loop3A_133 : i1
      %parallel_loop3A_135 = arith.constant 1 : i32
      %parallel_loop3A_136 = arith.subi %parallel_loop3A_115, %parallel_loop3A_135 : i32
      %parallel_loop3A_137 = arith.select %parallel_loop3A_134, %parallel_loop3A_136, %parallel_loop3A_115 : i32
      %parallel_loop3A_138 = arith.constant 32 : i32
      %parallel_loop3A_139 = arith.constant 0 : i32
      %parallel_loop3A_140 = arith.cmpi eq, %parallel_loop3A_138, %parallel_loop3A_139 : i32
      %parallel_loop3A_141 = arith.constant 1 : i32
      %parallel_loop3A_142 = arith.select %parallel_loop3A_140, %parallel_loop3A_141, %parallel_loop3A_138 : i32
      %parallel_loop3A_143 = arith.remsi %parallel_loop3A_113, %parallel_loop3A_142 : i32
      %parallel_loop3A_144 = arith.constant 0 : i32
      %parallel_loop3A_145 = arith.cmpi ne, %parallel_loop3A_143, %parallel_loop3A_144 : i32
      %parallel_loop3A_146 = arith.constant 0 : i32
      %parallel_loop3A_147 = arith.cmpi slt, %parallel_loop3A_143, %parallel_loop3A_146 : i32
      %parallel_loop3A_148 = arith.constant 0 : i32
      %parallel_loop3A_149 = arith.cmpi slt, %parallel_loop3A_142, %parallel_loop3A_148 : i32
      %parallel_loop3A_150 = arith.xori %parallel_loop3A_147, %parallel_loop3A_149 : i1
      %parallel_loop3A_151 = arith.andi %parallel_loop3A_150, %parallel_loop3A_145 : i1
      %parallel_loop3A_152 = arith.addi %parallel_loop3A_143, %parallel_loop3A_142 : i32
      %parallel_loop3A_153 = arith.select %parallel_loop3A_151, %parallel_loop3A_152, %parallel_loop3A_143 : i32
      %parallel_loop3A_154 = arith.constant 16 : i32
      %parallel_loop3A_155 = arith.muli %parallel_loop3A_153, %parallel_loop3A_154 : i32
      %parallel_loop3A_156 = arith.index_cast %parallel_loop3A_137 : i32 to index
      %parallel_loop3A_157 = arith.index_cast %parallel_loop3A_155 : i32 to index
      %parallel_loop3A_158 = tpu.vector_load %arg6[%parallel_loop3A_156, %parallel_loop3A_157] {strides = array<i32>} : memref<8x512xi32, #tpu.memory_space<vmem>>, vector<16xi32>,
      %parallel_loop3A_159 = arith.constant 0 : i32
      %parallel_loop3A_160 = vector.broadcast %parallel_loop3A_159 : i32 to vector<16xi32>
      %parallel_loop3A_161 = arith.addi %parallel_loop3A_158, %parallel_loop3A_160 : vector<16xi32>
      %parallel_loop3A_162 = tpu.vector_load_idx %arg5[%parallel_loop3A_161] : memref<64xf32, #tpu.memory_space<vmem>>[vector<16xi32>], vector<16xf32>,
      %parallel_loop3A_163 = arith.constant 0 : i32
      %parallel_loop3A_164 = arith.index_cast %parallel_loop3A_137 : i32 to index
      %parallel_loop3A_165 = arith.index_cast %parallel_loop3A_163 : i32 to index
      %parallel_loop3A_166 = arith.index_cast %parallel_loop3A_155 : i32 to index
      %parallel_loop3A_167 = tpu.vector_load %arg8[%parallel_loop3A_164, %parallel_loop3A_165, %parallel_loop3A_166] {strides = array<i32>} : memref<8x8x512xf32, #tpu.memory_space<vmem>>, vector<16xf32>,
      tpu.vector_store %arg8[%parallel_loop3A_164, %parallel_loop3A_165, %parallel_loop3A_166], %parallel_loop3A_162 {strides = array<i32>} : memref<8x8x512xf32, #tpu.memory_space<vmem>>, vector<16xf32>,
      %parallel_loop3A_168 = arith.constant 8 : i32
      %parallel_loop3A_169 = vector.broadcast %parallel_loop3A_168 : i32 to vector<16xi32>
      %parallel_loop3A_170 = arith.addi %parallel_loop3A_158, %parallel_loop3A_169 : vector<16xi32>
      %parallel_loop3A_171 = tpu.vector_load_idx %arg5[%parallel_loop3A_170] : memref<64xf32, #tpu.memory_space<vmem>>[vector<16xi32>], vector<16xf32>,
      %parallel_loop3A_172 = arith.constant 1 : i32
      %parallel_loop3A_173 = arith.index_cast %parallel_loop3A_137 : i32 to index
      %parallel_loop3A_174 = arith.index_cast %parallel_loop3A_172 : i32 to index
      %parallel_loop3A_175 = arith.index_cast %parallel_loop3A_155 : i32 to index
      %parallel_loop3A_176 = tpu.vector_load %arg8[%parallel_loop3A_173, %parallel_loop3A_174, %parallel_loop3A_175] {strides = array<i32>} : memref<8x8x512xf32, #tpu.memory_space<vmem>>, vector<16xf32>,
      tpu.vector_store %arg8[%parallel_loop3A_173, %parallel_loop3A_174, %parallel_loop3A_175], %parallel_loop3A_171 {strides = array<i32>} : memref<8x8x512xf32, #tpu.memory_space<vmem>>, vector<16xf32>,
      %parallel_loop3A_177 = arith.constant 16 : i32
      %parallel_loop3A_178 = vector.broadcast %parallel_loop3A_177 : i32 to vector<16xi32>
      %parallel_loop3A_179 = arith.addi %parallel_loop3A_158, %parallel_loop3A_178 : vector<16xi32>
      %parallel_loop3A_180 = tpu.vector_load_idx %arg5[%parallel_loop3A_179] : memref<64xf32, #tpu.memory_space<vmem>>[vector<16xi32>], vector<16xf32>,
      %parallel_loop3A_181 = arith.constant 2 : i32
      %parallel_loop3A_182 = arith.index_cast %parallel_loop3A_137 : i32 to index
      %parallel_loop3A_183 = arith.index_cast %parallel_loop3A_181 : i32 to index
      %parallel_loop3A_184 = arith.index_cast %parallel_loop3A_155 : i32 to index
      %parallel_loop3A_185 = tpu.vector_load %arg8[%parallel_loop3A_182, %parallel_loop3A_183, %parallel_loop3A_184] {strides = array<i32>} : memref<8x8x512xf32, #tpu.memory_space<vmem>>, vector<16xf32>,
      tpu.vector_store %arg8[%parallel_loop3A_182, %parallel_loop3A_183, %parallel_loop3A_184], %parallel_loop3A_180 {strides = array<i32>} : memref<8x8x512xf32, #tpu.memory_space<vmem>>, vector<16xf32>,
      %parallel_loop3A_186 = arith.constant 24 : i32
      %parallel_loop3A_187 = vector.broadcast %parallel_loop3A_186 : i32 to vector<16xi32>
      %parallel_loop3A_188 = arith.addi %parallel_loop3A_158, %parallel_loop3A_187 : vector<16xi32>
      %parallel_loop3A_189 = tpu.vector_load_idx %arg5[%parallel_loop3A_188] : memref<64xf32, #tpu.memory_space<vmem>>[vector<16xi32>], vector<16xf32>,
      %parallel_loop3A_190 = arith.constant 3 : i32
      %parallel_loop3A_191 = arith.index_cast %parallel_loop3A_137 : i32 to index
      %parallel_loop3A_192 = arith.index_cast %parallel_loop3A_190 : i32 to index
      %parallel_loop3A_193 = arith.index_cast %parallel_loop3A_155 : i32 to index
      %parallel_loop3A_194 = tpu.vector_load %arg8[%parallel_loop3A_191, %parallel_loop3A_192, %parallel_loop3A_193] {strides = array<i32>} : memref<8x8x512xf32, #tpu.memory_space<vmem>>, vector<16xf32>,
      tpu.vector_store %arg8[%parallel_loop3A_191, %parallel_loop3A_192, %parallel_loop3A_193], %parallel_loop3A_189 {strides = array<i32>} : memref<8x8x512xf32, #tpu.memory_space<vmem>>, vector<16xf32>,
      %parallel_loop3A_195 = arith.constant 32 : i32
      %parallel_loop3A_196 = vector.broadcast %parallel_loop3A_195 : i32 to vector<16xi32>
      %parallel_loop3A_197 = arith.addi %parallel_loop3A_158, %parallel_loop3A_196 : vector<16xi32>
      %parallel_loop3A_198 = tpu.vector_load_idx %arg5[%parallel_loop3A_197] : memref<64xf32, #tpu.memory_space<vmem>>[vector<16xi32>], vector<16xf32>,
      %parallel_loop3A_199 = arith.constant 4 : i32
      %parallel_loop3A_200 = arith.index_cast %parallel_loop3A_137 : i32 to index
      %parallel_loop3A_201 = arith.index_cast %parallel_loop3A_199 : i32 to index
      %parallel_loop3A_202 = arith.index_cast %parallel_loop3A_155 : i32 to index
      %parallel_loop3A_203 = tpu.vector_load %arg8[%parallel_loop3A_200, %parallel_loop3A_201, %parallel_loop3A_202] {strides = array<i32>} : memref<8x8x512xf32, #tpu.memory_space<vmem>>, vector<16xf32>,
      tpu.vector_store %arg8[%parallel_loop3A_200, %parallel_loop3A_201, %parallel_loop3A_202], %parallel_loop3A_198 {strides = array<i32>} : memref<8x8x512xf32, #tpu.memory_space<vmem>>, vector<16xf32>,
      %parallel_loop3A_204 = arith.constant 40 : i32
      %parallel_loop3A_205 = vector.broadcast %parallel_loop3A_204 : i32 to vector<16xi32>
      %parallel_loop3A_206 = arith.addi %parallel_loop3A_158, %parallel_loop3A_205 : vector<16xi32>
      %parallel_loop3A_207 = tpu.vector_load_idx %arg5[%parallel_loop3A_206] : memref<64xf32, #tpu.memory_space<vmem>>[vector<16xi32>], vector<16xf32>,
      %parallel_loop3A_208 = arith.constant 5 : i32
      %parallel_loop3A_209 = arith.index_cast %parallel_loop3A_137 : i32 to index
      %parallel_loop3A_210 = arith.index_cast %parallel_loop3A_208 : i32 to index
      %parallel_loop3A_211 = arith.index_cast %parallel_loop3A_155 : i32 to index
      %parallel_loop3A_212 = tpu.vector_load %arg8[%parallel_loop3A_209, %parallel_loop3A_210, %parallel_loop3A_211] {strides = array<i32>} : memref<8x8x512xf32, #tpu.memory_space<vmem>>, vector<16xf32>,
      tpu.vector_store %arg8[%parallel_loop3A_209, %parallel_loop3A_210, %parallel_loop3A_211], %parallel_loop3A_207 {strides = array<i32>} : memref<8x8x512xf32, #tpu.memory_space<vmem>>, vector<16xf32>,
      %parallel_loop3A_213 = arith.constant 48 : i32
      %parallel_loop3A_214 = vector.broadcast %parallel_loop3A_213 : i32 to vector<16xi32>
      %parallel_loop3A_215 = arith.addi %parallel_loop3A_158, %parallel_loop3A_214 : vector<16xi32>
      %parallel_loop3A_216 = tpu.vector_load_idx %arg5[%parallel_loop3A_215] : memref<64xf32, #tpu.memory_space<vmem>>[vector<16xi32>], vector<16xf32>,
      %parallel_loop3A_217 = arith.constant 6 : i32
      %parallel_loop3A_218 = arith.index_cast %parallel_loop3A_137 : i32 to index
      %parallel_loop3A_219 = arith.index_cast %parallel_loop3A_217 : i32 to index
      %parallel_loop3A_220 = arith.index_cast %parallel_loop3A_155 : i32 to index
      %parallel_loop3A_221 = tpu.vector_load %arg8[%parallel_loop3A_218, %parallel_loop3A_219, %parallel_loop3A_220] {strides = array<i32>} : memref<8x8x512xf32, #tpu.memory_space<vmem>>, vector<16xf32>,
      tpu.vector_store %arg8[%parallel_loop3A_218, %parallel_loop3A_219, %parallel_loop3A_220], %parallel_loop3A_216 {strides = array<i32>} : memref<8x8x512xf32, #tpu.memory_space<vmem>>, vector<16xf32>,
      %parallel_loop3A_222 = arith.constant 56 : i32
      %parallel_loop3A_223 = vector.broadcast %parallel_loop3A_222 : i32 to vector<16xi32>
      %parallel_loop3A_224 = arith.addi %parallel_loop3A_158, %parallel_loop3A_223 : vector<16xi32>
      %parallel_loop3A_225 = tpu.vector_load_idx %arg5[%parallel_loop3A_224] : memref<64xf32, #tpu.memory_space<vmem>>[vector<16xi32>], vector<16xf32>,
      %parallel_loop3A_226 = arith.constant 7 : i32
      %parallel_loop3A_227 = arith.index_cast %parallel_loop3A_137 : i32 to index
      %parallel_loop3A_228 = arith.index_cast %parallel_loop3A_226 : i32 to index
      %parallel_loop3A_229 = arith.index_cast %parallel_loop3A_155 : i32 to index
      %parallel_loop3A_230 = tpu.vector_load %arg8[%parallel_loop3A_227, %parallel_loop3A_228, %parallel_loop3A_229] {strides = array<i32>} : memref<8x8x512xf32, #tpu.memory_space<vmem>>, vector<16xf32>,
      tpu.vector_store %arg8[%parallel_loop3A_227, %parallel_loop3A_228, %parallel_loop3A_229], %parallel_loop3A_225 {strides = array<i32>} : memref<8x8x512xf32, #tpu.memory_space<vmem>>, vector<16xf32>,
    } {sc.loop_unroll_factor = 8 : i64, sc.parallel_access}
    %mul3A_20 = arith.constant 0 : i32
    %mul3A_21 = arith.constant 8 : i32
    %mul3A_22 = arith.muli %mul3A_20, %mul3A_21 : i32
    %dma_start3A_23 = arith.constant 0 : i32
    %dma_start3A_24 = tpu.memref_slice %arg4[%mul3A_22, %dma_start3A_23, %mul3A_2] : memref<200x8x16384xf32, #tpu.memory_space<hbm>> -> memref<8x8x512xf32, #tpu.memory_space<hbm>>
    %dma_start3A_25 = arith.constant 0 : i32
    %dma_start3A_26 = tpu.memref_slice %arg4[%mul3A_22, %dma_start3A_25, %mul3A_2] : memref<200x8x16384xf32, #tpu.memory_space<hbm>> -> memref<8x8x512xf32, #tpu.memory_space<hbm>>
    tpu.enqueue_dma source(%arg8 : memref<8x8x512xf32, #tpu.memory_space<vmem>>) target(%dma_start3A_26 : memref<8x8x512xf32, #tpu.memory_space<hbm>>) target_semaphore(%arg12 : memref<!tpu.dma_semaphore, #tpu.memory_space<semaphore_mem>>)
    %add3A_27 = arith.constant 0 : i32
    %add3A_28 = arith.constant 2 : i32
    %add3A_29 = arith.addi %add3A_27, %add3A_28 : i32
    %min3A_30 = arith.constant 24 : i32
    %min3A_31 = arith.minsi %add3A_29, %min3A_30 : i32
    %mul3A_32 = arith.constant 8 : i32
    %mul3A_33 = arith.muli %min3A_31, %mul3A_32 : i32
    %dma_start3A_34 = tpu.memref_slice %arg2[%mul3A_33, %mul3A_2] : memref<200x16384xi32, #tpu.memory_space<hbm>> -> memref<8x512xi32, #tpu.memory_space<hbm>>
    %dma_start3A_35 = tpu.memref_slice %arg2[%mul3A_33, %mul3A_2] : memref<200x16384xi32, #tpu.memory_space<hbm>> -> memref<8x512xi32, #tpu.memory_space<hbm>>
    tpu.enqueue_dma source(%dma_start3A_35 : memref<8x512xi32, #tpu.memory_space<hbm>>) target(%arg6 : memref<8x512xi32, #tpu.memory_space<vmem>>) target_semaphore(%arg10 : memref<!tpu.dma_semaphore, #tpu.memory_space<semaphore_mem>>)
    %dma_wait3A_36 = arith.constant 0 : i32
    %dma_wait3A_37 = tpu.memref_slice %arg2[%dma_wait3A_36, %mul3A_2] : memref<200x16384xi32, #tpu.memory_space<hbm>> -> memref<8x512xi32, #tpu.memory_space<hbm>>
    %dma_wait3A_38 = arith.constant 0 : i32
    %dma_wait3A_39 = tpu.memref_slice %arg2[%dma_wait3A_38, %mul3A_2] : memref<200x16384xi32, #tpu.memory_space<hbm>> -> memref<8x512xi32, #tpu.memory_space<hbm>>
    tpu.wait_dma2 semaphore(%arg11 : memref<!tpu.dma_semaphore, #tpu.memory_space<semaphore_mem>>) src(%dma_wait3A_39 : memref<8x512xi32, #tpu.memory_space<hbm>>) dst(%arg7 : memref<8x512xi32, #tpu.memory_space<vmem>>)
    %parallel_loop3A_40 = arith.constant 0 : i32
    %parallel_loop3A_41 = arith.constant 256 : i32
    %parallel_loop3A_42 = arith.constant 1 : i32
    scf.for %parallel_loop3A_113 = %parallel_loop3A_40 to %parallel_loop3A_41 step %parallel_loop3A_42  : i32 {
      %parallel_loop3A_114 = arith.constant 32 : i32
      %parallel_loop3A_115 = arith.divsi %parallel_loop3A_113, %parallel_loop3A_114 : i32
      %parallel_loop3A_116 = arith.constant 0 : i32
      %parallel_loop3A_117 = arith.cmpi sgt, %parallel_loop3A_113, %parallel_loop3A_116 : i32
      %parallel_loop3A_118 = arith.extui %parallel_loop3A_117 : i1 to i32
      %parallel_loop3A_119 = arith.constant 0 : i32
      %parallel_loop3A_120 = arith.cmpi slt, %parallel_loop3A_113, %parallel_loop3A_119 : i32
      %parallel_loop3A_121 = arith.extui %parallel_loop3A_120 : i1 to i32
      %parallel_loop3A_122 = arith.subi %parallel_loop3A_118, %parallel_loop3A_121 : i32
      %parallel_loop3A_123 = arith.constant 0 : i32
      %parallel_loop3A_124 = arith.cmpi sgt, %parallel_loop3A_114, %parallel_loop3A_123 : i32
      %parallel_loop3A_125 = arith.extui %parallel_loop3A_124 : i1 to i32
      %parallel_loop3A_126 = arith.constant 0 : i32
      %parallel_loop3A_127 = arith.cmpi slt, %parallel_loop3A_114, %parallel_loop3A_126 : i32
      %parallel_loop3A_128 = arith.extui %parallel_loop3A_127 : i1 to i32
      %parallel_loop3A_129 = arith.subi %parallel_loop3A_125, %parallel_loop3A_128 : i32
      %parallel_loop3A_130 = arith.cmpi ne, %parallel_loop3A_122, %parallel_loop3A_129 : i32
      %parallel_loop3A_131 = arith.remsi %parallel_loop3A_113, %parallel_loop3A_114 : i32
      %parallel_loop3A_132 = arith.constant 0 : i32
      %parallel_loop3A_133 = arith.cmpi ne, %parallel_loop3A_131, %parallel_loop3A_132 : i32
      %parallel_loop3A_134 = arith.andi %parallel_loop3A_130, %parallel_loop3A_133 : i1
      %parallel_loop3A_135 = arith.constant 1 : i32
      %parallel_loop3A_136 = arith.subi %parallel_loop3A_115, %parallel_loop3A_135 : i32
      %parallel_loop3A_137 = arith.select %parallel_loop3A_134, %parallel_loop3A_136, %parallel_loop3A_115 : i32
      %parallel_loop3A_138 = arith.constant 32 : i32
      %parallel_loop3A_139 = arith.constant 0 : i32
      %parallel_loop3A_140 = arith.cmpi eq, %parallel_loop3A_138, %parallel_loop3A_139 : i32
      %parallel_loop3A_141 = arith.constant 1 : i32
      %parallel_loop3A_142 = arith.select %parallel_loop3A_140, %parallel_loop3A_141, %parallel_loop3A_138 : i32
      %parallel_loop3A_143 = arith.remsi %parallel_loop3A_113, %parallel_loop3A_142 : i32
      %parallel_loop3A_144 = arith.constant 0 : i32
      %parallel_loop3A_145 = arith.cmpi ne, %parallel_loop3A_143, %parallel_loop3A_144 : i32
      %parallel_loop3A_146 = arith.constant 0 : i32
      %parallel_loop3A_147 = arith.cmpi slt, %parallel_loop3A_143, %parallel_loop3A_146 : i32
      %parallel_loop3A_148 = arith.constant 0 : i32
      %parallel_loop3A_149 = arith.cmpi slt, %parallel_loop3A_142, %parallel_loop3A_148 : i32
      %parallel_loop3A_150 = arith.xori %parallel_loop3A_147, %parallel_loop3A_149 : i1
      %parallel_loop3A_151 = arith.andi %parallel_loop3A_150, %parallel_loop3A_145 : i1
      %parallel_loop3A_152 = arith.addi %parallel_loop3A_143, %parallel_loop3A_142 : i32
      %parallel_loop3A_153 = arith.select %parallel_loop3A_151, %parallel_loop3A_152, %parallel_loop3A_143 : i32
      %parallel_loop3A_154 = arith.constant 16 : i32
      %parallel_loop3A_155 = arith.muli %parallel_loop3A_153, %parallel_loop3A_154 : i32
      %parallel_loop3A_156 = arith.index_cast %parallel_loop3A_137 : i32 to index
      %parallel_loop3A_157 = arith.index_cast %parallel_loop3A_155 : i32 to index
      %parallel_loop3A_158 = tpu.vector_load %arg7[%parallel_loop3A_156, %parallel_loop3A_157] {strides = array<i32>} : memref<8x512xi32, #tpu.memory_space<vmem>>, vector<16xi32>,
      %parallel_loop3A_159 = arith.constant 0 : i32
      %parallel_loop3A_160 = vector.broadcast %parallel_loop3A_159 : i32 to vector<16xi32>
      %parallel_loop3A_161 = arith.addi %parallel_loop3A_158, %parallel_loop3A_160 : vector<16xi32>
      %parallel_loop3A_162 = tpu.vector_load_idx %arg5[%parallel_loop3A_161] : memref<64xf32, #tpu.memory_space<vmem>>[vector<16xi32>], vector<16xf32>,
      %parallel_loop3A_163 = arith.constant 0 : i32
      %parallel_loop3A_164 = arith.index_cast %parallel_loop3A_137 : i32 to index
      %parallel_loop3A_165 = arith.index_cast %parallel_loop3A_163 : i32 to index
      %parallel_loop3A_166 = arith.index_cast %parallel_loop3A_155 : i32 to index
      %parallel_loop3A_167 = tpu.vector_load %arg9[%parallel_loop3A_164, %parallel_loop3A_165, %parallel_loop3A_166] {strides = array<i32>} : memref<8x8x512xf32, #tpu.memory_space<vmem>>, vector<16xf32>,
      tpu.vector_store %arg9[%parallel_loop3A_164, %parallel_loop3A_165, %parallel_loop3A_166], %parallel_loop3A_162 {strides = array<i32>} : memref<8x8x512xf32, #tpu.memory_space<vmem>>, vector<16xf32>,
      %parallel_loop3A_168 = arith.constant 8 : i32
      %parallel_loop3A_169 = vector.broadcast %parallel_loop3A_168 : i32 to vector<16xi32>
      %parallel_loop3A_170 = arith.addi %parallel_loop3A_158, %parallel_loop3A_169 : vector<16xi32>
      %parallel_loop3A_171 = tpu.vector_load_idx %arg5[%parallel_loop3A_170] : memref<64xf32, #tpu.memory_space<vmem>>[vector<16xi32>], vector<16xf32>,
      %parallel_loop3A_172 = arith.constant 1 : i32
      %parallel_loop3A_173 = arith.index_cast %parallel_loop3A_137 : i32 to index
      %parallel_loop3A_174 = arith.index_cast %parallel_loop3A_172 : i32 to index
      %parallel_loop3A_175 = arith.index_cast %parallel_loop3A_155 : i32 to index
      %parallel_loop3A_176 = tpu.vector_load %arg9[%parallel_loop3A_173, %parallel_loop3A_174, %parallel_loop3A_175] {strides = array<i32>} : memref<8x8x512xf32, #tpu.memory_space<vmem>>, vector<16xf32>,
      tpu.vector_store %arg9[%parallel_loop3A_173, %parallel_loop3A_174, %parallel_loop3A_175], %parallel_loop3A_171 {strides = array<i32>} : memref<8x8x512xf32, #tpu.memory_space<vmem>>, vector<16xf32>,
      %parallel_loop3A_177 = arith.constant 16 : i32
      %parallel_loop3A_178 = vector.broadcast %parallel_loop3A_177 : i32 to vector<16xi32>
      %parallel_loop3A_179 = arith.addi %parallel_loop3A_158, %parallel_loop3A_178 : vector<16xi32>
      %parallel_loop3A_180 = tpu.vector_load_idx %arg5[%parallel_loop3A_179] : memref<64xf32, #tpu.memory_space<vmem>>[vector<16xi32>], vector<16xf32>,
      %parallel_loop3A_181 = arith.constant 2 : i32
      %parallel_loop3A_182 = arith.index_cast %parallel_loop3A_137 : i32 to index
      %parallel_loop3A_183 = arith.index_cast %parallel_loop3A_181 : i32 to index
      %parallel_loop3A_184 = arith.index_cast %parallel_loop3A_155 : i32 to index
      %parallel_loop3A_185 = tpu.vector_load %arg9[%parallel_loop3A_182, %parallel_loop3A_183, %parallel_loop3A_184] {strides = array<i32>} : memref<8x8x512xf32, #tpu.memory_space<vmem>>, vector<16xf32>,
      tpu.vector_store %arg9[%parallel_loop3A_182, %parallel_loop3A_183, %parallel_loop3A_184], %parallel_loop3A_180 {strides = array<i32>} : memref<8x8x512xf32, #tpu.memory_space<vmem>>, vector<16xf32>,
      %parallel_loop3A_186 = arith.constant 24 : i32
      %parallel_loop3A_187 = vector.broadcast %parallel_loop3A_186 : i32 to vector<16xi32>
      %parallel_loop3A_188 = arith.addi %parallel_loop3A_158, %parallel_loop3A_187 : vector<16xi32>
      %parallel_loop3A_189 = tpu.vector_load_idx %arg5[%parallel_loop3A_188] : memref<64xf32, #tpu.memory_space<vmem>>[vector<16xi32>], vector<16xf32>,
      %parallel_loop3A_190 = arith.constant 3 : i32
      %parallel_loop3A_191 = arith.index_cast %parallel_loop3A_137 : i32 to index
      %parallel_loop3A_192 = arith.index_cast %parallel_loop3A_190 : i32 to index
      %parallel_loop3A_193 = arith.index_cast %parallel_loop3A_155 : i32 to index
      %parallel_loop3A_194 = tpu.vector_load %arg9[%parallel_loop3A_191, %parallel_loop3A_192, %parallel_loop3A_193] {strides = array<i32>} : memref<8x8x512xf32, #tpu.memory_space<vmem>>, vector<16xf32>,
      tpu.vector_store %arg9[%parallel_loop3A_191, %parallel_loop3A_192, %parallel_loop3A_193], %parallel_loop3A_189 {strides = array<i32>} : memref<8x8x512xf32, #tpu.memory_space<vmem>>, vector<16xf32>,
      %parallel_loop3A_195 = arith.constant 32 : i32
      %parallel_loop3A_196 = vector.broadcast %parallel_loop3A_195 : i32 to vector<16xi32>
      %parallel_loop3A_197 = arith.addi %parallel_loop3A_158, %parallel_loop3A_196 : vector<16xi32>
      %parallel_loop3A_198 = tpu.vector_load_idx %arg5[%parallel_loop3A_197] : memref<64xf32, #tpu.memory_space<vmem>>[vector<16xi32>], vector<16xf32>,
      %parallel_loop3A_199 = arith.constant 4 : i32
      %parallel_loop3A_200 = arith.index_cast %parallel_loop3A_137 : i32 to index
      %parallel_loop3A_201 = arith.index_cast %parallel_loop3A_199 : i32 to index
      %parallel_loop3A_202 = arith.index_cast %parallel_loop3A_155 : i32 to index
      %parallel_loop3A_203 = tpu.vector_load %arg9[%parallel_loop3A_200, %parallel_loop3A_201, %parallel_loop3A_202] {strides = array<i32>} : memref<8x8x512xf32, #tpu.memory_space<vmem>>, vector<16xf32>,
      tpu.vector_store %arg9[%parallel_loop3A_200, %parallel_loop3A_201, %parallel_loop3A_202], %parallel_loop3A_198 {strides = array<i32>} : memref<8x8x512xf32, #tpu.memory_space<vmem>>, vector<16xf32>,
      %parallel_loop3A_204 = arith.constant 40 : i32
      %parallel_loop3A_205 = vector.broadcast %parallel_loop3A_204 : i32 to vector<16xi32>
      %parallel_loop3A_206 = arith.addi %parallel_loop3A_158, %parallel_loop3A_205 : vector<16xi32>
      %parallel_loop3A_207 = tpu.vector_load_idx %arg5[%parallel_loop3A_206] : memref<64xf32, #tpu.memory_space<vmem>>[vector<16xi32>], vector<16xf32>,
      %parallel_loop3A_208 = arith.constant 5 : i32
      %parallel_loop3A_209 = arith.index_cast %parallel_loop3A_137 : i32 to index
      %parallel_loop3A_210 = arith.index_cast %parallel_loop3A_208 : i32 to index
      %parallel_loop3A_211 = arith.index_cast %parallel_loop3A_155 : i32 to index
      %parallel_loop3A_212 = tpu.vector_load %arg9[%parallel_loop3A_209, %parallel_loop3A_210, %parallel_loop3A_211] {strides = array<i32>} : memref<8x8x512xf32, #tpu.memory_space<vmem>>, vector<16xf32>,
      tpu.vector_store %arg9[%parallel_loop3A_209, %parallel_loop3A_210, %parallel_loop3A_211], %parallel_loop3A_207 {strides = array<i32>} : memref<8x8x512xf32, #tpu.memory_space<vmem>>, vector<16xf32>,
      %parallel_loop3A_213 = arith.constant 48 : i32
      %parallel_loop3A_214 = vector.broadcast %parallel_loop3A_213 : i32 to vector<16xi32>
      %parallel_loop3A_215 = arith.addi %parallel_loop3A_158, %parallel_loop3A_214 : vector<16xi32>
      %parallel_loop3A_216 = tpu.vector_load_idx %arg5[%parallel_loop3A_215] : memref<64xf32, #tpu.memory_space<vmem>>[vector<16xi32>], vector<16xf32>,
      %parallel_loop3A_217 = arith.constant 6 : i32
      %parallel_loop3A_218 = arith.index_cast %parallel_loop3A_137 : i32 to index
      %parallel_loop3A_219 = arith.index_cast %parallel_loop3A_217 : i32 to index
      %parallel_loop3A_220 = arith.index_cast %parallel_loop3A_155 : i32 to index
      %parallel_loop3A_221 = tpu.vector_load %arg9[%parallel_loop3A_218, %parallel_loop3A_219, %parallel_loop3A_220] {strides = array<i32>} : memref<8x8x512xf32, #tpu.memory_space<vmem>>, vector<16xf32>,
      tpu.vector_store %arg9[%parallel_loop3A_218, %parallel_loop3A_219, %parallel_loop3A_220], %parallel_loop3A_216 {strides = array<i32>} : memref<8x8x512xf32, #tpu.memory_space<vmem>>, vector<16xf32>,
      %parallel_loop3A_222 = arith.constant 56 : i32
      %parallel_loop3A_223 = vector.broadcast %parallel_loop3A_222 : i32 to vector<16xi32>
      %parallel_loop3A_224 = arith.addi %parallel_loop3A_158, %parallel_loop3A_223 : vector<16xi32>
      %parallel_loop3A_225 = tpu.vector_load_idx %arg5[%parallel_loop3A_224] : memref<64xf32, #tpu.memory_space<vmem>>[vector<16xi32>], vector<16xf32>,
      %parallel_loop3A_226 = arith.constant 7 : i32
      %parallel_loop3A_227 = arith.index_cast %parallel_loop3A_137 : i32 to index
      %parallel_loop3A_228 = arith.index_cast %parallel_loop3A_226 : i32 to index
      %parallel_loop3A_229 = arith.index_cast %parallel_loop3A_155 : i32 to index
      %parallel_loop3A_230 = tpu.vector_load %arg9[%parallel_loop3A_227, %parallel_loop3A_228, %parallel_loop3A_229] {strides = array<i32>} : memref<8x8x512xf32, #tpu.memory_space<vmem>>, vector<16xf32>,
      tpu.vector_store %arg9[%parallel_loop3A_227, %parallel_loop3A_228, %parallel_loop3A_229], %parallel_loop3A_225 {strides = array<i32>} : memref<8x8x512xf32, #tpu.memory_space<vmem>>, vector<16xf32>,
    } {sc.loop_unroll_factor = 8 : i64, sc.parallel_access}
    %mul3A_43 = arith.constant 1 : i32
    %mul3A_44 = arith.constant 8 : i32
    %mul3A_45 = arith.muli %mul3A_43, %mul3A_44 : i32
    %dma_start3A_46 = arith.constant 0 : i32
    %dma_start3A_47 = tpu.memref_slice %arg4[%mul3A_45, %dma_start3A_46, %mul3A_2] : memref<200x8x16384xf32, #tpu.memory_space<hbm>> -> memref<8x8x512xf32, #tpu.memory_space<hbm>>
    %dma_start3A_48 = arith.constant 0 : i32
    %dma_start3A_49 = tpu.memref_slice %arg4[%mul3A_45, %dma_start3A_48, %mul3A_2] : memref<200x8x16384xf32, #tpu.memory_space<hbm>> -> memref<8x8x512xf32, #tpu.memory_space<hbm>>
    tpu.enqueue_dma source(%arg9 : memref<8x8x512xf32, #tpu.memory_space<vmem>>) target(%dma_start3A_49 : memref<8x8x512xf32, #tpu.memory_space<hbm>>) target_semaphore(%arg13 : memref<!tpu.dma_semaphore, #tpu.memory_space<semaphore_mem>>)
    %add3A_50 = arith.constant 1 : i32
    %add3A_51 = arith.constant 2 : i32
    %add3A_52 = arith.addi %add3A_50, %add3A_51 : i32
    %min3A_53 = arith.constant 24 : i32
    %min3A_54 = arith.minsi %add3A_52, %min3A_53 : i32
    %mul3A_55 = arith.constant 8 : i32
    %mul3A_56 = arith.muli %min3A_54, %mul3A_55 : i32
    %dma_start3A_57 = tpu.memref_slice %arg2[%mul3A_56, %mul3A_2] : memref<200x16384xi32, #tpu.memory_space<hbm>> -> memref<8x512xi32, #tpu.memory_space<hbm>>
    %dma_start3A_58 = tpu.memref_slice %arg2[%mul3A_56, %mul3A_2] : memref<200x16384xi32, #tpu.memory_space<hbm>> -> memref<8x512xi32, #tpu.memory_space<hbm>>
    tpu.enqueue_dma source(%dma_start3A_58 : memref<8x512xi32, #tpu.memory_space<hbm>>) target(%arg7 : memref<8x512xi32, #tpu.memory_space<vmem>>) target_semaphore(%arg11 : memref<!tpu.dma_semaphore, #tpu.memory_space<semaphore_mem>>)
    %scan3A = arith.constant 0 : i32
    %scan3A_59 = arith.constant 1 : i32
    %scan3A_60 = arith.constant 11 : i32
    %scan3A_61 = arith.addi %scan3A_59, %scan3A_60 : i32
    %scan3A_62 = arith.constant 1 : i32
    scf.for %scan3A_113 = %scan3A_59 to %scan3A_61 step %scan3A_62  : i32 {
      %dma_wait3A_114 = arith.constant 0 : i32
      %dma_wait3A_115 = arith.constant 0 : i32
      %dma_wait3A_116 = tpu.memref_slice %arg4[%dma_wait3A_114, %dma_wait3A_115, %mul3A_2] : memref<200x8x16384xf32, #tpu.memory_space<hbm>> -> memref<8x8x512xf32, #tpu.memory_space<hbm>>
      %dma_wait3A_117 = arith.constant 0 : i32
      %dma_wait3A_118 = arith.constant 0 : i32
      %dma_wait3A_119 = tpu.memref_slice %arg4[%dma_wait3A_117, %dma_wait3A_118, %mul3A_2] : memref<200x8x16384xf32, #tpu.memory_space<hbm>> -> memref<8x8x512xf32, #tpu.memory_space<hbm>>
      tpu.wait_dma2 semaphore(%arg12 : memref<!tpu.dma_semaphore, #tpu.memory_space<semaphore_mem>>) src(%arg8 : memref<8x8x512xf32, #tpu.memory_space<vmem>>) dst(%dma_wait3A_119 : memref<8x8x512xf32, #tpu.memory_space<hbm>>)
      %mul3A_120 = arith.constant 2 : i32
      %mul3A_121 = arith.muli %mul3A_120, %scan3A_113 : i32
      %dma_wait3A_122 = arith.constant 0 : i32
      %dma_wait3A_123 = tpu.memref_slice %arg2[%dma_wait3A_122, %mul3A_2] : memref<200x16384xi32, #tpu.memory_space<hbm>> -> memref<8x512xi32, #tpu.memory_space<hbm>>
      %dma_wait3A_124 = arith.constant 0 : i32
      %dma_wait3A_125 = tpu.memref_slice %arg2[%dma_wait3A_124, %mul3A_2] : memref<200x16384xi32, #tpu.memory_space<hbm>> -> memref<8x512xi32, #tpu.memory_space<hbm>>
      tpu.wait_dma2 semaphore(%arg10 : memref<!tpu.dma_semaphore, #tpu.memory_space<semaphore_mem>>) src(%dma_wait3A_125 : memref<8x512xi32, #tpu.memory_space<hbm>>) dst(%arg6 : memref<8x512xi32, #tpu.memory_space<vmem>>)
      %parallel_loop3A_126 = arith.constant 0 : i32
      %parallel_loop3A_127 = arith.constant 256 : i32
      %parallel_loop3A_128 = arith.constant 1 : i32
      scf.for %parallel_loop3A_174 = %parallel_loop3A_126 to %parallel_loop3A_127 step %parallel_loop3A_128  : i32 {
        %parallel_loop3A_175 = arith.constant 32 : i32
        %parallel_loop3A_176 = arith.divsi %parallel_loop3A_174, %parallel_loop3A_175 : i32
        %parallel_loop3A_177 = arith.constant 0 : i32
        %parallel_loop3A_178 = arith.cmpi sgt, %parallel_loop3A_174, %parallel_loop3A_177 : i32
        %parallel_loop3A_179 = arith.extui %parallel_loop3A_178 : i1 to i32
        %parallel_loop3A_180 = arith.constant 0 : i32
        %parallel_loop3A_181 = arith.cmpi slt, %parallel_loop3A_174, %parallel_loop3A_180 : i32
        %parallel_loop3A_182 = arith.extui %parallel_loop3A_181 : i1 to i32
        %parallel_loop3A_183 = arith.subi %parallel_loop3A_179, %parallel_loop3A_182 : i32
        %parallel_loop3A_184 = arith.constant 0 : i32
        %parallel_loop3A_185 = arith.cmpi sgt, %parallel_loop3A_175, %parallel_loop3A_184 : i32
        %parallel_loop3A_186 = arith.extui %parallel_loop3A_185 : i1 to i32
        %parallel_loop3A_187 = arith.constant 0 : i32
        %parallel_loop3A_188 = arith.cmpi slt, %parallel_loop3A_175, %parallel_loop3A_187 : i32
        %parallel_loop3A_189 = arith.extui %parallel_loop3A_188 : i1 to i32
        %parallel_loop3A_190 = arith.subi %parallel_loop3A_186, %parallel_loop3A_189 : i32
        %parallel_loop3A_191 = arith.cmpi ne, %parallel_loop3A_183, %parallel_loop3A_190 : i32
        %parallel_loop3A_192 = arith.remsi %parallel_loop3A_174, %parallel_loop3A_175 : i32
        %parallel_loop3A_193 = arith.constant 0 : i32
        %parallel_loop3A_194 = arith.cmpi ne, %parallel_loop3A_192, %parallel_loop3A_193 : i32
        %parallel_loop3A_195 = arith.andi %parallel_loop3A_191, %parallel_loop3A_194 : i1
        %parallel_loop3A_196 = arith.constant 1 : i32
        %parallel_loop3A_197 = arith.subi %parallel_loop3A_176, %parallel_loop3A_196 : i32
        %parallel_loop3A_198 = arith.select %parallel_loop3A_195, %parallel_loop3A_197, %parallel_loop3A_176 : i32
        %parallel_loop3A_199 = arith.constant 32 : i32
        %parallel_loop3A_200 = arith.constant 0 : i32
        %parallel_loop3A_201 = arith.cmpi eq, %parallel_loop3A_199, %parallel_loop3A_200 : i32
        %parallel_loop3A_202 = arith.constant 1 : i32
        %parallel_loop3A_203 = arith.select %parallel_loop3A_201, %parallel_loop3A_202, %parallel_loop3A_199 : i32
        %parallel_loop3A_204 = arith.remsi %parallel_loop3A_174, %parallel_loop3A_203 : i32
        %parallel_loop3A_205 = arith.constant 0 : i32
        %parallel_loop3A_206 = arith.cmpi ne, %parallel_loop3A_204, %parallel_loop3A_205 : i32
        %parallel_loop3A_207 = arith.constant 0 : i32
        %parallel_loop3A_208 = arith.cmpi slt, %parallel_loop3A_204, %parallel_loop3A_207 : i32
        %parallel_loop3A_209 = arith.constant 0 : i32
        %parallel_loop3A_210 = arith.cmpi slt, %parallel_loop3A_203, %parallel_loop3A_209 : i32
        %parallel_loop3A_211 = arith.xori %parallel_loop3A_208, %parallel_loop3A_210 : i1
        %parallel_loop3A_212 = arith.andi %parallel_loop3A_211, %parallel_loop3A_206 : i1
        %parallel_loop3A_213 = arith.addi %parallel_loop3A_204, %parallel_loop3A_203 : i32
        %parallel_loop3A_214 = arith.select %parallel_loop3A_212, %parallel_loop3A_213, %parallel_loop3A_204 : i32
        %parallel_loop3A_215 = arith.constant 16 : i32
        %parallel_loop3A_216 = arith.muli %parallel_loop3A_214, %parallel_loop3A_215 : i32
        %parallel_loop3A_217 = arith.index_cast %parallel_loop3A_198 : i32 to index
        %parallel_loop3A_218 = arith.index_cast %parallel_loop3A_216 : i32 to index
        %parallel_loop3A_219 = tpu.vector_load %arg6[%parallel_loop3A_217, %parallel_loop3A_218] {strides = array<i32>} : memref<8x512xi32, #tpu.memory_space<vmem>>, vector<16xi32>,
        %parallel_loop3A_220 = arith.constant 0 : i32
        %parallel_loop3A_221 = vector.broadcast %parallel_loop3A_220 : i32 to vector<16xi32>
        %parallel_loop3A_222 = arith.addi %parallel_loop3A_219, %parallel_loop3A_221 : vector<16xi32>
        %parallel_loop3A_223 = tpu.vector_load_idx %arg5[%parallel_loop3A_222] : memref<64xf32, #tpu.memory_space<vmem>>[vector<16xi32>], vector<16xf32>,
        %parallel_loop3A_224 = arith.constant 0 : i32
        %parallel_loop3A_225 = arith.index_cast %parallel_loop3A_198 : i32 to index
        %parallel_loop3A_226 = arith.index_cast %parallel_loop3A_224 : i32 to index
        %parallel_loop3A_227 = arith.index_cast %parallel_loop3A_216 : i32 to index
        %parallel_loop3A_228 = tpu.vector_load %arg8[%parallel_loop3A_225, %parallel_loop3A_226, %parallel_loop3A_227] {strides = array<i32>} : memref<8x8x512xf32, #tpu.memory_space<vmem>>, vector<16xf32>,
        tpu.vector_store %arg8[%parallel_loop3A_225, %parallel_loop3A_226, %parallel_loop3A_227], %parallel_loop3A_223 {strides = array<i32>} : memref<8x8x512xf32, #tpu.memory_space<vmem>>, vector<16xf32>,
        %parallel_loop3A_229 = arith.constant 8 : i32
        %parallel_loop3A_230 = vector.broadcast %parallel_loop3A_229 : i32 to vector<16xi32>
        %parallel_loop3A_231 = arith.addi %parallel_loop3A_219, %parallel_loop3A_230 : vector<16xi32>
        %parallel_loop3A_232 = tpu.vector_load_idx %arg5[%parallel_loop3A_231] : memref<64xf32, #tpu.memory_space<vmem>>[vector<16xi32>], vector<16xf32>,
        %parallel_loop3A_233 = arith.constant 1 : i32
        %parallel_loop3A_234 = arith.index_cast %parallel_loop3A_198 : i32 to index
        %parallel_loop3A_235 = arith.index_cast %parallel_loop3A_233 : i32 to index
        %parallel_loop3A_236 = arith.index_cast %parallel_loop3A_216 : i32 to index
        %parallel_loop3A_237 = tpu.vector_load %arg8[%parallel_loop3A_234, %parallel_loop3A_235, %parallel_loop3A_236] {strides = array<i32>} : memref<8x8x512xf32, #tpu.memory_space<vmem>>, vector<16xf32>,
        tpu.vector_store %arg8[%parallel_loop3A_234, %parallel_loop3A_235, %parallel_loop3A_236], %parallel_loop3A_232 {strides = array<i32>} : memref<8x8x512xf32, #tpu.memory_space<vmem>>, vector<16xf32>,
        %parallel_loop3A_238 = arith.constant 16 : i32
        %parallel_loop3A_239 = vector.broadcast %parallel_loop3A_238 : i32 to vector<16xi32>
        %parallel_loop3A_240 = arith.addi %parallel_loop3A_219, %parallel_loop3A_239 : vector<16xi32>
        %parallel_loop3A_241 = tpu.vector_load_idx %arg5[%parallel_loop3A_240] : memref<64xf32, #tpu.memory_space<vmem>>[vector<16xi32>], vector<16xf32>,
        %parallel_loop3A_242 = arith.constant 2 : i32
        %parallel_loop3A_243 = arith.index_cast %parallel_loop3A_198 : i32 to index
        %parallel_loop3A_244 = arith.index_cast %parallel_loop3A_242 : i32 to index
        %parallel_loop3A_245 = arith.index_cast %parallel_loop3A_216 : i32 to index
        %parallel_loop3A_246 = tpu.vector_load %arg8[%parallel_loop3A_243, %parallel_loop3A_244, %parallel_loop3A_245] {strides = array<i32>} : memref<8x8x512xf32, #tpu.memory_space<vmem>>, vector<16xf32>,
        tpu.vector_store %arg8[%parallel_loop3A_243, %parallel_loop3A_244, %parallel_loop3A_245], %parallel_loop3A_241 {strides = array<i32>} : memref<8x8x512xf32, #tpu.memory_space<vmem>>, vector<16xf32>,
        %parallel_loop3A_247 = arith.constant 24 : i32
        %parallel_loop3A_248 = vector.broadcast %parallel_loop3A_247 : i32 to vector<16xi32>
        %parallel_loop3A_249 = arith.addi %parallel_loop3A_219, %parallel_loop3A_248 : vector<16xi32>
        %parallel_loop3A_250 = tpu.vector_load_idx %arg5[%parallel_loop3A_249] : memref<64xf32, #tpu.memory_space<vmem>>[vector<16xi32>], vector<16xf32>,
        %parallel_loop3A_251 = arith.constant 3 : i32
        %parallel_loop3A_252 = arith.index_cast %parallel_loop3A_198 : i32 to index
        %parallel_loop3A_253 = arith.index_cast %parallel_loop3A_251 : i32 to index
        %parallel_loop3A_254 = arith.index_cast %parallel_loop3A_216 : i32 to index
        %parallel_loop3A_255 = tpu.vector_load %arg8[%parallel_loop3A_252, %parallel_loop3A_253, %parallel_loop3A_254] {strides = array<i32>} : memref<8x8x512xf32, #tpu.memory_space<vmem>>, vector<16xf32>,
        tpu.vector_store %arg8[%parallel_loop3A_252, %parallel_loop3A_253, %parallel_loop3A_254], %parallel_loop3A_250 {strides = array<i32>} : memref<8x8x512xf32, #tpu.memory_space<vmem>>, vector<16xf32>,
        %parallel_loop3A_256 = arith.constant 32 : i32
        %parallel_loop3A_257 = vector.broadcast %parallel_loop3A_256 : i32 to vector<16xi32>
        %parallel_loop3A_258 = arith.addi %parallel_loop3A_219, %parallel_loop3A_257 : vector<16xi32>
        %parallel_loop3A_259 = tpu.vector_load_idx %arg5[%parallel_loop3A_258] : memref<64xf32, #tpu.memory_space<vmem>>[vector<16xi32>], vector<16xf32>,
        %parallel_loop3A_260 = arith.constant 4 : i32
        %parallel_loop3A_261 = arith.index_cast %parallel_loop3A_198 : i32 to index
        %parallel_loop3A_262 = arith.index_cast %parallel_loop3A_260 : i32 to index
        %parallel_loop3A_263 = arith.index_cast %parallel_loop3A_216 : i32 to index
        %parallel_loop3A_264 = tpu.vector_load %arg8[%parallel_loop3A_261, %parallel_loop3A_262, %parallel_loop3A_263] {strides = array<i32>} : memref<8x8x512xf32, #tpu.memory_space<vmem>>, vector<16xf32>,
        tpu.vector_store %arg8[%parallel_loop3A_261, %parallel_loop3A_262, %parallel_loop3A_263], %parallel_loop3A_259 {strides = array<i32>} : memref<8x8x512xf32, #tpu.memory_space<vmem>>, vector<16xf32>,
        %parallel_loop3A_265 = arith.constant 40 : i32
        %parallel_loop3A_266 = vector.broadcast %parallel_loop3A_265 : i32 to vector<16xi32>
        %parallel_loop3A_267 = arith.addi %parallel_loop3A_219, %parallel_loop3A_266 : vector<16xi32>
        %parallel_loop3A_268 = tpu.vector_load_idx %arg5[%parallel_loop3A_267] : memref<64xf32, #tpu.memory_space<vmem>>[vector<16xi32>], vector<16xf32>,
        %parallel_loop3A_269 = arith.constant 5 : i32
        %parallel_loop3A_270 = arith.index_cast %parallel_loop3A_198 : i32 to index
        %parallel_loop3A_271 = arith.index_cast %parallel_loop3A_269 : i32 to index
        %parallel_loop3A_272 = arith.index_cast %parallel_loop3A_216 : i32 to index
        %parallel_loop3A_273 = tpu.vector_load %arg8[%parallel_loop3A_270, %parallel_loop3A_271, %parallel_loop3A_272] {strides = array<i32>} : memref<8x8x512xf32, #tpu.memory_space<vmem>>, vector<16xf32>,
        tpu.vector_store %arg8[%parallel_loop3A_270, %parallel_loop3A_271, %parallel_loop3A_272], %parallel_loop3A_268 {strides = array<i32>} : memref<8x8x512xf32, #tpu.memory_space<vmem>>, vector<16xf32>,
        %parallel_loop3A_274 = arith.constant 48 : i32
        %parallel_loop3A_275 = vector.broadcast %parallel_loop3A_274 : i32 to vector<16xi32>
        %parallel_loop3A_276 = arith.addi %parallel_loop3A_219, %parallel_loop3A_275 : vector<16xi32>
        %parallel_loop3A_277 = tpu.vector_load_idx %arg5[%parallel_loop3A_276] : memref<64xf32, #tpu.memory_space<vmem>>[vector<16xi32>], vector<16xf32>,
        %parallel_loop3A_278 = arith.constant 6 : i32
        %parallel_loop3A_279 = arith.index_cast %parallel_loop3A_198 : i32 to index
        %parallel_loop3A_280 = arith.index_cast %parallel_loop3A_278 : i32 to index
        %parallel_loop3A_281 = arith.index_cast %parallel_loop3A_216 : i32 to index
        %parallel_loop3A_282 = tpu.vector_load %arg8[%parallel_loop3A_279, %parallel_loop3A_280, %parallel_loop3A_281] {strides = array<i32>} : memref<8x8x512xf32, #tpu.memory_space<vmem>>, vector<16xf32>,
        tpu.vector_store %arg8[%parallel_loop3A_279, %parallel_loop3A_280, %parallel_loop3A_281], %parallel_loop3A_277 {strides = array<i32>} : memref<8x8x512xf32, #tpu.memory_space<vmem>>, vector<16xf32>,
        %parallel_loop3A_283 = arith.constant 56 : i32
        %parallel_loop3A_284 = vector.broadcast %parallel_loop3A_283 : i32 to vector<16xi32>
        %parallel_loop3A_285 = arith.addi %parallel_loop3A_219, %parallel_loop3A_284 : vector<16xi32>
        %parallel_loop3A_286 = tpu.vector_load_idx %arg5[%parallel_loop3A_285] : memref<64xf32, #tpu.memory_space<vmem>>[vector<16xi32>], vector<16xf32>,
        %parallel_loop3A_287 = arith.constant 7 : i32
        %parallel_loop3A_288 = arith.index_cast %parallel_loop3A_198 : i32 to index
        %parallel_loop3A_289 = arith.index_cast %parallel_loop3A_287 : i32 to index
        %parallel_loop3A_290 = arith.index_cast %parallel_loop3A_216 : i32 to index
        %parallel_loop3A_291 = tpu.vector_load %arg8[%parallel_loop3A_288, %parallel_loop3A_289, %parallel_loop3A_290] {strides = array<i32>} : memref<8x8x512xf32, #tpu.memory_space<vmem>>, vector<16xf32>,
        tpu.vector_store %arg8[%parallel_loop3A_288, %parallel_loop3A_289, %parallel_loop3A_290], %parallel_loop3A_286 {strides = array<i32>} : memref<8x8x512xf32, #tpu.memory_space<vmem>>, vector<16xf32>,
      } {sc.loop_unroll_factor = 8 : i64, sc.parallel_access}
      %mul3A_129 = arith.constant 8 : i32
      %mul3A_130 = arith.muli %mul3A_121, %mul3A_129 : i32
      %dma_start3A_131 = arith.constant 0 : i32
      %dma_start3A_132 = tpu.memref_slice %arg4[%mul3A_130, %dma_start3A_131, %mul3A_2] : memref<200x8x16384xf32, #tpu.memory_space<hbm>> -> memref<8x8x512xf32, #tpu.memory_space<hbm>>
      %dma_start3A_133 = arith.constant 0 : i32
      %dma_start3A_134 = tpu.memref_slice %arg4[%mul3A_130, %dma_start3A_133, %mul3A_2] : memref<200x8x16384xf32, #tpu.memory_space<hbm>> -> memref<8x8x512xf32, #tpu.memory_space<hbm>>
      tpu.enqueue_dma source(%arg8 : memref<8x8x512xf32, #tpu.memory_space<vmem>>) target(%dma_start3A_134 : memref<8x8x512xf32, #tpu.memory_space<hbm>>) target_semaphore(%arg12 : memref<!tpu.dma_semaphore, #tpu.memory_space<semaphore_mem>>)
      %add3A_135 = arith.constant 2 : i32
      %add3A_136 = arith.addi %mul3A_121, %add3A_135 : i32
      %min3A_137 = arith.constant 24 : i32
      %min3A_138 = arith.minsi %add3A_136, %min3A_137 : i32
      %mul3A_139 = arith.constant 8 : i32
      %mul3A_140 = arith.muli %min3A_138, %mul3A_139 : i32
      %dma_start3A_141 = tpu.memref_slice %arg2[%mul3A_140, %mul3A_2] : memref<200x16384xi32, #tpu.memory_space<hbm>> -> memref<8x512xi32, #tpu.memory_space<hbm>>
      %dma_start3A_142 = tpu.memref_slice %arg2[%mul3A_140, %mul3A_2] : memref<200x16384xi32, #tpu.memory_space<hbm>> -> memref<8x512xi32, #tpu.memory_space<hbm>>
      tpu.enqueue_dma source(%dma_start3A_142 : memref<8x512xi32, #tpu.memory_space<hbm>>) target(%arg6 : memref<8x512xi32, #tpu.memory_space<vmem>>) target_semaphore(%arg10 : memref<!tpu.dma_semaphore, #tpu.memory_space<semaphore_mem>>)
      %dma_wait3A_143 = arith.constant 0 : i32
      %dma_wait3A_144 = arith.constant 0 : i32
      %dma_wait3A_145 = tpu.memref_slice %arg4[%dma_wait3A_143, %dma_wait3A_144, %mul3A_2] : memref<200x8x16384xf32, #tpu.memory_space<hbm>> -> memref<8x8x512xf32, #tpu.memory_space<hbm>>
      %dma_wait3A_146 = arith.constant 0 : i32
      %dma_wait3A_147 = arith.constant 0 : i32
      %dma_wait3A_148 = tpu.memref_slice %arg4[%dma_wait3A_146, %dma_wait3A_147, %mul3A_2] : memref<200x8x16384xf32, #tpu.memory_space<hbm>> -> memref<8x8x512xf32, #tpu.memory_space<hbm>>
      tpu.wait_dma2 semaphore(%arg13 : memref<!tpu.dma_semaphore, #tpu.memory_space<semaphore_mem>>) src(%arg9 : memref<8x8x512xf32, #tpu.memory_space<vmem>>) dst(%dma_wait3A_148 : memref<8x8x512xf32, #tpu.memory_space<hbm>>)
      %mul3A_149 = arith.constant 2 : i32
      %mul3A_150 = arith.muli %mul3A_149, %scan3A_113 : i32
      %add3A_151 = arith.constant 1 : i32
      %add3A_152 = arith.addi %mul3A_150, %add3A_151 : i32
      %dma_wait3A_153 = arith.constant 0 : i32
      %dma_wait3A_154 = tpu.memref_slice %arg2[%dma_wait3A_153, %mul3A_2] : memref<200x16384xi32, #tpu.memory_space<hbm>> -> memref<8x512xi32, #tpu.memory_space<hbm>>
      %dma_wait3A_155 = arith.constant 0 : i32
      %dma_wait3A_156 = tpu.memref_slice %arg2[%dma_wait3A_155, %mul3A_2] : memref<200x16384xi32, #tpu.memory_space<hbm>> -> memref<8x512xi32, #tpu.memory_space<hbm>>
      tpu.wait_dma2 semaphore(%arg11 : memref<!tpu.dma_semaphore, #tpu.memory_space<semaphore_mem>>) src(%dma_wait3A_156 : memref<8x512xi32, #tpu.memory_space<hbm>>) dst(%arg7 : memref<8x512xi32, #tpu.memory_space<vmem>>)
      %parallel_loop3A_157 = arith.constant 0 : i32
      %parallel_loop3A_158 = arith.constant 256 : i32
      %parallel_loop3A_159 = arith.constant 1 : i32
      scf.for %parallel_loop3A_174 = %parallel_loop3A_157 to %parallel_loop3A_158 step %parallel_loop3A_159  : i32 {
        %parallel_loop3A_175 = arith.constant 32 : i32
        %parallel_loop3A_176 = arith.divsi %parallel_loop3A_174, %parallel_loop3A_175 : i32
        %parallel_loop3A_177 = arith.constant 0 : i32
        %parallel_loop3A_178 = arith.cmpi sgt, %parallel_loop3A_174, %parallel_loop3A_177 : i32
        %parallel_loop3A_179 = arith.extui %parallel_loop3A_178 : i1 to i32
        %parallel_loop3A_180 = arith.constant 0 : i32
        %parallel_loop3A_181 = arith.cmpi slt, %parallel_loop3A_174, %parallel_loop3A_180 : i32
        %parallel_loop3A_182 = arith.extui %parallel_loop3A_181 : i1 to i32
        %parallel_loop3A_183 = arith.subi %parallel_loop3A_179, %parallel_loop3A_182 : i32
        %parallel_loop3A_184 = arith.constant 0 : i32
        %parallel_loop3A_185 = arith.cmpi sgt, %parallel_loop3A_175, %parallel_loop3A_184 : i32
        %parallel_loop3A_186 = arith.extui %parallel_loop3A_185 : i1 to i32
        %parallel_loop3A_187 = arith.constant 0 : i32
        %parallel_loop3A_188 = arith.cmpi slt, %parallel_loop3A_175, %parallel_loop3A_187 : i32
        %parallel_loop3A_189 = arith.extui %parallel_loop3A_188 : i1 to i32
        %parallel_loop3A_190 = arith.subi %parallel_loop3A_186, %parallel_loop3A_189 : i32
        %parallel_loop3A_191 = arith.cmpi ne, %parallel_loop3A_183, %parallel_loop3A_190 : i32
        %parallel_loop3A_192 = arith.remsi %parallel_loop3A_174, %parallel_loop3A_175 : i32
        %parallel_loop3A_193 = arith.constant 0 : i32
        %parallel_loop3A_194 = arith.cmpi ne, %parallel_loop3A_192, %parallel_loop3A_193 : i32
        %parallel_loop3A_195 = arith.andi %parallel_loop3A_191, %parallel_loop3A_194 : i1
        %parallel_loop3A_196 = arith.constant 1 : i32
        %parallel_loop3A_197 = arith.subi %parallel_loop3A_176, %parallel_loop3A_196 : i32
        %parallel_loop3A_198 = arith.select %parallel_loop3A_195, %parallel_loop3A_197, %parallel_loop3A_176 : i32
        %parallel_loop3A_199 = arith.constant 32 : i32
        %parallel_loop3A_200 = arith.constant 0 : i32
        %parallel_loop3A_201 = arith.cmpi eq, %parallel_loop3A_199, %parallel_loop3A_200 : i32
        %parallel_loop3A_202 = arith.constant 1 : i32
        %parallel_loop3A_203 = arith.select %parallel_loop3A_201, %parallel_loop3A_202, %parallel_loop3A_199 : i32
        %parallel_loop3A_204 = arith.remsi %parallel_loop3A_174, %parallel_loop3A_203 : i32
        %parallel_loop3A_205 = arith.constant 0 : i32
        %parallel_loop3A_206 = arith.cmpi ne, %parallel_loop3A_204, %parallel_loop3A_205 : i32
        %parallel_loop3A_207 = arith.constant 0 : i32
        %parallel_loop3A_208 = arith.cmpi slt, %parallel_loop3A_204, %parallel_loop3A_207 : i32
        %parallel_loop3A_209 = arith.constant 0 : i32
        %parallel_loop3A_210 = arith.cmpi slt, %parallel_loop3A_203, %parallel_loop3A_209 : i32
        %parallel_loop3A_211 = arith.xori %parallel_loop3A_208, %parallel_loop3A_210 : i1
        %parallel_loop3A_212 = arith.andi %parallel_loop3A_211, %parallel_loop3A_206 : i1
        %parallel_loop3A_213 = arith.addi %parallel_loop3A_204, %parallel_loop3A_203 : i32
        %parallel_loop3A_214 = arith.select %parallel_loop3A_212, %parallel_loop3A_213, %parallel_loop3A_204 : i32
        %parallel_loop3A_215 = arith.constant 16 : i32
        %parallel_loop3A_216 = arith.muli %parallel_loop3A_214, %parallel_loop3A_215 : i32
        %parallel_loop3A_217 = arith.index_cast %parallel_loop3A_198 : i32 to index
        %parallel_loop3A_218 = arith.index_cast %parallel_loop3A_216 : i32 to index
        %parallel_loop3A_219 = tpu.vector_load %arg7[%parallel_loop3A_217, %parallel_loop3A_218] {strides = array<i32>} : memref<8x512xi32, #tpu.memory_space<vmem>>, vector<16xi32>,
        %parallel_loop3A_220 = arith.constant 0 : i32
        %parallel_loop3A_221 = vector.broadcast %parallel_loop3A_220 : i32 to vector<16xi32>
        %parallel_loop3A_222 = arith.addi %parallel_loop3A_219, %parallel_loop3A_221 : vector<16xi32>
        %parallel_loop3A_223 = tpu.vector_load_idx %arg5[%parallel_loop3A_222] : memref<64xf32, #tpu.memory_space<vmem>>[vector<16xi32>], vector<16xf32>,
        %parallel_loop3A_224 = arith.constant 0 : i32
        %parallel_loop3A_225 = arith.index_cast %parallel_loop3A_198 : i32 to index
        %parallel_loop3A_226 = arith.index_cast %parallel_loop3A_224 : i32 to index
        %parallel_loop3A_227 = arith.index_cast %parallel_loop3A_216 : i32 to index
        %parallel_loop3A_228 = tpu.vector_load %arg9[%parallel_loop3A_225, %parallel_loop3A_226, %parallel_loop3A_227] {strides = array<i32>} : memref<8x8x512xf32, #tpu.memory_space<vmem>>, vector<16xf32>,
        tpu.vector_store %arg9[%parallel_loop3A_225, %parallel_loop3A_226, %parallel_loop3A_227], %parallel_loop3A_223 {strides = array<i32>} : memref<8x8x512xf32, #tpu.memory_space<vmem>>, vector<16xf32>,
        %parallel_loop3A_229 = arith.constant 8 : i32
        %parallel_loop3A_230 = vector.broadcast %parallel_loop3A_229 : i32 to vector<16xi32>
        %parallel_loop3A_231 = arith.addi %parallel_loop3A_219, %parallel_loop3A_230 : vector<16xi32>
        %parallel_loop3A_232 = tpu.vector_load_idx %arg5[%parallel_loop3A_231] : memref<64xf32, #tpu.memory_space<vmem>>[vector<16xi32>], vector<16xf32>,
        %parallel_loop3A_233 = arith.constant 1 : i32
        %parallel_loop3A_234 = arith.index_cast %parallel_loop3A_198 : i32 to index
        %parallel_loop3A_235 = arith.index_cast %parallel_loop3A_233 : i32 to index
        %parallel_loop3A_236 = arith.index_cast %parallel_loop3A_216 : i32 to index
        %parallel_loop3A_237 = tpu.vector_load %arg9[%parallel_loop3A_234, %parallel_loop3A_235, %parallel_loop3A_236] {strides = array<i32>} : memref<8x8x512xf32, #tpu.memory_space<vmem>>, vector<16xf32>,
        tpu.vector_store %arg9[%parallel_loop3A_234, %parallel_loop3A_235, %parallel_loop3A_236], %parallel_loop3A_232 {strides = array<i32>} : memref<8x8x512xf32, #tpu.memory_space<vmem>>, vector<16xf32>,
        %parallel_loop3A_238 = arith.constant 16 : i32
        %parallel_loop3A_239 = vector.broadcast %parallel_loop3A_238 : i32 to vector<16xi32>
        %parallel_loop3A_240 = arith.addi %parallel_loop3A_219, %parallel_loop3A_239 : vector<16xi32>
        %parallel_loop3A_241 = tpu.vector_load_idx %arg5[%parallel_loop3A_240] : memref<64xf32, #tpu.memory_space<vmem>>[vector<16xi32>], vector<16xf32>,
        %parallel_loop3A_242 = arith.constant 2 : i32
        %parallel_loop3A_243 = arith.index_cast %parallel_loop3A_198 : i32 to index
        %parallel_loop3A_244 = arith.index_cast %parallel_loop3A_242 : i32 to index
        %parallel_loop3A_245 = arith.index_cast %parallel_loop3A_216 : i32 to index
        %parallel_loop3A_246 = tpu.vector_load %arg9[%parallel_loop3A_243, %parallel_loop3A_244, %parallel_loop3A_245] {strides = array<i32>} : memref<8x8x512xf32, #tpu.memory_space<vmem>>, vector<16xf32>,
        tpu.vector_store %arg9[%parallel_loop3A_243, %parallel_loop3A_244, %parallel_loop3A_245], %parallel_loop3A_241 {strides = array<i32>} : memref<8x8x512xf32, #tpu.memory_space<vmem>>, vector<16xf32>,
        %parallel_loop3A_247 = arith.constant 24 : i32
        %parallel_loop3A_248 = vector.broadcast %parallel_loop3A_247 : i32 to vector<16xi32>
        %parallel_loop3A_249 = arith.addi %parallel_loop3A_219, %parallel_loop3A_248 : vector<16xi32>
        %parallel_loop3A_250 = tpu.vector_load_idx %arg5[%parallel_loop3A_249] : memref<64xf32, #tpu.memory_space<vmem>>[vector<16xi32>], vector<16xf32>,
        %parallel_loop3A_251 = arith.constant 3 : i32
        %parallel_loop3A_252 = arith.index_cast %parallel_loop3A_198 : i32 to index
        %parallel_loop3A_253 = arith.index_cast %parallel_loop3A_251 : i32 to index
        %parallel_loop3A_254 = arith.index_cast %parallel_loop3A_216 : i32 to index
        %parallel_loop3A_255 = tpu.vector_load %arg9[%parallel_loop3A_252, %parallel_loop3A_253, %parallel_loop3A_254] {strides = array<i32>} : memref<8x8x512xf32, #tpu.memory_space<vmem>>, vector<16xf32>,
        tpu.vector_store %arg9[%parallel_loop3A_252, %parallel_loop3A_253, %parallel_loop3A_254], %parallel_loop3A_250 {strides = array<i32>} : memref<8x8x512xf32, #tpu.memory_space<vmem>>, vector<16xf32>,
        %parallel_loop3A_256 = arith.constant 32 : i32
        %parallel_loop3A_257 = vector.broadcast %parallel_loop3A_256 : i32 to vector<16xi32>
        %parallel_loop3A_258 = arith.addi %parallel_loop3A_219, %parallel_loop3A_257 : vector<16xi32>
        %parallel_loop3A_259 = tpu.vector_load_idx %arg5[%parallel_loop3A_258] : memref<64xf32, #tpu.memory_space<vmem>>[vector<16xi32>], vector<16xf32>,
        %parallel_loop3A_260 = arith.constant 4 : i32
        %parallel_loop3A_261 = arith.index_cast %parallel_loop3A_198 : i32 to index
        %parallel_loop3A_262 = arith.index_cast %parallel_loop3A_260 : i32 to index
        %parallel_loop3A_263 = arith.index_cast %parallel_loop3A_216 : i32 to index
        %parallel_loop3A_264 = tpu.vector_load %arg9[%parallel_loop3A_261, %parallel_loop3A_262, %parallel_loop3A_263] {strides = array<i32>} : memref<8x8x512xf32, #tpu.memory_space<vmem>>, vector<16xf32>,
        tpu.vector_store %arg9[%parallel_loop3A_261, %parallel_loop3A_262, %parallel_loop3A_263], %parallel_loop3A_259 {strides = array<i32>} : memref<8x8x512xf32, #tpu.memory_space<vmem>>, vector<16xf32>,
        %parallel_loop3A_265 = arith.constant 40 : i32
        %parallel_loop3A_266 = vector.broadcast %parallel_loop3A_265 : i32 to vector<16xi32>
        %parallel_loop3A_267 = arith.addi %parallel_loop3A_219, %parallel_loop3A_266 : vector<16xi32>
        %parallel_loop3A_268 = tpu.vector_load_idx %arg5[%parallel_loop3A_267] : memref<64xf32, #tpu.memory_space<vmem>>[vector<16xi32>], vector<16xf32>,
        %parallel_loop3A_269 = arith.constant 5 : i32
        %parallel_loop3A_270 = arith.index_cast %parallel_loop3A_198 : i32 to index
        %parallel_loop3A_271 = arith.index_cast %parallel_loop3A_269 : i32 to index
        %parallel_loop3A_272 = arith.index_cast %parallel_loop3A_216 : i32 to index
        %parallel_loop3A_273 = tpu.vector_load %arg9[%parallel_loop3A_270, %parallel_loop3A_271, %parallel_loop3A_272] {strides = array<i32>} : memref<8x8x512xf32, #tpu.memory_space<vmem>>, vector<16xf32>,
        tpu.vector_store %arg9[%parallel_loop3A_270, %parallel_loop3A_271, %parallel_loop3A_272], %parallel_loop3A_268 {strides = array<i32>} : memref<8x8x512xf32, #tpu.memory_space<vmem>>, vector<16xf32>,
        %parallel_loop3A_274 = arith.constant 48 : i32
        %parallel_loop3A_275 = vector.broadcast %parallel_loop3A_274 : i32 to vector<16xi32>
        %parallel_loop3A_276 = arith.addi %parallel_loop3A_219, %parallel_loop3A_275 : vector<16xi32>
        %parallel_loop3A_277 = tpu.vector_load_idx %arg5[%parallel_loop3A_276] : memref<64xf32, #tpu.memory_space<vmem>>[vector<16xi32>], vector<16xf32>,
        %parallel_loop3A_278 = arith.constant 6 : i32
        %parallel_loop3A_279 = arith.index_cast %parallel_loop3A_198 : i32 to index
        %parallel_loop3A_280 = arith.index_cast %parallel_loop3A_278 : i32 to index
        %parallel_loop3A_281 = arith.index_cast %parallel_loop3A_216 : i32 to index
        %parallel_loop3A_282 = tpu.vector_load %arg9[%parallel_loop3A_279, %parallel_loop3A_280, %parallel_loop3A_281] {strides = array<i32>} : memref<8x8x512xf32, #tpu.memory_space<vmem>>, vector<16xf32>,
        tpu.vector_store %arg9[%parallel_loop3A_279, %parallel_loop3A_280, %parallel_loop3A_281], %parallel_loop3A_277 {strides = array<i32>} : memref<8x8x512xf32, #tpu.memory_space<vmem>>, vector<16xf32>,
        %parallel_loop3A_283 = arith.constant 56 : i32
        %parallel_loop3A_284 = vector.broadcast %parallel_loop3A_283 : i32 to vector<16xi32>
        %parallel_loop3A_285 = arith.addi %parallel_loop3A_219, %parallel_loop3A_284 : vector<16xi32>
        %parallel_loop3A_286 = tpu.vector_load_idx %arg5[%parallel_loop3A_285] : memref<64xf32, #tpu.memory_space<vmem>>[vector<16xi32>], vector<16xf32>,
        %parallel_loop3A_287 = arith.constant 7 : i32
        %parallel_loop3A_288 = arith.index_cast %parallel_loop3A_198 : i32 to index
        %parallel_loop3A_289 = arith.index_cast %parallel_loop3A_287 : i32 to index
        %parallel_loop3A_290 = arith.index_cast %parallel_loop3A_216 : i32 to index
        %parallel_loop3A_291 = tpu.vector_load %arg9[%parallel_loop3A_288, %parallel_loop3A_289, %parallel_loop3A_290] {strides = array<i32>} : memref<8x8x512xf32, #tpu.memory_space<vmem>>, vector<16xf32>,
        tpu.vector_store %arg9[%parallel_loop3A_288, %parallel_loop3A_289, %parallel_loop3A_290], %parallel_loop3A_286 {strides = array<i32>} : memref<8x8x512xf32, #tpu.memory_space<vmem>>, vector<16xf32>,
      } {sc.loop_unroll_factor = 8 : i64, sc.parallel_access}
      %mul3A_160 = arith.constant 8 : i32
      %mul3A_161 = arith.muli %add3A_152, %mul3A_160 : i32
      %dma_start3A_162 = arith.constant 0 : i32
      %dma_start3A_163 = tpu.memref_slice %arg4[%mul3A_161, %dma_start3A_162, %mul3A_2] : memref<200x8x16384xf32, #tpu.memory_space<hbm>> -> memref<8x8x512xf32, #tpu.memory_space<hbm>>
      %dma_start3A_164 = arith.constant 0 : i32
      %dma_start3A_165 = tpu.memref_slice %arg4[%mul3A_161, %dma_start3A_164, %mul3A_2] : memref<200x8x16384xf32, #tpu.memory_space<hbm>> -> memref<8x8x512xf32, #tpu.memory_space<hbm>>
      tpu.enqueue_dma source(%arg9 : memref<8x8x512xf32, #tpu.memory_space<vmem>>) target(%dma_start3A_165 : memref<8x8x512xf32, #tpu.memory_space<hbm>>) target_semaphore(%arg13 : memref<!tpu.dma_semaphore, #tpu.memory_space<semaphore_mem>>)
      %add3A_166 = arith.constant 2 : i32
      %add3A_167 = arith.addi %add3A_152, %add3A_166 : i32
      %min3A_168 = arith.constant 24 : i32
      %min3A_169 = arith.minsi %add3A_167, %min3A_168 : i32
      %mul3A_170 = arith.constant 8 : i32
      %mul3A_171 = arith.muli %min3A_169, %mul3A_170 : i32
      %dma_start3A_172 = tpu.memref_slice %arg2[%mul3A_171, %mul3A_2] : memref<200x16384xi32, #tpu.memory_space<hbm>> -> memref<8x512xi32, #tpu.memory_space<hbm>>
      %dma_start3A_173 = tpu.memref_slice %arg2[%mul3A_171, %mul3A_2] : memref<200x16384xi32, #tpu.memory_space<hbm>> -> memref<8x512xi32, #tpu.memory_space<hbm>>
      tpu.enqueue_dma source(%dma_start3A_173 : memref<8x512xi32, #tpu.memory_space<hbm>>) target(%arg7 : memref<8x512xi32, #tpu.memory_space<vmem>>) target_semaphore(%arg11 : memref<!tpu.dma_semaphore, #tpu.memory_space<semaphore_mem>>)
    }
    %scan3A_63 = arith.constant 11 : i32
    %dma_wait3A_64 = arith.constant 0 : i32
    %dma_wait3A_65 = arith.constant 0 : i32
    %dma_wait3A_66 = tpu.memref_slice %arg4[%dma_wait3A_64, %dma_wait3A_65, %mul3A_2] : memref<200x8x16384xf32, #tpu.memory_space<hbm>> -> memref<8x8x512xf32, #tpu.memory_space<hbm>>
    %dma_wait3A_67 = arith.constant 0 : i32
    %dma_wait3A_68 = arith.constant 0 : i32
    %dma_wait3A_69 = tpu.memref_slice %arg4[%dma_wait3A_67, %dma_wait3A_68, %mul3A_2] : memref<200x8x16384xf32, #tpu.memory_space<hbm>> -> memref<8x8x512xf32, #tpu.memory_space<hbm>>
    tpu.wait_dma2 semaphore(%arg12 : memref<!tpu.dma_semaphore, #tpu.memory_space<semaphore_mem>>) src(%arg8 : memref<8x8x512xf32, #tpu.memory_space<vmem>>) dst(%dma_wait3A_69 : memref<8x8x512xf32, #tpu.memory_space<hbm>>)
    %dma_wait3A_70 = arith.constant 0 : i32
    %dma_wait3A_71 = tpu.memref_slice %arg2[%dma_wait3A_70, %mul3A_2] : memref<200x16384xi32, #tpu.memory_space<hbm>> -> memref<8x512xi32, #tpu.memory_space<hbm>>
    %dma_wait3A_72 = arith.constant 0 : i32
    %dma_wait3A_73 = tpu.memref_slice %arg2[%dma_wait3A_72, %mul3A_2] : memref<200x16384xi32, #tpu.memory_space<hbm>> -> memref<8x512xi32, #tpu.memory_space<hbm>>
    tpu.wait_dma2 semaphore(%arg10 : memref<!tpu.dma_semaphore, #tpu.memory_space<semaphore_mem>>) src(%dma_wait3A_73 : memref<8x512xi32, #tpu.memory_space<hbm>>) dst(%arg6 : memref<8x512xi32, #tpu.memory_space<vmem>>)
    %parallel_loop3A_74 = arith.constant 0 : i32
    %parallel_loop3A_75 = arith.constant 256 : i32
    %parallel_loop3A_76 = arith.constant 1 : i32
    scf.for %parallel_loop3A_113 = %parallel_loop3A_74 to %parallel_loop3A_75 step %parallel_loop3A_76  : i32 {
      %parallel_loop3A_114 = arith.constant 32 : i32
      %parallel_loop3A_115 = arith.divsi %parallel_loop3A_113, %parallel_loop3A_114 : i32
      %parallel_loop3A_116 = arith.constant 0 : i32
      %parallel_loop3A_117 = arith.cmpi sgt, %parallel_loop3A_113, %parallel_loop3A_116 : i32
      %parallel_loop3A_118 = arith.extui %parallel_loop3A_117 : i1 to i32
      %parallel_loop3A_119 = arith.constant 0 : i32
      %parallel_loop3A_120 = arith.cmpi slt, %parallel_loop3A_113, %parallel_loop3A_119 : i32
      %parallel_loop3A_121 = arith.extui %parallel_loop3A_120 : i1 to i32
      %parallel_loop3A_122 = arith.subi %parallel_loop3A_118, %parallel_loop3A_121 : i32
      %parallel_loop3A_123 = arith.constant 0 : i32
      %parallel_loop3A_124 = arith.cmpi sgt, %parallel_loop3A_114, %parallel_loop3A_123 : i32
      %parallel_loop3A_125 = arith.extui %parallel_loop3A_124 : i1 to i32
      %parallel_loop3A_126 = arith.constant 0 : i32
      %parallel_loop3A_127 = arith.cmpi slt, %parallel_loop3A_114, %parallel_loop3A_126 : i32
      %parallel_loop3A_128 = arith.extui %parallel_loop3A_127 : i1 to i32
      %parallel_loop3A_129 = arith.subi %parallel_loop3A_125, %parallel_loop3A_128 : i32
      %parallel_loop3A_130 = arith.cmpi ne, %parallel_loop3A_122, %parallel_loop3A_129 : i32
      %parallel_loop3A_131 = arith.remsi %parallel_loop3A_113, %parallel_loop3A_114 : i32
      %parallel_loop3A_132 = arith.constant 0 : i32
      %parallel_loop3A_133 = arith.cmpi ne, %parallel_loop3A_131, %parallel_loop3A_132 : i32
      %parallel_loop3A_134 = arith.andi %parallel_loop3A_130, %parallel_loop3A_133 : i1
      %parallel_loop3A_135 = arith.constant 1 : i32
      %parallel_loop3A_136 = arith.subi %parallel_loop3A_115, %parallel_loop3A_135 : i32
      %parallel_loop3A_137 = arith.select %parallel_loop3A_134, %parallel_loop3A_136, %parallel_loop3A_115 : i32
      %parallel_loop3A_138 = arith.constant 32 : i32
      %parallel_loop3A_139 = arith.constant 0 : i32
      %parallel_loop3A_140 = arith.cmpi eq, %parallel_loop3A_138, %parallel_loop3A_139 : i32
      %parallel_loop3A_141 = arith.constant 1 : i32
      %parallel_loop3A_142 = arith.select %parallel_loop3A_140, %parallel_loop3A_141, %parallel_loop3A_138 : i32
      %parallel_loop3A_143 = arith.remsi %parallel_loop3A_113, %parallel_loop3A_142 : i32
      %parallel_loop3A_144 = arith.constant 0 : i32
      %parallel_loop3A_145 = arith.cmpi ne, %parallel_loop3A_143, %parallel_loop3A_144 : i32
      %parallel_loop3A_146 = arith.constant 0 : i32
      %parallel_loop3A_147 = arith.cmpi slt, %parallel_loop3A_143, %parallel_loop3A_146 : i32
      %parallel_loop3A_148 = arith.constant 0 : i32
      %parallel_loop3A_149 = arith.cmpi slt, %parallel_loop3A_142, %parallel_loop3A_148 : i32
      %parallel_loop3A_150 = arith.xori %parallel_loop3A_147, %parallel_loop3A_149 : i1
      %parallel_loop3A_151 = arith.andi %parallel_loop3A_150, %parallel_loop3A_145 : i1
      %parallel_loop3A_152 = arith.addi %parallel_loop3A_143, %parallel_loop3A_142 : i32
      %parallel_loop3A_153 = arith.select %parallel_loop3A_151, %parallel_loop3A_152, %parallel_loop3A_143 : i32
      %parallel_loop3A_154 = arith.constant 16 : i32
      %parallel_loop3A_155 = arith.muli %parallel_loop3A_153, %parallel_loop3A_154 : i32
      %parallel_loop3A_156 = arith.index_cast %parallel_loop3A_137 : i32 to index
      %parallel_loop3A_157 = arith.index_cast %parallel_loop3A_155 : i32 to index
      %parallel_loop3A_158 = tpu.vector_load %arg6[%parallel_loop3A_156, %parallel_loop3A_157] {strides = array<i32>} : memref<8x512xi32, #tpu.memory_space<vmem>>, vector<16xi32>,
      %parallel_loop3A_159 = arith.constant 0 : i32
      %parallel_loop3A_160 = vector.broadcast %parallel_loop3A_159 : i32 to vector<16xi32>
      %parallel_loop3A_161 = arith.addi %parallel_loop3A_158, %parallel_loop3A_160 : vector<16xi32>
      %parallel_loop3A_162 = tpu.vector_load_idx %arg5[%parallel_loop3A_161] : memref<64xf32, #tpu.memory_space<vmem>>[vector<16xi32>], vector<16xf32>,
      %parallel_loop3A_163 = arith.constant 0 : i32
      %parallel_loop3A_164 = arith.index_cast %parallel_loop3A_137 : i32 to index
      %parallel_loop3A_165 = arith.index_cast %parallel_loop3A_163 : i32 to index
      %parallel_loop3A_166 = arith.index_cast %parallel_loop3A_155 : i32 to index
      %parallel_loop3A_167 = tpu.vector_load %arg8[%parallel_loop3A_164, %parallel_loop3A_165, %parallel_loop3A_166] {strides = array<i32>} : memref<8x8x512xf32, #tpu.memory_space<vmem>>, vector<16xf32>,
      tpu.vector_store %arg8[%parallel_loop3A_164, %parallel_loop3A_165, %parallel_loop3A_166], %parallel_loop3A_162 {strides = array<i32>} : memref<8x8x512xf32, #tpu.memory_space<vmem>>, vector<16xf32>,
      %parallel_loop3A_168 = arith.constant 8 : i32
      %parallel_loop3A_169 = vector.broadcast %parallel_loop3A_168 : i32 to vector<16xi32>
      %parallel_loop3A_170 = arith.addi %parallel_loop3A_158, %parallel_loop3A_169 : vector<16xi32>
      %parallel_loop3A_171 = tpu.vector_load_idx %arg5[%parallel_loop3A_170] : memref<64xf32, #tpu.memory_space<vmem>>[vector<16xi32>], vector<16xf32>,
      %parallel_loop3A_172 = arith.constant 1 : i32
      %parallel_loop3A_173 = arith.index_cast %parallel_loop3A_137 : i32 to index
      %parallel_loop3A_174 = arith.index_cast %parallel_loop3A_172 : i32 to index
      %parallel_loop3A_175 = arith.index_cast %parallel_loop3A_155 : i32 to index
      %parallel_loop3A_176 = tpu.vector_load %arg8[%parallel_loop3A_173, %parallel_loop3A_174, %parallel_loop3A_175] {strides = array<i32>} : memref<8x8x512xf32, #tpu.memory_space<vmem>>, vector<16xf32>,
      tpu.vector_store %arg8[%parallel_loop3A_173, %parallel_loop3A_174, %parallel_loop3A_175], %parallel_loop3A_171 {strides = array<i32>} : memref<8x8x512xf32, #tpu.memory_space<vmem>>, vector<16xf32>,
      %parallel_loop3A_177 = arith.constant 16 : i32
      %parallel_loop3A_178 = vector.broadcast %parallel_loop3A_177 : i32 to vector<16xi32>
      %parallel_loop3A_179 = arith.addi %parallel_loop3A_158, %parallel_loop3A_178 : vector<16xi32>
      %parallel_loop3A_180 = tpu.vector_load_idx %arg5[%parallel_loop3A_179] : memref<64xf32, #tpu.memory_space<vmem>>[vector<16xi32>], vector<16xf32>,
      %parallel_loop3A_181 = arith.constant 2 : i32
      %parallel_loop3A_182 = arith.index_cast %parallel_loop3A_137 : i32 to index
      %parallel_loop3A_183 = arith.index_cast %parallel_loop3A_181 : i32 to index
      %parallel_loop3A_184 = arith.index_cast %parallel_loop3A_155 : i32 to index
      %parallel_loop3A_185 = tpu.vector_load %arg8[%parallel_loop3A_182, %parallel_loop3A_183, %parallel_loop3A_184] {strides = array<i32>} : memref<8x8x512xf32, #tpu.memory_space<vmem>>, vector<16xf32>,
      tpu.vector_store %arg8[%parallel_loop3A_182, %parallel_loop3A_183, %parallel_loop3A_184], %parallel_loop3A_180 {strides = array<i32>} : memref<8x8x512xf32, #tpu.memory_space<vmem>>, vector<16xf32>,
      %parallel_loop3A_186 = arith.constant 24 : i32
      %parallel_loop3A_187 = vector.broadcast %parallel_loop3A_186 : i32 to vector<16xi32>
      %parallel_loop3A_188 = arith.addi %parallel_loop3A_158, %parallel_loop3A_187 : vector<16xi32>
      %parallel_loop3A_189 = tpu.vector_load_idx %arg5[%parallel_loop3A_188] : memref<64xf32, #tpu.memory_space<vmem>>[vector<16xi32>], vector<16xf32>,
      %parallel_loop3A_190 = arith.constant 3 : i32
      %parallel_loop3A_191 = arith.index_cast %parallel_loop3A_137 : i32 to index
      %parallel_loop3A_192 = arith.index_cast %parallel_loop3A_190 : i32 to index
      %parallel_loop3A_193 = arith.index_cast %parallel_loop3A_155 : i32 to index
      %parallel_loop3A_194 = tpu.vector_load %arg8[%parallel_loop3A_191, %parallel_loop3A_192, %parallel_loop3A_193] {strides = array<i32>} : memref<8x8x512xf32, #tpu.memory_space<vmem>>, vector<16xf32>,
      tpu.vector_store %arg8[%parallel_loop3A_191, %parallel_loop3A_192, %parallel_loop3A_193], %parallel_loop3A_189 {strides = array<i32>} : memref<8x8x512xf32, #tpu.memory_space<vmem>>, vector<16xf32>,
      %parallel_loop3A_195 = arith.constant 32 : i32
      %parallel_loop3A_196 = vector.broadcast %parallel_loop3A_195 : i32 to vector<16xi32>
      %parallel_loop3A_197 = arith.addi %parallel_loop3A_158, %parallel_loop3A_196 : vector<16xi32>
      %parallel_loop3A_198 = tpu.vector_load_idx %arg5[%parallel_loop3A_197] : memref<64xf32, #tpu.memory_space<vmem>>[vector<16xi32>], vector<16xf32>,
      %parallel_loop3A_199 = arith.constant 4 : i32
      %parallel_loop3A_200 = arith.index_cast %parallel_loop3A_137 : i32 to index
      %parallel_loop3A_201 = arith.index_cast %parallel_loop3A_199 : i32 to index
      %parallel_loop3A_202 = arith.index_cast %parallel_loop3A_155 : i32 to index
      %parallel_loop3A_203 = tpu.vector_load %arg8[%parallel_loop3A_200, %parallel_loop3A_201, %parallel_loop3A_202] {strides = array<i32>} : memref<8x8x512xf32, #tpu.memory_space<vmem>>, vector<16xf32>,
      tpu.vector_store %arg8[%parallel_loop3A_200, %parallel_loop3A_201, %parallel_loop3A_202], %parallel_loop3A_198 {strides = array<i32>} : memref<8x8x512xf32, #tpu.memory_space<vmem>>, vector<16xf32>,
      %parallel_loop3A_204 = arith.constant 40 : i32
      %parallel_loop3A_205 = vector.broadcast %parallel_loop3A_204 : i32 to vector<16xi32>
      %parallel_loop3A_206 = arith.addi %parallel_loop3A_158, %parallel_loop3A_205 : vector<16xi32>
      %parallel_loop3A_207 = tpu.vector_load_idx %arg5[%parallel_loop3A_206] : memref<64xf32, #tpu.memory_space<vmem>>[vector<16xi32>], vector<16xf32>,
      %parallel_loop3A_208 = arith.constant 5 : i32
      %parallel_loop3A_209 = arith.index_cast %parallel_loop3A_137 : i32 to index
      %parallel_loop3A_210 = arith.index_cast %parallel_loop3A_208 : i32 to index
      %parallel_loop3A_211 = arith.index_cast %parallel_loop3A_155 : i32 to index
      %parallel_loop3A_212 = tpu.vector_load %arg8[%parallel_loop3A_209, %parallel_loop3A_210, %parallel_loop3A_211] {strides = array<i32>} : memref<8x8x512xf32, #tpu.memory_space<vmem>>, vector<16xf32>,
      tpu.vector_store %arg8[%parallel_loop3A_209, %parallel_loop3A_210, %parallel_loop3A_211], %parallel_loop3A_207 {strides = array<i32>} : memref<8x8x512xf32, #tpu.memory_space<vmem>>, vector<16xf32>,
      %parallel_loop3A_213 = arith.constant 48 : i32
      %parallel_loop3A_214 = vector.broadcast %parallel_loop3A_213 : i32 to vector<16xi32>
      %parallel_loop3A_215 = arith.addi %parallel_loop3A_158, %parallel_loop3A_214 : vector<16xi32>
      %parallel_loop3A_216 = tpu.vector_load_idx %arg5[%parallel_loop3A_215] : memref<64xf32, #tpu.memory_space<vmem>>[vector<16xi32>], vector<16xf32>,
      %parallel_loop3A_217 = arith.constant 6 : i32
      %parallel_loop3A_218 = arith.index_cast %parallel_loop3A_137 : i32 to index
      %parallel_loop3A_219 = arith.index_cast %parallel_loop3A_217 : i32 to index
      %parallel_loop3A_220 = arith.index_cast %parallel_loop3A_155 : i32 to index
      %parallel_loop3A_221 = tpu.vector_load %arg8[%parallel_loop3A_218, %parallel_loop3A_219, %parallel_loop3A_220] {strides = array<i32>} : memref<8x8x512xf32, #tpu.memory_space<vmem>>, vector<16xf32>,
      tpu.vector_store %arg8[%parallel_loop3A_218, %parallel_loop3A_219, %parallel_loop3A_220], %parallel_loop3A_216 {strides = array<i32>} : memref<8x8x512xf32, #tpu.memory_space<vmem>>, vector<16xf32>,
      %parallel_loop3A_222 = arith.constant 56 : i32
      %parallel_loop3A_223 = vector.broadcast %parallel_loop3A_222 : i32 to vector<16xi32>
      %parallel_loop3A_224 = arith.addi %parallel_loop3A_158, %parallel_loop3A_223 : vector<16xi32>
      %parallel_loop3A_225 = tpu.vector_load_idx %arg5[%parallel_loop3A_224] : memref<64xf32, #tpu.memory_space<vmem>>[vector<16xi32>], vector<16xf32>,
      %parallel_loop3A_226 = arith.constant 7 : i32
      %parallel_loop3A_227 = arith.index_cast %parallel_loop3A_137 : i32 to index
      %parallel_loop3A_228 = arith.index_cast %parallel_loop3A_226 : i32 to index
      %parallel_loop3A_229 = arith.index_cast %parallel_loop3A_155 : i32 to index
      %parallel_loop3A_230 = tpu.vector_load %arg8[%parallel_loop3A_227, %parallel_loop3A_228, %parallel_loop3A_229] {strides = array<i32>} : memref<8x8x512xf32, #tpu.memory_space<vmem>>, vector<16xf32>,
      tpu.vector_store %arg8[%parallel_loop3A_227, %parallel_loop3A_228, %parallel_loop3A_229], %parallel_loop3A_225 {strides = array<i32>} : memref<8x8x512xf32, #tpu.memory_space<vmem>>, vector<16xf32>,
    } {sc.loop_unroll_factor = 8 : i64, sc.parallel_access}
    %mul3A_77 = arith.constant 24 : i32
    %mul3A_78 = arith.constant 8 : i32
    %mul3A_79 = arith.muli %mul3A_77, %mul3A_78 : i32
    %dma_start3A_80 = arith.constant 0 : i32
    %dma_start3A_81 = tpu.memref_slice %arg4[%mul3A_79, %dma_start3A_80, %mul3A_2] : memref<200x8x16384xf32, #tpu.memory_space<hbm>> -> memref<8x8x512xf32, #tpu.memory_space<hbm>>
    %dma_start3A_82 = arith.constant 0 : i32
    %dma_start3A_83 = tpu.memref_slice %arg4[%mul3A_79, %dma_start3A_82, %mul3A_2] : memref<200x8x16384xf32, #tpu.memory_space<hbm>> -> memref<8x8x512xf32, #tpu.memory_space<hbm>>
    tpu.enqueue_dma source(%arg8 : memref<8x8x512xf32, #tpu.memory_space<vmem>>) target(%dma_start3A_83 : memref<8x8x512xf32, #tpu.memory_space<hbm>>) target_semaphore(%arg12 : memref<!tpu.dma_semaphore, #tpu.memory_space<semaphore_mem>>)
    %add3A_84 = arith.constant 24 : i32
    %add3A_85 = arith.constant 2 : i32
    %add3A_86 = arith.addi %add3A_84, %add3A_85 : i32
    %min3A_87 = arith.constant 24 : i32
    %min3A_88 = arith.minsi %add3A_86, %min3A_87 : i32
    %mul3A_89 = arith.constant 8 : i32
    %mul3A_90 = arith.muli %min3A_88, %mul3A_89 : i32
    %dma_start3A_91 = tpu.memref_slice %arg2[%mul3A_90, %mul3A_2] : memref<200x16384xi32, #tpu.memory_space<hbm>> -> memref<8x512xi32, #tpu.memory_space<hbm>>
    %dma_start3A_92 = tpu.memref_slice %arg2[%mul3A_90, %mul3A_2] : memref<200x16384xi32, #tpu.memory_space<hbm>> -> memref<8x512xi32, #tpu.memory_space<hbm>>
    tpu.enqueue_dma source(%dma_start3A_92 : memref<8x512xi32, #tpu.memory_space<hbm>>) target(%arg6 : memref<8x512xi32, #tpu.memory_space<vmem>>) target_semaphore(%arg10 : memref<!tpu.dma_semaphore, #tpu.memory_space<semaphore_mem>>)
    %dma_wait3A_93 = arith.constant 0 : i32
    %dma_wait3A_94 = arith.constant 0 : i32
    %dma_wait3A_95 = tpu.memref_slice %arg4[%dma_wait3A_93, %dma_wait3A_94, %mul3A_2] : memref<200x8x16384xf32, #tpu.memory_space<hbm>> -> memref<8x8x512xf32, #tpu.memory_space<hbm>>
    %dma_wait3A_96 = arith.constant 0 : i32
    %dma_wait3A_97 = arith.constant 0 : i32
    %dma_wait3A_98 = tpu.memref_slice %arg4[%dma_wait3A_96, %dma_wait3A_97, %mul3A_2] : memref<200x8x16384xf32, #tpu.memory_space<hbm>> -> memref<8x8x512xf32, #tpu.memory_space<hbm>>
    tpu.wait_dma2 semaphore(%arg12 : memref<!tpu.dma_semaphore, #tpu.memory_space<semaphore_mem>>) src(%arg8 : memref<8x8x512xf32, #tpu.memory_space<vmem>>) dst(%dma_wait3A_98 : memref<8x8x512xf32, #tpu.memory_space<hbm>>)
    %dma_wait3A_99 = arith.constant 0 : i32
    %dma_wait3A_100 = arith.constant 0 : i32
    %dma_wait3A_101 = tpu.memref_slice %arg4[%dma_wait3A_99, %dma_wait3A_100, %mul3A_2] : memref<200x8x16384xf32, #tpu.memory_space<hbm>> -> memref<8x8x512xf32, #tpu.memory_space<hbm>>
    %dma_wait3A_102 = arith.constant 0 : i32
    %dma_wait3A_103 = arith.constant 0 : i32
    %dma_wait3A_104 = tpu.memref_slice %arg4[%dma_wait3A_102, %dma_wait3A_103, %mul3A_2] : memref<200x8x16384xf32, #tpu.memory_space<hbm>> -> memref<8x8x512xf32, #tpu.memory_space<hbm>>
    tpu.wait_dma2 semaphore(%arg13 : memref<!tpu.dma_semaphore, #tpu.memory_space<semaphore_mem>>) src(%arg9 : memref<8x8x512xf32, #tpu.memory_space<vmem>>) dst(%dma_wait3A_104 : memref<8x8x512xf32, #tpu.memory_space<hbm>>)
    %dma_wait3A_105 = arith.constant 0 : i32
    %dma_wait3A_106 = tpu.memref_slice %arg2[%dma_wait3A_105, %mul3A_2] : memref<200x16384xi32, #tpu.memory_space<hbm>> -> memref<8x512xi32, #tpu.memory_space<hbm>>
    %dma_wait3A_107 = arith.constant 0 : i32
    %dma_wait3A_108 = tpu.memref_slice %arg2[%dma_wait3A_107, %mul3A_2] : memref<200x16384xi32, #tpu.memory_space<hbm>> -> memref<8x512xi32, #tpu.memory_space<hbm>>
    tpu.wait_dma2 semaphore(%arg10 : memref<!tpu.dma_semaphore, #tpu.memory_space<semaphore_mem>>) src(%dma_wait3A_108 : memref<8x512xi32, #tpu.memory_space<hbm>>) dst(%arg6 : memref<8x512xi32, #tpu.memory_space<vmem>>)
    %dma_wait3A_109 = arith.constant 0 : i32
    %dma_wait3A_110 = tpu.memref_slice %arg2[%dma_wait3A_109, %mul3A_2] : memref<200x16384xi32, #tpu.memory_space<hbm>> -> memref<8x512xi32, #tpu.memory_space<hbm>>
    %dma_wait3A_111 = arith.constant 0 : i32
    %dma_wait3A_112 = tpu.memref_slice %arg2[%dma_wait3A_111, %mul3A_2] : memref<200x16384xi32, #tpu.memory_space<hbm>> -> memref<8x512xi32, #tpu.memory_space<hbm>>
    tpu.wait_dma2 semaphore(%arg11 : memref<!tpu.dma_semaphore, #tpu.memory_space<semaphore_mem>>) src(%dma_wait3A_112 : memref<8x512xi32, #tpu.memory_space<hbm>>) dst(%arg7 : memref<8x512xi32, #tpu.memory_space<vmem>>)
    return
  }
}

module attributes {stable_mosaic.version = 14 : i64} {
  func.func @_lt_body(%arg0: memref<8x16xf32, #tpu.memory_space<vmem>>, %arg1: memref<16x8xf32, #tpu.memory_space<vmem>>, %arg2: memref<1x8xf32, #tpu.memory_space<vmem>>, %arg3: memref<8x8xf32, #tpu.memory_space<vmem>>) attributes {dimension_semantics = [], scalar_prefetch = 0 : i64, scratch_operands = 0 : i64, tpu.core_type = #tpu.core_type<tc>} {
    %get3A = arith.constant 0 : index
    %get3A_0 = arith.constant 0 : index
    %get3A_1 = vector.load %arg0[%get3A, %get3A_0] : memref<8x16xf32, #tpu.memory_space<vmem>>, vector<8x16xf32>
    %get3A_2 = arith.constant 0 : index
    %get3A_3 = arith.constant 0 : index
    %get3A_4 = vector.load %arg1[%get3A_2, %get3A_3] : memref<16x8xf32, #tpu.memory_space<vmem>>, vector<16x8xf32>
    %dot_general3A = arith.constant dense<0.000000e+00> : vector<8x8xf32>
    %dot_general3A_5 = tpu.matmul %get3A_1, %get3A_4, %dot_general3A {dimension_numbers = #tpu.dot_dimension_numbers<[1], [0], [0], [1], [0, 0, 1, 1], [], []>, transpose_lhs_hint = false} : vector<8x16xf32>, vector<16x8xf32>, vector<8x8xf32> -> vector<8x8xf32>
    %get3A_6 = arith.constant 0 : index
    %get3A_7 = arith.constant 0 : index
    %get3A_8 = vector.load %arg2[%get3A_6, %get3A_7] : memref<1x8xf32, #tpu.memory_space<vmem>>, vector<1x8xf32>
    %add3A = vector.broadcast %get3A_8 : vector<1x8xf32> to vector<8x8xf32>
    %add3A_9 = arith.addf %dot_general3A_5, %add3A : vector<8x8xf32>
    %swap3A = arith.constant 0 : index
    %swap3A_10 = arith.constant 0 : index
    %swap3A_11 = vector.load %arg3[%swap3A, %swap3A_10] : memref<8x8xf32, #tpu.memory_space<vmem>>, vector<8x8xf32>
    tpu.vector_store %arg3[%swap3A, %swap3A_10], %add3A_9 {strides = array<i32>} : memref<8x8xf32, #tpu.memory_space<vmem>>, vector<8x8xf32>,
    return
  }
}

</mosaic_0001>

<sc_bundles>
// kernel: kernel.4.cloned.1.call-start
scs
__scs_entry_jumppad:
0x0: {  	(pc) =	sbr.rel $0x88, $3  }
0x1: {  	(tag) =	ssettag $0x0;
	lr =	simm.s32 $0x1  }
0x2: {  	[smem:$0x3F9D] =	sst lr;
	_ =	strace $0xD0000000  }
0x3: {  	_ = 	snop  }
0x4: {  	_ = 	snop  }
0x5: {  	_ = 	snop  }
0x6: {  	_ = 	snop  }
0x7: {  	_ = 	snop  }
__scs_overlays_trampoline_lowered:
0x8: {  	[smem:$0x3FAC] =	sst s0  }
0x9: {  	[smem:$0x3FAD] =	sst s1  }
0xa: {  	[smem:$0x3FAE] =	sst s2  }
0xb: {  	[smem:$0x3FAF] =	sst s3  }
0xc: {  	[smem:$0x3FB0] =	sst s4  }
0xd: {  	[smem:$0x3FB1] =	sst s5  }
0xe: {  	[smem:$0x3FB2] =	sst s6  }
0xf: {  	[smem:$0x3FB3] =	sst s7  }
0x10: {  	[smem:$0x3FB4] =	sst s8  }
0x11: {  	[smem:$0x3FB5] =	sst s9;
	s0 =	simm.s32 @!p0 $0x0  }
0x12: {  	s1 =	sld [smem:$0x3F9B];
	s0 =	simm.s32 @p0 $0x1  }
0x13: {  	[smem:$0x3FB6] =	sst s0;
	s0 =	simm.s32 @!p1 $0x0  }
0x14: {  	s2 =	sld [smem:$0x3F9A];
	s0 =	simm.s32 @p1 $0x1  }
0x15: {  	[smem:$0x3FB7] =	sst s0;
	s0 =	simm.s32 @!p2 $0x0  }
0x16: {  	s3 =	sld [smem:$0x3FDB];
	s0 =	simm.s32 @p2 $0x1  }
0x17: {  	s4 =	simm.s32 $0x1BF5;
	[smem:$0x3FB9] =	sst s0  }
0x18: {  	s0 =	sld [smem:$0x3F9C];
	_ =	swait.ge [sflag:s4], $0x0  }
0x19: {  	s7 =	sld [smem:$0x3F9D]  }
0x1a: {  	s8 =	sadd.s32 $0xFFFFE003, lr  }
0x1b: {  	s9 =	sadd.s32 $0xFFFFFEF7, lr;
	s5 =	simm.s32 $0xFFFFFFFF;
	p2 =	slt.u32 s8, $0xFFFFF086  }
0x1c: {  	p1 =	slt.u32 s9, $0xF7A;
	s5 =	simm.s32 @!p2 $0x0  }
0x1d: {  	s5 =	simm.s32 @p1 $0x1;
	p0 =	seq.s32 s7, s2  }
0x1e: {  	s7 =	smul.u32 @!p0 $0xF7A, s2;
	p2 =	seq.s32 @!p0 s5, $0x0  }
0x1f: {  	s9 =	smul.u32 $0xF7A, s1;
	s8 =	simm.s32 @!p0 $0x1BF5;
	p2 =	por !p2, p0  }
0x20: {  	[sflag:s8] =	ssyncset.s32 @!p0 $0xFFFFF086;
	s6 =	sadd.s32 @!p0 s3, s7;
	s7 =	simm.s32 @!p0 $0x108  }
0x21: {  	s3 =	sadd.s32 s3, s9;
	s6 =	sadd.s32 @!p0 $0x88, s6;
	s7 =	simm.s32 @p2 $0x1082  }
0x22: {  	[simem:s7], [sflag:s8] =	dma.local @!p0 [hbm:s6], $0xF7A  }
0x23: {  	s9 =	sor.u32 $0xD0000000, s2;
	s6 =	simm.s32 $0x108;
	_ =	swait.ge @!p0 [sflag:s8], $0x0  }
0x24: {  	s3 =	sadd.s32 $0x88, s3;
	s6 =	simm.s32 @!p1 $0x1082;
	[sflag:s4] =	ssyncset.s32 $0xFFFFF086  }
0x25: {  	[simem:s6], [sflag:s4] =	dma.local [hbm:s3], $0xF7A  }
0x26: {  	[smem:$0x3F9D] =	sst s1;
	(tag) =	ssettag s2;
	_ =	strace s9  }
0x27: {  	s1 =	sld [smem:$0x3FAD]  }
0x28: {  	s2 =	sld [smem:$0x3FAE]  }
0x29: {  	s4 =	sld [smem:$0x3FB0]  }
0x2a: {  	p0 =	seq.s32 s5, $0x0;
	s5 =	sld [smem:$0x3FB1]  }
0x2b: {  	s6 =	sld [smem:$0x3FB2]  }
0x2c: {  	s7 =	sld [smem:$0x3FB3]  }
0x2d: {  	s3 =	simm.s32 $0x108;
	s8 =	sld [smem:$0x3FB4]  }
0x2e: {  	s3 =	simm.s32 @!p0 $0x1082;
	s9 =	sld [smem:$0x3FB5]  }
0x2f: {  	lr =	sadd.s32 s0, s3;
	s0 =	sld [smem:$0x3FAC]  }
0x30: {  	s3 =	sld [smem:$0x3FAF]  }
0x31: {  	[smem:$0x3FB8] =	sst s10  }
0x32: {  	s10 =	sld [smem:$0x3FB6];
	_ =	sdelay $0x3  }
0x33: {  	p0 =	seq.s32 s10, $0x1;
	s10 =	sld [smem:$0x3FB8];
	_ =	sdelay $0x3  }
0x34: {  	[smem:$0x3FB8] =	sst s10  }
0x35: {  	s10 =	sld [smem:$0x3FB7];
	_ =	sdelay $0x3  }
0x36: {  	p1 =	seq.s32 s10, $0x1;
	s10 =	sld [smem:$0x3FB8];
	_ =	sdelay $0x3  }
0x37: {  	[smem:$0x3FB8] =	sst s10  }
0x38: {  	s10 =	sld [smem:$0x3FB9]  }
0x39: {  	_ = 	snop;
	(pc) =	sbr.ind lr, $3  }
0x3a: {  	_ = 	snop  }
0x3b: {  	_ = 	snop  }
0x3c: {  	p2 =	seq.s32 s10, $0x1;
	s10 =	sld [smem:$0x3FB8]  }
0x3d: {  	_ =	shalt  }
0x3e: {  	_ =	shalt  }
0x3f: {  	_ =	shalt  }
0x40: {  	_ =	shalt  }
0x41: {  	_ =	shalt  }
0x42: {  	_ =	shalt  }
0x43: {  	_ =	shalt  }
0x44: {  	_ =	shalt  }
0x45: {  	_ =	shalt  }
0x46: {  	_ =	shalt  }
0x47: {  	_ =	shalt  }
0x48: {  	_ =	shalt  }
0x49: {  	_ =	shalt  }
0x4a: {  	_ =	shalt  }
0x4b: {  	_ =	shalt  }
0x4c: {  	_ =	shalt  }
0x4d: {  	_ =	shalt  }
0x4e: {  	_ =	shalt  }
0x4f: {  	_ =	shalt  }
0x50: {  	_ =	shalt  }
0x51: {  	_ =	shalt  }
0x52: {  	_ =	shalt  }
0x53: {  	_ =	shalt  }
0x54: {  	_ =	shalt  }
0x55: {  	_ =	shalt  }
0x56: {  	_ =	shalt  }
0x57: {  	_ =	shalt  }
0x58: {  	_ =	shalt  }
0x59: {  	_ =	shalt  }
0x5a: {  	_ =	shalt  }
0x5b: {  	_ =	shalt  }
0x5c: {  	_ =	shalt  }
0x5d: {  	_ =	shalt  }
0x5e: {  	_ =	shalt  }
0x5f: {  	_ =	shalt  }
0x60: {  	_ =	shalt  }
0x61: {  	_ =	shalt  }
0x62: {  	_ =	shalt  }
0x63: {  	_ =	shalt  }
0x64: {  	_ =	shalt  }
0x65: {  	_ =	shalt  }
0x66: {  	_ =	shalt  }
0x67: {  	_ =	shalt  }
0x68: {  	_ =	shalt  }
0x69: {  	_ =	shalt  }
0x6a: {  	_ =	shalt  }
0x6b: {  	_ =	shalt  }
0x6c: {  	_ =	shalt  }
0x6d: {  	_ =	shalt  }
0x6e: {  	_ =	shalt  }
0x6f: {  	_ =	shalt  }
0x70: {  	_ =	shalt  }
0x71: {  	_ =	shalt  }
0x72: {  	_ =	shalt  }
0x73: {  	_ =	shalt  }
0x74: {  	_ =	shalt  }
0x75: {  	_ =	shalt  }
0x76: {  	_ =	shalt  }
0x77: {  	_ =	shalt  }
0x78: {  	_ =	shalt  }
0x79: {  	_ =	shalt  }
0x7a: {  	_ =	shalt  }
0x7b: {  	_ =	shalt  }
0x7c: {  	_ =	shalt  }
0x7d: {  	_ =	shalt  }
0x7e: {  	_ =	shalt  }
0x7f: {  	_ =	shalt  }
0x80: {  	_ =	shalt  }
0x81: {  	_ =	shalt  }
0x82: {  	_ =	shalt  }
0x83: {  	_ =	shalt  }
0x84: {  	_ =	shalt  }
0x85: {  	_ =	shalt  }
0x86: {  	_ =	shalt  }
0x87: {  	_ =	shalt  }
.Lfunc_end0:
.L_simem_size_0:
called_computation_lowered:
.L_overlay_start_0:
0x88: {  	s2 =	sld [smem:$0x3FD9]  }
0x89: {  	s3 =	sld [smem:$0x3FFE];
	_ =	sdelay $0x1  }
0x8a: {  	s1 =	srdreg.scid  }
0x8b: {  	s0 =	sand.u32 $0x1, s1  }
0x8c: {  	s17 =	sshll.u32 s0, $0xA;
	s2 =	sadd.s32 s3, s2  }
0x8d: {  	s2 =	sadd.s32 s2, s17  }
0x8e: {  	[smem:$0x3FC4] =	sst s2  }
0x8f: {  	_ = 	snop  }
0x90: {  	s2 =	sld [smem:$0x3FC9]  }
0x91: {  	s18 =	sld [smem:$0x3FD0];
	(tm) =	ssettm $0x1  }
0x92: {  	s4 =	sld [smem:$0x3FFB];
	_ =	sdelay $0x3  }
0x93: {  	_ =	strace s4  }
0x94: {  	s4 =	sld [smem:$0x3FFC];
	_ =	sdelay $0x3  }
0x95: {  	_ =	strace s4  }
0x96: {  	s4 =	sld [smem:$0x3FFD];
	_ =	sdelay $0x3  }
0x97: {  	_ =	strace s4  }
0x98: {  	_ =	strace $0x8FFFFFFF  }
0x99: {  	s19 =	sld [smem:$0x3FDB];
	_ =	sdelay $0x1  }
0x9a: {  	s5 =	simm.s32 $_scs_section_size  }
0x9b: {  	s6 =	simm.s32 $_size__tile_overlayer_lowered;
	s7 =	simm.s32 $_tile_overlayer_lowered  }
0x9c: {  	s22 =	simm.s32 $0x1BFF;
	s21 =	sshll.u32 s7, $0x1;
	s4 =	sadd.s32 s5, s19  }
0x9d: {  	s8 =	simm.s32 $0x0;
	s20 =	sshll.u32 s6, $0x1;
	s6 =	sadd.s32 s21, s4  }
0x9e: {  	[timem:s8], [sflag:s22] =	dma.local [hbm:s6], s20  }
0x9f: {  	_ =	swait.ge [sflag:s22], s20  }
0xa0: {  	s5 =	ssub.s32 $0x0, s20;
	[sflag:s22] =	ssyncset.done $0x0  }
0xa1: {  	[sflag:s22] =	ssyncadd.s32 s5;
	_ =	sdelay $0x1  }
0xa2: {  	s23 =	simm.s32 $0x1B8B  }
0xa3: {  	_ =	swait.ge [sflag:s23], $0x1  }
0xa4: {  	[sflag:s23] =	ssyncset.done $0x0  }
0xa5: {  	s25 =	simm.s32 $0x1B8E;
	s24 =	sld [smem:$0x3FFE];
	[sflag:s23] =	ssyncadd.s32 $0xFFFFFFFF  }
0xa6: {  	s26 =	simm.s32 $execute0_lowered;
	[smem:$0x3FD2] =	sst s25  }
0xa7: {  	s6 =	sshll.u32 s26, $0x1;
	_ =	strace $0x80000046;
	[dreg:$0x1] =	wrdreg $0xFFFFFFFF  }
0xa8: {  	s28 =	simm.s32 $_size_execute0_lowered;
	s4 =	sadd.s32 s4, s6;
	[dreg:$0x0] =	wrdreg $0x0  }
0xa9: {  	s6 =	sshll.u32 s28, $0x1;
	[dreg:$0x2] =	wrdreg s4  }
0xaa: {  	[dreg:$0x3] =	wrdreg s6  }
0xab: {  	[dreg:$0x4] =	wrdreg $0xC0  }
0xac: {  	_ =	task [dreg:s8], $0x5FFFF  }
0xad: {  	[dreg:$0x1] =	wrdreg $0xFFFFFFFF  }
0xae: {  	[dreg:$0x0] =	wrdreg $0x60  }
0xaf: {  	[dreg:$0x2] =	wrdreg s2  }
0xb0: {  	[dreg:$0x3] =	wrdreg s24  }
0xb1: {  	[dreg:$0x4] =	wrdreg s18  }
0xb2: {  	[dreg:$0x5] =	wrdreg $0x9  }
0xb3: {  	_ =	task.clear_ibuf [dreg:s8], $0x6FFFF;
	_ =	strace $0x90000046  }
0xb4: {  	s29 =	simm.s32 $0x9;
	_ =	strace $0x80000048  }
0xb5: {  	_ =	swait.ge [sflag:s29], $0x1  }
0xb6: {  	[sflag:s29] =	ssyncadd.s32 $0xFFFFFFFF  }
0xb7: {  	_ =	strace $0x90000048  }
0xb8: {  	_ =	sfence  }
0xb9: {  	s30 =	sld [smem:$0x0];
	_ =	sdelay $0x2  }
0xba: {  	s31 =	sshll.u32 s1, $0xD;
	s1 =	sshrl.u32 s1, $0x2  }
0xbb: {  	s3 =	sand.u32 $0x4000, s31;
	s1 =	sadd.s32 s1, s30  }
0xbc: {  	s0 =	sor.u32 s3, s0;
	s1 =	sshll.u32 s1, $0x11  }
0xbd: {  	s0 =	sor.u32 s1, s0  }
0xbe: {  	s0 =	sadd.s32 $0x8F2B, s0  }
0xbf: {  	[sflag:s0] =	ssyncadd.remote.s32 $0x1  }
0xc0: {  	_ =	sfence.sel $0xFFFF  }
0xc1: {  	[dreg:$0x0] =	wrdreg $0xFFFFFFFF;
	(pc) =	sbr.abs _section_cstart, $3  }
0xc2: {  	[dreg:$0x1] =	wrdreg $0xFFFFFFFF  }
0xc3: {  	_ =	task.clear_ibuf [dreg:s8], $0x2FFFF;
	_ =	strace $0x9FFFFFFF  }
0xc4: {  	(tm) =	ssettm $0x7FFFFFFF  }
0xc5: {  	_ =	shalt  }
tec
execute0_lowered:
.L_overlay_start_1:
0x0: {  	(tag) =	ssettag $0x1  }
0x1: {  	s1 =	rddreg [dreg:$0x0]  }
0x2: {  	s0 =	rddreg [dreg:$0x1]  }
0x3: {  	s3 =	rddreg [dreg:$0x2];
	s2 =	srdreg.scid  }
0x4: {  	s5 =	stileid.u32;
	s4 =	simm.s32 $0x0;
	s19 =	simm.s32 $0x80  }
0x5: {  	s20 =	simm.s32 $0x1080;
	s21 =	simm.s32 $0x5;
	s28 =	simm.s32 $0xA080  }
0x6: {  	s29 =	simm.s32 $0x3;
	s30 =	simm.s32 $0x4;
	s31 =	simm.s32 $0x0  }
0x7: {  	s2 =	sand.u32 $0x1, s2;
	s5 =	sshll.u32 s5, $0xD;
	[smem:$0x7FF] =	sst s4  }
0x8: {  	s0 =	sadd.s32 $0x800, s0;
	s9 =	sadd.s32 $0x20000, s3;
	s6 =	sshll.u32 s2, $0xC  }
0x9: {  	_ =	strace $0x80000047;
	s2 =	ssub.s32 $0x2, s2;
	s5 =	sor.u32 s6, s5  }
0xa: {  	[dreg:$0x4] =	wrdreg s0;
	s22 =	sshrl.u32 s2, $0x1;
	s6 =	sshrl.u32 s5, $0x3  }
0xb: {  	s0 =	ssub.s32 s2, s22;
	s14 =	sor.u32 $0x40000, s5;
	s15 =	sor.u32 $0x60000, s5  }
0xc: {  	s22 =	simm.s32 $0x1;
	s7 =	sadd.s32 s1, s6;
	s25 =	sadd.s32 s6, s9  }
0xd: {  	s10 =	sadd.s32 s3, s6;
	s23 =	sadd.s32 $0x4000, s7;
	[dreg:$0x7] =	wrdreg s25  }
0xe: {  	s18 =	smax.u32 s0, $0x1;
	s24 =	sadd.s32 $0x8000, s7;
	[dreg:$0x5] =	wrdreg s23  }
0xf: {  	s26 =	sadd.s32 $0xC000, s7;
	s16 =	sadd.s32 $0x300000, s10;
	[dreg:$0x6] =	wrdreg s24  }
0x10: {  	s17 =	sadd.s32 $0x60000, s7;
	s25 =	simm.s32 $0x2080;
	[dreg:$0x8] =	wrdreg s26  }
0x11: {  	s23 =	simm.s32 $0x1000;
	s24 =	simm.s32 $0x20000;
	s26 =	simm.s32 $0x2  }
.LBB2_1:
0x12: {  	[tilespmem:s19], [sflag:$0x1] =	stream.linear.gather [hbm4b:s7+s4], $0x1000, $0x38;
	[tilespmem:$0x12080] =	vst v63  }
0x13: {  	s0 =	rddreg [dreg:$0x5]  }
0x14: {  	[tilespmem:s20], [sflag:$0x2] =	stream.linear.gather [hbm4b:s0+s4], $0x1000, $0x38;
	[tilespmem:$0x12080] =	vst v63  }
0x15: {  	s11 =	rddreg [dreg:$0x4]  }
0x16: {  	[tilespmem:s4], [sflag:$0x5] =	stream.linear.gather [hbm4b:s11+s4], $0x80, $0x38;
	[tilespmem:$0x12080] =	vst v63  }
0x17: {  	_ =	swait.ge [sflag:s21], $0x80  }
0x18: {  	[sflag:s21] =	ssyncset.done $0x0  }
0x19: {  	[sflag:s21] =	ssyncadd.s32 $0xFFFFFF80  }
0x1a: {  	s12 =	simm.s32 $0x0;
	_ =	swait.ge [sflag:s22], $0x1000  }
0x1b: {  	s2 =	sand.u32 $0xC00, s4;
	s0 =	sand.u32 $0x3FFFFF80, s12;
	[sflag:s22] =	ssyncset.done $0x0  }
0x1c: {  	s0 =	sadd.s32 s2, s0;
	[sflag:s22] =	ssyncadd.s32 $0xFFFFF000  }
0x1d: {  	v7 =	vld [tilespmem:s0+$0xF0]  }
0x1e: {  	v6 =	vld [tilespmem:s0+$0x80]  }
0x1f: {  	v5 =	vld [tilespmem:s0+$0x90]  }
0x20: {  	v4 =	vld [tilespmem:s0+$0xA0]  }
0x21: {  	v3 =	vld [tilespmem:s0+$0xB0]  }
0x22: {  	v0 =	vld [tilespmem:s0+$0xC0]  }
0x23: {  	v1 =	vld [tilespmem:s0+$0xD0]  }
0x24: {  	v2 =	vld [tilespmem:s0+$0xE0]  }
0x25: {  	v8 =	vld.idx.msk [tilespmem:v7+s4+$0x0], $0xffff  }
0x26: {  	v9 =	vld.idx.msk [tilespmem:v6+s4+$0x0], $0xffff  }
0x27: {  	v10 =	vld.idx.msk [tilespmem:v5+s4+$0x0], $0xffff  }
0x28: {  	s13 =	simm.s32 $0x0;
	v11 =	vadd.s32 $0x8, v7;
	v12 =	vld.idx.msk [tilespmem:v4+s4+$0x0], $0xffff  }
0x29: {  	s0 =	sand.u32 $0x3FFFF000, s13;
	v13 =	vadd.s32 $0x8, v6;
	v14 =	vld.idx.msk [tilespmem:v3+s4+$0x0], $0xffff  }
0x2a: {  	s0 =	sor.u32 s2, s0;
	v15 =	vadd.s32 $0x8, v5;
	v16 =	vld.idx.msk [tilespmem:v0+s4+$0x0], $0xffff  }
0x2b: {  	v17 =	vadd.s32 $0x8, v4;
	v18 =	vld.idx.msk [tilespmem:v1+s4+$0x0], $0xffff;
	[tilespmem:s0+$0x20F0] =	vst v8  }
0x2c: {  	v19 =	vadd.s32 $0x8, v1;
	[tilespmem:s0+$0x2090] =	vst v10;
	v10 =	vld.idx.msk [tilespmem:v2+s4+$0x0], $0xffff  }
0x2d: {  	v8 =	vadd.s32 $0x8, v3;
	[tilespmem:s0+$0x2080] =	vst v9;
	v9 =	vld.idx.msk [tilespmem:v11+s4+$0x0], $0xffff  }
0x2e: {  	[tilespmem:s0+$0x20A0] =	vst v12;
	v11 =	vadd.s32 $0x8, v0;
	v13 =	vld.idx.msk [tilespmem:v13+s4+$0x0], $0xffff  }
0x2f: {  	v26 =	vadd.s32 $0x8, v2;
	[tilespmem:s0+$0x20B0] =	vst v14;
	v15 =	vld.idx.msk [tilespmem:v15+s4+$0x0], $0xffff  }
0x30: {  	v25 =	vadd.s32 $0x10, v7;
	[tilespmem:s0+$0x20D0] =	vst v18;
	v17 =	vld.idx.msk [tilespmem:v17+s4+$0x0], $0xffff  }
0x31: {  	v27 =	vadd.s32 $0x10, v6;
	[tilespmem:s0+$0x20C0] =	vst v16;
	v30 =	vld.idx.msk [tilespmem:v19+s4+$0x0], $0xffff  }
0x32: {  	v28 =	vadd.s32 $0x10, v5;
	v8 =	vld.idx.msk [tilespmem:v8+s4+$0x0], $0xffff;
	[tilespmem:s0+$0x20E0] =	vst v10  }
0x33: {  	v33 =	vadd.s32 $0x10, v1;
	v11 =	vld.idx.msk [tilespmem:v11+s4+$0x0], $0xffff;
	[tilespmem:s0+$0x2170] =	vst v9  }
0x34: {  	v9 =	vadd.s32 $0x10, v4;
	[tilespmem:s0+$0x2100] =	vst v13;
	v14 =	vld.idx.msk [tilespmem:v26+s4+$0x0], $0xffff  }
0x35: {  	v29 =	vadd.s32 $0x10, v3;
	[tilespmem:s0+$0x2110] =	vst v15;
	v10 =	vld.idx.msk [tilespmem:v25+s4+$0x0], $0xffff  }
0x36: {  	v32 =	vadd.s32 $0x10, v0;
	[tilespmem:s0+$0x2120] =	vst v17;
	v16 =	vld.idx.msk [tilespmem:v27+s4+$0x0], $0xffff  }
0x37: {  	v31 =	vadd.s32 $0x18, v7;
	[tilespmem:s0+$0x2150] =	vst v30;
	v18 =	vld.idx.msk [tilespmem:v28+s4+$0x0], $0xffff  }
0x38: {  	v36 =	vld.idx.msk [tilespmem:v33+s4+$0x0], $0xffff;
	[tilespmem:s0+$0x2130] =	vst v8;
	v8 =	vadd.s32 $0x10, v2  }
0x39: {  	v9 =	vld.idx.msk [tilespmem:v9+s4+$0x0], $0xffff;
	[tilespmem:s0+$0x2140] =	vst v11;
	v11 =	vadd.s32 $0x18, v6  }
0x3a: {  	v12 =	vld.idx.msk [tilespmem:v29+s4+$0x0], $0xffff;
	[tilespmem:s0+$0x21F0] =	vst v10;
	v10 =	vadd.s32 $0x18, v5  }
0x3b: {  	v35 =	vadd.s32 $0x18, v4;
	[tilespmem:s0+$0x2160] =	vst v14;
	v19 =	vld.idx.msk [tilespmem:v32+s4+$0x0], $0xffff  }
0x3c: {  	v38 =	vadd.s32 $0x18, v3;
	[tilespmem:s0+$0x2180] =	vst v16;
	v34 =	vld.idx.msk [tilespmem:v31+s4+$0x0], $0xffff  }
0x3d: {  	v39 =	vadd.s32 $0x18, v0;
	[tilespmem:s0+$0x2190] =	vst v18;
	v8 =	vld.idx.msk [tilespmem:v8+s4+$0x0], $0xffff  }
0x3e: {  	v37 =	vadd.s32 $0x20, v7;
	[tilespmem:s0+$0x21D0] =	vst v36;
	v11 =	vld.idx.msk [tilespmem:v11+s4+$0x0], $0xffff  }
0x3f: {  	[tilespmem:s0+$0x21A0] =	vst v9;
	v9 =	vadd.s32 $0x18, v1;
	v10 =	vld.idx.msk [tilespmem:v10+s4+$0x0], $0xffff  }
0x40: {  	v40 =	vadd.s32 $0x18, v2;
	[tilespmem:s0+$0x21B0] =	vst v12;
	v15 =	vld.idx.msk [tilespmem:v35+s4+$0x0], $0xffff  }
0x41: {  	v41 =	vadd.s32 $0x20, v6;
	[tilespmem:s0+$0x21C0] =	vst v19;
	v17 =	vld.idx.msk [tilespmem:v38+s4+$0x0], $0xffff  }
0x42: {  	v42 =	vadd.s32 $0x20, v5;
	[tilespmem:s0+$0x2270] =	vst v34;
	v43 =	vld.idx.msk [tilespmem:v39+s4+$0x0], $0xffff  }
0x43: {  	v44 =	vadd.s32 $0x20, v4;
	v16 =	vld.idx.msk [tilespmem:v37+s4+$0x0], $0xffff;
	[tilespmem:s0+$0x21E0] =	vst v8  }
0x44: {  	v45 =	vadd.s32 $0x20, v0;
	[tilespmem:s0+$0x2200] =	vst v11;
	v9 =	vld.idx.msk [tilespmem:v9+s4+$0x0], $0xffff  }
0x45: {  	v8 =	vadd.s32 $0x28, v7;
	[tilespmem:s0+$0x2210] =	vst v10;
	v10 =	vld.idx.msk [tilespmem:v40+s4+$0x0], $0xffff  }
0x46: {  	v11 =	vadd.s32 $0x20, v3;
	v13 =	vld.idx.msk [tilespmem:v41+s4+$0x0], $0xffff;
	[tilespmem:s0+$0x2220] =	vst v15  }
0x47: {  	v46 =	vadd.s32 $0x20, v1;
	[tilespmem:s0+$0x2230] =	vst v17;
	v19 =	vld.idx.msk [tilespmem:v42+s4+$0x0], $0xffff  }
0x48: {  	v47 =	vadd.s32 $0x20, v2;
	v18 =	vld.idx.msk [tilespmem:v44+s4+$0x0], $0xffff;
	[tilespmem:s0+$0x2240] =	vst v43  }
0x49: {  	v48 =	vadd.s32 $0x28, v6;
	[tilespmem:s0+$0x22F0] =	vst v16;
	v12 =	vld.idx.msk [tilespmem:v45+s4+$0x0], $0xffff  }
0x4a: {  	v49 =	vadd.s32 $0x28, v5;
	v8 =	vld.idx.msk [tilespmem:v8+s4+$0x0], $0xffff;
	[tilespmem:s0+$0x2250] =	vst v9  }
0x4b: {  	v52 =	vadd.s32 $0x28, v0;
	v11 =	vld.idx.msk [tilespmem:v11+s4+$0x0], $0xffff;
	[tilespmem:s0+$0x2260] =	vst v10  }
0x4c: {  	v9 =	vadd.s32 $0x30, v7;
	[tilespmem:s0+$0x2280] =	vst v13;
	v50 =	vld.idx.msk [tilespmem:v46+s4+$0x0], $0xffff  }
0x4d: {  	v10 =	vadd.s32 $0x28, v4;
	[tilespmem:s0+$0x2290] =	vst v19;
	v16 =	vld.idx.msk [tilespmem:v47+s4+$0x0], $0xffff  }
0x4e: {  	v51 =	vadd.s32 $0x28, v3;
	v17 =	vld.idx.msk [tilespmem:v48+s4+$0x0], $0xffff;
	[tilespmem:s0+$0x22A0] =	vst v18  }
0x4f: {  	v53 =	vadd.s32 $0x28, v2;
	v14 =	vld.idx.msk [tilespmem:v49+s4+$0x0], $0xffff;
	[tilespmem:s0+$0x22C0] =	vst v12  }
0x50: {  	[tilespmem:s0+$0x2370] =	vst v8;
	v8 =	vadd.s32 $0x28, v1;
	v56 =	vld.idx.msk [tilespmem:v52+s4+$0x0], $0xffff  }
0x51: {  	v55 =	vadd.s32 $0x30, v5;
	v9 =	vld.idx.msk [tilespmem:v9+s4+$0x0], $0xffff;
	[tilespmem:s0+$0x22B0] =	vst v11  }
0x52: {  	v11 =	vadd.s32 $0x30, v6;
	v10 =	vld.idx.msk [tilespmem:v10+s4+$0x0], $0xffff;
	[tilespmem:s0+$0x22D0] =	vst v50  }
0x53: {  	v7 =	vadd.s32 $0x38, v7;
	v54 =	vld.idx.msk [tilespmem:v51+s4+$0x0], $0xffff;
	[tilespmem:s0+$0x22E0] =	vst v16  }
0x54: {  	v57 =	vadd.s32 $0x30, v4;
	[tilespmem:s0+$0x2300] =	vst v17;
	v18 =	vld.idx.msk [tilespmem:v53+s4+$0x0], $0xffff  }
0x55: {  	v58 =	vadd.s32 $0x30, v3;
	[tilespmem:s0+$0x2310] =	vst v14;
	v8 =	vld.idx.msk [tilespmem:v8+s4+$0x0], $0xffff  }
0x56: {  	v13 =	vld.idx.msk [tilespmem:v55+s4+$0x0], $0xffff;
	[tilespmem:s0+$0x23F0] =	vst v9;
	v9 =	vadd.s32 $0x30, v0  }
0x57: {  	v59 =	vadd.s32 $0x30, v1;
	[tilespmem:s0+$0x2340] =	vst v56;
	v60 =	vld.idx.msk [tilespmem:v11+s4+$0x0], $0xffff  }
0x58: {  	v5 =	vadd.s32 $0x38, v5;
	v7 =	vld.idx.msk [tilespmem:v7+s4+$0x0], $0xffff;
	[tilespmem:s0+$0x2320] =	vst v10  }
0x59: {  	v20 =	vadd.s32 $0x30, v2;
	[tilespmem:s0+$0x2330] =	vst v54;
	v61 =	vld.idx.msk [tilespmem:v57+s4+$0x0], $0xffff  }
0x5a: {  	v6 =	vadd.s32 $0x38, v6;
	v62 =	vld.idx.msk [tilespmem:v58+s4+$0x0], $0xffff;
	[tilespmem:s0+$0x2360] =	vst v18  }
0x5b: {  	v63 =	vadd.s32 $0x38, v4;
	[tilespmem:s0+$0x2350] =	vst v8;
	v11 =	vld.idx.msk [tilespmem:v9+s4+$0x0], $0xffff  }
0x5c: {  	v4 =	vadd.s32 $0x38, v3;
	[tilespmem:s0+$0x2390] =	vst v13;
	v10 =	vld.idx.msk [tilespmem:v59+s4+$0x0], $0xffff  }
0x5d: {  	[tilespmem:s0+$0x2470] =	vst v7;
	v7 =	vld.idx.msk [tilespmem:v5+s4+$0x0], $0xffff;
	v5 =	vadd.s32 $0x38, v0  }
0x5e: {  	v3 =	vadd.s32 $0x38, v1;
	[tilespmem:s0+$0x2380] =	vst v60;
	v9 =	vld.idx.msk [tilespmem:v20+s4+$0x0], $0xffff  }
0x5f: {  	v1 =	vadd.s32 $0x38, v2;
	v8 =	vld.idx.msk [tilespmem:v6+s4+$0x0], $0xffff;
	[tilespmem:s0+$0x23A0] =	vst v61  }
0x60: {  	s6 =	simm.s32 $0x0;
	s2 =	simm.s32 $0x0;
	[tilespmem:s0+$0x23B0] =	vst v62;
	v2 =	vld.idx.msk [tilespmem:v63+s4+$0x0], $0xffff  }
.LBB2_2:
0x61: {  	s2 =	sadd.s32 $0x8, s2;
	v4 =	vld.idx.msk [tilespmem:v4+s4+$0x0], $0xffff;
	[tilespmem:s0+$0x23C0] =	vst v11  }
0x62: {  	s6 =	sadd.s32 $0x400, s6;
	s11 =	sshll.u32 s2, $0x2;
	p0 =	slt.u32 s2, $0xF8;
	v5 =	vld.idx.msk [tilespmem:v5+s4+$0x0], $0xffff;
	[tilespmem:s0+$0x23D0] =	vst v10  }
0x63: {  	s8 =	sand.u32 $0xC00, s6;
	s11 =	sand.u32 $0x3FFFFF80, s11;
	v3 =	vld.idx.msk [tilespmem:v3+s4+$0x0], $0xffff;
	[tilespmem:s0+$0x23E0] =	vst v9  }
0x64: {  	s11 =	sadd.s32 s8, s11;
	[tilespmem:s0+$0x2400] =	vst v8;
	v1 =	vld.idx.msk [tilespmem:v1+s4+$0x0], $0xffff  }
0x65: {  	v0 =	vld [tilespmem:s11+$0xF0];
	[tilespmem:s0+$0x2410] =	vst v7  }
0x66: {  	v6 =	vld [tilespmem:s11+$0x80];
	[tilespmem:s0+$0x2420] =	vst v2  }
0x67: {  	v7 =	vld [tilespmem:s11+$0x90];
	[tilespmem:s0+$0x2430] =	vst v4  }
0x68: {  	v4 =	vld [tilespmem:s11+$0xA0];
	[tilespmem:s0+$0x2440] =	vst v5  }
0x69: {  	v5 =	vld [tilespmem:s11+$0xB0];
	[tilespmem:s0+$0x2450] =	vst v3  }
0x6a: {  	v3 =	vld [tilespmem:s11+$0xC0];
	[tilespmem:s0+$0x2460] =	vst v1  }
0x6b: {  	v1 =	vadd.s32 $0x8, v6;
	v22 =	vadd.s32 $0x10, v6;
	v23 =	vadd.s32 $0x18, v6;
	v24 =	vld [tilespmem:s11+$0xD0]  }
0x6c: {  	v2 =	vadd.s32 $0x8, v7;
	v25 =	vadd.s32 $0x10, v7;
	v26 =	vadd.s32 $0x18, v7;
	v27 =	vld [tilespmem:s11+$0xE0]  }
0x6d: {  	v8 =	vadd.s32 $0x8, v4;
	v28 =	vadd.s32 $0x10, v4;
	v29 =	vadd.s32 $0x18, v4;
	v9 =	vld.idx.msk [tilespmem:v0+s4+$0x0], $0xffff  }
0x6e: {  	v10 =	vld.idx.msk [tilespmem:v6+s4+$0x0], $0xffff;
	v13 =	vadd.s32 $0x8, v5;
	v30 =	vadd.s32 $0x10, v5;
	v31 =	vadd.s32 $0x18, v5  }
0x6f: {  	v12 =	vadd.s32 $0x8, v0;
	v11 =	vld.idx.msk [tilespmem:v7+s4+$0x0], $0xffff;
	v32 =	vadd.s32 $0x8, v3;
	v33 =	vadd.s32 $0x10, v3  }
0x70: {  	s0 =	sshll.u32 s2, $0x7;
	v34 =	vadd.s32 $0x18, v3;
	v14 =	vld.idx.msk [tilespmem:v4+s4+$0x0], $0xffff;
	v35 =	vadd.s32 $0x8, v24;
	v36 =	vadd.s32 $0x10, v24  }
0x71: {  	s0 =	sand.u32 $0x3FFFF000, s0;
	v37 =	vadd.s32 $0x18, v24;
	v19 =	vld.idx.msk [tilespmem:v5+s4+$0x0], $0xffff;
	v38 =	vadd.s32 $0x8, v27;
	v39 =	vadd.s32 $0x10, v27  }
0x72: {  	v40 =	vadd.s32 $0x20, v6;
	s0 =	sor.u32 s8, s0;
	v41 =	vadd.s32 $0x20, v7;
	v43 =	vadd.s32 $0x18, v27;
	v42 =	vld.idx.msk [tilespmem:v3+s4+$0x0], $0xffff  }
0x73: {  	v44 =	vadd.s32 $0x20, v4;
	v45 =	vadd.s32 $0x20, v5;
	v46 =	vadd.s32 $0x20, v3;
	v47 =	vld.idx.msk [tilespmem:v24+s4+$0x0], $0xffff;
	[tilespmem:s0+$0x20F0] =	vst v9  }
0x74: {  	v20 =	vadd.s32 $0x28, v6;
	v48 =	vadd.s32 $0x20, v24;
	v49 =	vadd.s32 $0x20, v27;
	[tilespmem:s0+$0x2080] =	vst v10;
	v50 =	vld.idx.msk [tilespmem:v12+s4+$0x0], $0xffff  }
0x75: {  	v21 =	vadd.s32 $0x28, v7;
	v18 =	vadd.s32 $0x28, v4;
	v16 =	vadd.s32 $0x28, v5;
	[tilespmem:s0+$0x2090] =	vst v11;
	v51 =	vld.idx.msk [tilespmem:v27+s4+$0x0], $0xffff  }
0x76: {  	v53 =	vadd.s32 $0x10, v0;
	v17 =	vadd.s32 $0x28, v3;
	v15 =	vadd.s32 $0x28, v24;
	v52 =	vld.idx.msk [tilespmem:v1+s4+$0x0], $0xffff;
	[tilespmem:s0+$0x20A0] =	vst v14  }
0x77: {  	v12 =	vadd.s32 $0x30, v6;
	v10 =	vadd.s32 $0x30, v7;
	v54 =	vld.idx.msk [tilespmem:v2+s4+$0x0], $0xffff;
	[tilespmem:s0+$0x20B0] =	vst v19;
	v19 =	vadd.s32 $0x28, v27  }
0x78: {  	v9 =	vadd.s32 $0x30, v3;
	v11 =	vadd.s32 $0x30, v5;
	v14 =	vadd.s32 $0x30, v4;
	v55 =	vld.idx.msk [tilespmem:v8+s4+$0x0], $0xffff;
	[tilespmem:s0+$0x20C0] =	vst v42  }
0x79: {  	v2 =	vadd.s32 $0x38, v6;
	v8 =	vadd.s32 $0x30, v27;
	v42 =	vld.idx.msk [tilespmem:v13+s4+$0x0], $0xffff;
	[tilespmem:s0+$0x20D0] =	vst v47;
	v13 =	vadd.s32 $0x30, v24  }
0x7a: {  	v7 =	vadd.s32 $0x38, v7;
	v6 =	vadd.s32 $0x38, v4;
	v4 =	vadd.s32 $0x38, v5;
	v32 =	vld.idx.msk [tilespmem:v32+s4+$0x0], $0xffff;
	[tilespmem:s0+$0x2170] =	vst v50  }
0x7b: {  	v1 =	vadd.s32 $0x38, v27;
	v5 =	vadd.s32 $0x38, v3;
	v3 =	vadd.s32 $0x38, v24;
	[tilespmem:s0+$0x20E0] =	vst v51;
	v24 =	vld.idx.msk [tilespmem:v53+s4+$0x0], $0xffff  }
0x7c: {  	[tilespmem:s0+$0x2100] =	vst v52;
	v27 =	vld.idx.msk [tilespmem:v35+s4+$0x0], $0xffff  }
0x7d: {  	[tilespmem:s0+$0x2110] =	vst v54;
	v35 =	vld.idx.msk [tilespmem:v38+s4+$0x0], $0xffff;
	v38 =	vadd.s32 $0x18, v0  }
0x7e: {  	v22 =	vld.idx.msk [tilespmem:v22+s4+$0x0], $0xffff;
	[tilespmem:s0+$0x2120] =	vst v55  }
0x7f: {  	v25 =	vld.idx.msk [tilespmem:v25+s4+$0x0], $0xffff;
	[tilespmem:s0+$0x2130] =	vst v42  }
0x80: {  	v28 =	vld.idx.msk [tilespmem:v28+s4+$0x0], $0xffff;
	[tilespmem:s0+$0x2140] =	vst v32  }
0x81: {  	v30 =	vld.idx.msk [tilespmem:v30+s4+$0x0], $0xffff;
	[tilespmem:s0+$0x21F0] =	vst v24  }
0x82: {  	[tilespmem:s0+$0x2150] =	vst v27;
	v24 =	vld.idx.msk [tilespmem:v38+s4+$0x0], $0xffff  }
0x83: {  	v27 =	vld.idx.msk [tilespmem:v33+s4+$0x0], $0xffff;
	[tilespmem:s0+$0x2160] =	vst v35  }
0x84: {  	v32 =	vadd.s32 $0x20, v0;
	[tilespmem:s0+$0x2180] =	vst v22;
	v22 =	vld.idx.msk [tilespmem:v36+s4+$0x0], $0xffff  }
0x85: {  	[tilespmem:s0+$0x2190] =	vst v25;
	v25 =	vld.idx.msk [tilespmem:v39+s4+$0x0], $0xffff  }
0x86: {  	v23 =	vld.idx.msk [tilespmem:v23+s4+$0x0], $0xffff;
	[tilespmem:s0+$0x21A0] =	vst v28  }
0x87: {  	v26 =	vld.idx.msk [tilespmem:v26+s4+$0x0], $0xffff;
	[tilespmem:s0+$0x21B0] =	vst v30  }
0x88: {  	v28 =	vld.idx.msk [tilespmem:v29+s4+$0x0], $0xffff;
	[tilespmem:s0+$0x2270] =	vst v24  }
0x89: {  	[tilespmem:s0+$0x21C0] =	vst v27;
	v24 =	vld.idx.msk [tilespmem:v32+s4+$0x0], $0xffff  }
0x8a: {  	v27 =	vld.idx.msk [tilespmem:v31+s4+$0x0], $0xffff;
	[tilespmem:s0+$0x21D0] =	vst v22  }
0x8b: {  	v22 =	vld.idx.msk [tilespmem:v34+s4+$0x0], $0xffff;
	[tilespmem:s0+$0x21E0] =	vst v25;
	v25 =	vadd.s32 $0x28, v0  }
0x8c: {  	[tilespmem:s0+$0x2200] =	vst v23;
	v23 =	vld.idx.msk [tilespmem:v37+s4+$0x0], $0xffff  }
0x8d: {  	[tilespmem:s0+$0x2210] =	vst v26;
	v26 =	vld.idx.msk [tilespmem:v43+s4+$0x0], $0xffff  }
0x8e: {  	v29 =	vld.idx.msk [tilespmem:v40+s4+$0x0], $0xffff;
	[tilespmem:s0+$0x2220] =	vst v28  }
0x8f: {  	v28 =	vld.idx.msk [tilespmem:v41+s4+$0x0], $0xffff;
	[tilespmem:s0+$0x22F0] =	vst v24  }
0x90: {  	[tilespmem:s0+$0x2230] =	vst v27;
	v24 =	vld.idx.msk [tilespmem:v25+s4+$0x0], $0xffff  }
0x91: {  	v25 =	vld.idx.msk [tilespmem:v44+s4+$0x0], $0xffff;
	[tilespmem:s0+$0x2240] =	vst v22  }
0x92: {  	v22 =	vld.idx.msk [tilespmem:v45+s4+$0x0], $0xffff;
	[tilespmem:s0+$0x2250] =	vst v23;
	v23 =	vadd.s32 $0x30, v0  }
0x93: {  	v27 =	vld.idx.msk [tilespmem:v46+s4+$0x0], $0xffff;
	[tilespmem:s0+$0x2260] =	vst v26  }
0x94: {  	[tilespmem:s0+$0x2280] =	vst v29;
	v26 =	vld.idx.msk [tilespmem:v48+s4+$0x0], $0xffff  }
0x95: {  	[tilespmem:s0+$0x2290] =	vst v28;
	v28 =	vld.idx.msk [tilespmem:v49+s4+$0x0], $0xffff  }
0x96: {  	v20 =	vld.idx.msk [tilespmem:v20+s4+$0x0], $0xffff;
	[tilespmem:s0+$0x2370] =	vst v24  }
0x97: {  	[tilespmem:s0+$0x22A0] =	vst v25;
	v23 =	vld.idx.msk [tilespmem:v23+s4+$0x0], $0xffff  }
0x98: {  	v21 =	vld.idx.msk [tilespmem:v21+s4+$0x0], $0xffff;
	[tilespmem:s0+$0x22B0] =	vst v22  }
0x99: {  	v0 =	vadd.s32 $0x38, v0;
	v18 =	vld.idx.msk [tilespmem:v18+s4+$0x0], $0xffff;
	[tilespmem:s0+$0x22C0] =	vst v27  }
0x9a: {  	v16 =	vld.idx.msk [tilespmem:v16+s4+$0x0], $0xffff;
	[tilespmem:s0+$0x22D0] =	vst v26  }
0x9b: {  	v17 =	vld.idx.msk [tilespmem:v17+s4+$0x0], $0xffff;
	[tilespmem:s0+$0x22E0] =	vst v28  }
0x9c: {  	[tilespmem:s0+$0x2300] =	vst v20;
	v15 =	vld.idx.msk [tilespmem:v15+s4+$0x0], $0xffff  }
0x9d: {  	v19 =	vld.idx.msk [tilespmem:v19+s4+$0x0], $0xffff;
	[tilespmem:s0+$0x23F0] =	vst v23  }
0x9e: {  	[tilespmem:s0+$0x2310] =	vst v21;
	v0 =	vld.idx.msk [tilespmem:v0+s4+$0x0], $0xffff  }
0x9f: {  	v12 =	vld.idx.msk [tilespmem:v12+s4+$0x0], $0xffff;
	[tilespmem:s0+$0x2320] =	vst v18  }
0xa0: {  	v18 =	vld.idx.msk [tilespmem:v10+s4+$0x0], $0xffff;
	[tilespmem:s0+$0x2330] =	vst v16  }
0xa1: {  	v14 =	vld.idx.msk [tilespmem:v14+s4+$0x0], $0xffff;
	[tilespmem:s0+$0x2340] =	vst v17  }
0xa2: {  	v16 =	vld.idx.msk [tilespmem:v11+s4+$0x0], $0xffff;
	[tilespmem:s0+$0x2350] =	vst v15  }
0xa3: {  	v11 =	vld.idx.msk [tilespmem:v9+s4+$0x0], $0xffff;
	[tilespmem:s0+$0x2360] =	vst v19  }
.Ltmp0:
0xa4: {  	v10 =	vld.idx.msk [tilespmem:v13+s4+$0x0], $0xffff;
	[tilespmem:s0+$0x2470] =	vst v0;
	(pc) =	sbr.rel @p0 .LBB2_2-.Ltmp0, $4  }
0xa5: {  	[tilespmem:s0+$0x2380] =	vst v12;
	v9 =	vld.idx.msk [tilespmem:v8+s4+$0x0], $0xffff  }
0xa6: {  	v8 =	vld.idx.msk [tilespmem:v2+s4+$0x0], $0xffff;
	[tilespmem:s0+$0x2390] =	vst v18  }
0xa7: {  	v7 =	vld.idx.msk [tilespmem:v7+s4+$0x0], $0xffff;
	[tilespmem:s0+$0x23A0] =	vst v14  }
0xa8: {  	v2 =	vld.idx.msk [tilespmem:v6+s4+$0x0], $0xffff;
	[tilespmem:s0+$0x23B0] =	vst v16  }
0xa9: {  	_ =	sdelay $0x2  }
0xaa: {  	[tilespmem:s0+$0x23C0] =	vst v11  }
0xab: {  	v0 =	vld.idx.msk [tilespmem:v4+s4+$0x0], $0xffff;
	[tilespmem:s0+$0x23D0] =	vst v10  }
0xac: {  	v4 =	vld.idx.msk [tilespmem:v5+s4+$0x0], $0xffff;
	[tilespmem:s0+$0x23E0] =	vst v9  }
0xad: {  	v3 =	vld.idx.msk [tilespmem:v3+s4+$0x0], $0xffff;
	[tilespmem:s0+$0x2400] =	vst v8  }
0xae: {  	v1 =	vld.idx.msk [tilespmem:v1+s4+$0x0], $0xffff;
	[tilespmem:s0+$0x2410] =	vst v7  }
0xaf: {  	[tilespmem:s0+$0x2420] =	vst v2  }
0xb0: {  	[tilespmem:s0+$0x2430] =	vst v0  }
0xb1: {  	[tilespmem:s0+$0x2440] =	vst v4  }
0xb2: {  	[tilespmem:s0+$0x2450] =	vst v3  }
0xb3: {  	[tilespmem:s0+$0x2460] =	vst v1  }
0xb4: {  	[hbm4b:s10+s23] =	stream.strided.scatter [tilespmem:s25], [sflag:$0x3], $0x8000, s24, s23, $0x38;
	[tilespmem:$0x12080] =	vst v63  }
0xb5: {  	s0 =	simm.s32 $0x0;
	s2 =	rddreg [dreg:$0x6]  }
0xb6: {  	[tilespmem:s19], [sflag:$0x1] =	stream.linear.gather [hbm4b:s2+s0], $0x1000, $0x38;
	[tilespmem:$0x12080] =	vst v63  }
0xb7: {  	s12 =	simm.s32 $0x0;
	_ =	swait.ge [sflag:s26], $0x1000  }
0xb8: {  	s6 =	sand.u32 $0xC00, s0;
	s2 =	sand.u32 $0x3FFFFF80, s12;
	[sflag:s26] =	ssyncset.done $0x0  }
0xb9: {  	s2 =	sadd.s32 s6, s2;
	[sflag:s26] =	ssyncadd.s32 $0xFFFFF000  }
0xba: {  	v7 =	vld [tilespmem:s2+$0x10F0]  }
0xbb: {  	v6 =	vld [tilespmem:s2+$0x1080]  }
0xbc: {  	v5 =	vld [tilespmem:s2+$0x1090]  }
0xbd: {  	v4 =	vld [tilespmem:s2+$0x10A0]  }
0xbe: {  	v3 =	vld [tilespmem:s2+$0x10B0]  }
0xbf: {  	v0 =	vld [tilespmem:s2+$0x10C0]  }
0xc0: {  	v1 =	vld [tilespmem:s2+$0x10D0]  }
0xc1: {  	v2 =	vld [tilespmem:s2+$0x10E0]  }
0xc2: {  	v8 =	vld.idx.msk [tilespmem:v7+s4+$0x0], $0xffff  }
0xc3: {  	v9 =	vld.idx.msk [tilespmem:v6+s4+$0x0], $0xffff  }
0xc4: {  	v10 =	vld.idx.msk [tilespmem:v5+s4+$0x0], $0xffff  }
0xc5: {  	s13 =	simm.s32 $0x0;
	v11 =	vadd.s32 $0x8, v7;
	v12 =	vld.idx.msk [tilespmem:v4+s4+$0x0], $0xffff  }
0xc6: {  	s2 =	sand.u32 $0x3FFFF000, s13;
	v13 =	vadd.s32 $0x8, v6;
	v14 =	vld.idx.msk [tilespmem:v3+s4+$0x0], $0xffff  }
0xc7: {  	s2 =	sor.u32 s6, s2;
	v15 =	vadd.s32 $0x8, v5;
	v16 =	vld.idx.msk [tilespmem:v0+s4+$0x0], $0xffff  }
0xc8: {  	v17 =	vadd.s32 $0x8, v4;
	v18 =	vld.idx.msk [tilespmem:v1+s4+$0x0], $0xffff;
	[tilespmem:s2+$0xA0F0] =	vst v8  }
0xc9: {  	v19 =	vadd.s32 $0x8, v1;
	[tilespmem:s2+$0xA090] =	vst v10;
	v10 =	vld.idx.msk [tilespmem:v2+s4+$0x0], $0xffff  }
0xca: {  	v8 =	vadd.s32 $0x8, v3;
	[tilespmem:s2+$0xA080] =	vst v9;
	v9 =	vld.idx.msk [tilespmem:v11+s4+$0x0], $0xffff  }
0xcb: {  	[tilespmem:s2+$0xA0A0] =	vst v12;
	v11 =	vadd.s32 $0x8, v0;
	v13 =	vld.idx.msk [tilespmem:v13+s4+$0x0], $0xffff  }
0xcc: {  	v26 =	vadd.s32 $0x8, v2;
	[tilespmem:s2+$0xA0B0] =	vst v14;
	v15 =	vld.idx.msk [tilespmem:v15+s4+$0x0], $0xffff  }
0xcd: {  	v25 =	vadd.s32 $0x10, v7;
	[tilespmem:s2+$0xA0D0] =	vst v18;
	v17 =	vld.idx.msk [tilespmem:v17+s4+$0x0], $0xffff  }
0xce: {  	v27 =	vadd.s32 $0x10, v6;
	[tilespmem:s2+$0xA0C0] =	vst v16;
	v30 =	vld.idx.msk [tilespmem:v19+s4+$0x0], $0xffff  }
0xcf: {  	v28 =	vadd.s32 $0x10, v5;
	v8 =	vld.idx.msk [tilespmem:v8+s4+$0x0], $0xffff;
	[tilespmem:s2+$0xA0E0] =	vst v10  }
0xd0: {  	v33 =	vadd.s32 $0x10, v1;
	v11 =	vld.idx.msk [tilespmem:v11+s4+$0x0], $0xffff;
	[tilespmem:s2+$0xA170] =	vst v9  }
0xd1: {  	v9 =	vadd.s32 $0x10, v4;
	[tilespmem:s2+$0xA100] =	vst v13;
	v14 =	vld.idx.msk [tilespmem:v26+s4+$0x0], $0xffff  }
0xd2: {  	v29 =	vadd.s32 $0x10, v3;
	[tilespmem:s2+$0xA110] =	vst v15;
	v10 =	vld.idx.msk [tilespmem:v25+s4+$0x0], $0xffff  }
0xd3: {  	v32 =	vadd.s32 $0x10, v0;
	[tilespmem:s2+$0xA120] =	vst v17;
	v16 =	vld.idx.msk [tilespmem:v27+s4+$0x0], $0xffff  }
0xd4: {  	v31 =	vadd.s32 $0x18, v7;
	[tilespmem:s2+$0xA150] =	vst v30;
	v18 =	vld.idx.msk [tilespmem:v28+s4+$0x0], $0xffff  }
0xd5: {  	v36 =	vld.idx.msk [tilespmem:v33+s4+$0x0], $0xffff;
	[tilespmem:s2+$0xA130] =	vst v8;
	v8 =	vadd.s32 $0x10, v2  }
0xd6: {  	v9 =	vld.idx.msk [tilespmem:v9+s4+$0x0], $0xffff;
	[tilespmem:s2+$0xA140] =	vst v11;
	v11 =	vadd.s32 $0x18, v6  }
0xd7: {  	v12 =	vld.idx.msk [tilespmem:v29+s4+$0x0], $0xffff;
	[tilespmem:s2+$0xA1F0] =	vst v10;
	v10 =	vadd.s32 $0x18, v5  }
0xd8: {  	v35 =	vadd.s32 $0x18, v4;
	[tilespmem:s2+$0xA160] =	vst v14;
	v19 =	vld.idx.msk [tilespmem:v32+s4+$0x0], $0xffff  }
0xd9: {  	v38 =	vadd.s32 $0x18, v3;
	[tilespmem:s2+$0xA180] =	vst v16;
	v34 =	vld.idx.msk [tilespmem:v31+s4+$0x0], $0xffff  }
0xda: {  	v39 =	vadd.s32 $0x18, v0;
	[tilespmem:s2+$0xA190] =	vst v18;
	v8 =	vld.idx.msk [tilespmem:v8+s4+$0x0], $0xffff  }
0xdb: {  	v37 =	vadd.s32 $0x20, v7;
	[tilespmem:s2+$0xA1D0] =	vst v36;
	v11 =	vld.idx.msk [tilespmem:v11+s4+$0x0], $0xffff  }
0xdc: {  	[tilespmem:s2+$0xA1A0] =	vst v9;
	v9 =	vadd.s32 $0x18, v1;
	v10 =	vld.idx.msk [tilespmem:v10+s4+$0x0], $0xffff  }
0xdd: {  	v40 =	vadd.s32 $0x18, v2;
	[tilespmem:s2+$0xA1B0] =	vst v12;
	v15 =	vld.idx.msk [tilespmem:v35+s4+$0x0], $0xffff  }
0xde: {  	v41 =	vadd.s32 $0x20, v6;
	[tilespmem:s2+$0xA1C0] =	vst v19;
	v17 =	vld.idx.msk [tilespmem:v38+s4+$0x0], $0xffff  }
0xdf: {  	v42 =	vadd.s32 $0x20, v5;
	[tilespmem:s2+$0xA270] =	vst v34;
	v43 =	vld.idx.msk [tilespmem:v39+s4+$0x0], $0xffff  }
0xe0: {  	v44 =	vadd.s32 $0x20, v4;
	v16 =	vld.idx.msk [tilespmem:v37+s4+$0x0], $0xffff;
	[tilespmem:s2+$0xA1E0] =	vst v8  }
0xe1: {  	v45 =	vadd.s32 $0x20, v0;
	[tilespmem:s2+$0xA200] =	vst v11;
	v9 =	vld.idx.msk [tilespmem:v9+s4+$0x0], $0xffff  }
0xe2: {  	v8 =	vadd.s32 $0x28, v7;
	[tilespmem:s2+$0xA210] =	vst v10;
	v10 =	vld.idx.msk [tilespmem:v40+s4+$0x0], $0xffff  }
0xe3: {  	v11 =	vadd.s32 $0x20, v3;
	v13 =	vld.idx.msk [tilespmem:v41+s4+$0x0], $0xffff;
	[tilespmem:s2+$0xA220] =	vst v15  }
0xe4: {  	v46 =	vadd.s32 $0x20, v1;
	[tilespmem:s2+$0xA230] =	vst v17;
	v19 =	vld.idx.msk [tilespmem:v42+s4+$0x0], $0xffff  }
0xe5: {  	v47 =	vadd.s32 $0x20, v2;
	v18 =	vld.idx.msk [tilespmem:v44+s4+$0x0], $0xffff;
	[tilespmem:s2+$0xA240] =	vst v43  }
0xe6: {  	v48 =	vadd.s32 $0x28, v6;
	[tilespmem:s2+$0xA2F0] =	vst v16;
	v12 =	vld.idx.msk [tilespmem:v45+s4+$0x0], $0xffff  }
0xe7: {  	v49 =	vadd.s32 $0x28, v5;
	v8 =	vld.idx.msk [tilespmem:v8+s4+$0x0], $0xffff;
	[tilespmem:s2+$0xA250] =	vst v9  }
0xe8: {  	v52 =	vadd.s32 $0x28, v0;
	v11 =	vld.idx.msk [tilespmem:v11+s4+$0x0], $0xffff;
	[tilespmem:s2+$0xA260] =	vst v10  }
0xe9: {  	v9 =	vadd.s32 $0x30, v7;
	[tilespmem:s2+$0xA280] =	vst v13;
	v50 =	vld.idx.msk [tilespmem:v46+s4+$0x0], $0xffff  }
0xea: {  	v10 =	vadd.s32 $0x28, v4;
	[tilespmem:s2+$0xA290] =	vst v19;
	v16 =	vld.idx.msk [tilespmem:v47+s4+$0x0], $0xffff  }
0xeb: {  	v51 =	vadd.s32 $0x28, v3;
	v17 =	vld.idx.msk [tilespmem:v48+s4+$0x0], $0xffff;
	[tilespmem:s2+$0xA2A0] =	vst v18  }
0xec: {  	v53 =	vadd.s32 $0x28, v2;
	v14 =	vld.idx.msk [tilespmem:v49+s4+$0x0], $0xffff;
	[tilespmem:s2+$0xA2C0] =	vst v12  }
0xed: {  	[tilespmem:s2+$0xA370] =	vst v8;
	v8 =	vadd.s32 $0x28, v1;
	v56 =	vld.idx.msk [tilespmem:v52+s4+$0x0], $0xffff  }
0xee: {  	v55 =	vadd.s32 $0x30, v5;
	v9 =	vld.idx.msk [tilespmem:v9+s4+$0x0], $0xffff;
	[tilespmem:s2+$0xA2B0] =	vst v11  }
0xef: {  	v11 =	vadd.s32 $0x30, v6;
	v10 =	vld.idx.msk [tilespmem:v10+s4+$0x0], $0xffff;
	[tilespmem:s2+$0xA2D0] =	vst v50  }
0xf0: {  	v7 =	vadd.s32 $0x38, v7;
	v54 =	vld.idx.msk [tilespmem:v51+s4+$0x0], $0xffff;
	[tilespmem:s2+$0xA2E0] =	vst v16  }
0xf1: {  	v57 =	vadd.s32 $0x30, v4;
	[tilespmem:s2+$0xA300] =	vst v17;
	v18 =	vld.idx.msk [tilespmem:v53+s4+$0x0], $0xffff  }
0xf2: {  	v58 =	vadd.s32 $0x30, v3;
	[tilespmem:s2+$0xA310] =	vst v14;
	v8 =	vld.idx.msk [tilespmem:v8+s4+$0x0], $0xffff  }
0xf3: {  	v13 =	vld.idx.msk [tilespmem:v55+s4+$0x0], $0xffff;
	[tilespmem:s2+$0xA3F0] =	vst v9;
	v9 =	vadd.s32 $0x30, v0  }
0xf4: {  	v59 =	vadd.s32 $0x30, v1;
	[tilespmem:s2+$0xA340] =	vst v56;
	v60 =	vld.idx.msk [tilespmem:v11+s4+$0x0], $0xffff  }
0xf5: {  	v5 =	vadd.s32 $0x38, v5;
	v7 =	vld.idx.msk [tilespmem:v7+s4+$0x0], $0xffff;
	[tilespmem:s2+$0xA320] =	vst v10  }
0xf6: {  	v20 =	vadd.s32 $0x30, v2;
	[tilespmem:s2+$0xA330] =	vst v54;
	v61 =	vld.idx.msk [tilespmem:v57+s4+$0x0], $0xffff  }
0xf7: {  	v6 =	vadd.s32 $0x38, v6;
	v62 =	vld.idx.msk [tilespmem:v58+s4+$0x0], $0xffff;
	[tilespmem:s2+$0xA360] =	vst v18  }
0xf8: {  	v63 =	vadd.s32 $0x38, v4;
	[tilespmem:s2+$0xA350] =	vst v8;
	v11 =	vld.idx.msk [tilespmem:v9+s4+$0x0], $0xffff  }
0xf9: {  	v4 =	vadd.s32 $0x38, v3;
	[tilespmem:s2+$0xA390] =	vst v13;
	v10 =	vld.idx.msk [tilespmem:v59+s4+$0x0], $0xffff  }
0xfa: {  	[tilespmem:s2+$0xA470] =	vst v7;
	v7 =	vld.idx.msk [tilespmem:v5+s4+$0x0], $0xffff;
	v5 =	vadd.s32 $0x38, v0  }
0xfb: {  	v3 =	vadd.s32 $0x38, v1;
	[tilespmem:s2+$0xA380] =	vst v60;
	v9 =	vld.idx.msk [tilespmem:v20+s4+$0x0], $0xffff  }
0xfc: {  	v1 =	vadd.s32 $0x38, v2;
	v8 =	vld.idx.msk [tilespmem:v6+s4+$0x0], $0xffff;
	[tilespmem:s2+$0xA3A0] =	vst v61  }
0xfd: {  	s6 =	simm.s32 $0x0;
	[tilespmem:s2+$0xA3B0] =	vst v62;
	v2 =	vld.idx.msk [tilespmem:v63+s4+$0x0], $0xffff  }
.LBB2_4:
0xfe: {  	s6 =	sadd.s32 $0x8, s6;
	v4 =	vld.idx.msk [tilespmem:v4+s4+$0x0], $0xffff;
	[tilespmem:s2+$0xA3C0] =	vst v11  }
0xff: {  	s0 =	sadd.s32 $0x400, s0;
	s11 =	sshll.u32 s6, $0x2;
	p0 =	slt.u32 s6, $0xF8;
	v5 =	vld.idx.msk [tilespmem:v5+s4+$0x0], $0xffff;
	[tilespmem:s2+$0xA3D0] =	vst v10  }
0x100: {  	s8 =	sand.u32 $0xC00, s0;
	s11 =	sand.u32 $0x3FFFFF80, s11;
	v3 =	vld.idx.msk [tilespmem:v3+s4+$0x0], $0xffff;
	[tilespmem:s2+$0xA3E0] =	vst v9  }
0x101: {  	s11 =	sadd.s32 s8, s11;
	[tilespmem:s2+$0xA400] =	vst v8;
	v1 =	vld.idx.msk [tilespmem:v1+s4+$0x0], $0xffff  }
0x102: {  	v0 =	vld [tilespmem:s11+$0x10F0];
	[tilespmem:s2+$0xA410] =	vst v7  }
0x103: {  	v6 =	vld [tilespmem:s11+$0x1080];
	[tilespmem:s2+$0xA420] =	vst v2  }
0x104: {  	v7 =	vld [tilespmem:s11+$0x1090];
	[tilespmem:s2+$0xA430] =	vst v4  }
0x105: {  	v4 =	vld [tilespmem:s11+$0x10A0];
	[tilespmem:s2+$0xA440] =	vst v5  }
0x106: {  	v5 =	vld [tilespmem:s11+$0x10B0];
	[tilespmem:s2+$0xA450] =	vst v3  }
0x107: {  	v3 =	vld [tilespmem:s11+$0x10C0];
	[tilespmem:s2+$0xA460] =	vst v1  }
0x108: {  	v1 =	vadd.s32 $0x8, v6;
	v22 =	vadd.s32 $0x10, v6;
	v23 =	vadd.s32 $0x18, v6;
	v24 =	vld [tilespmem:s11+$0x10D0]  }
0x109: {  	v2 =	vadd.s32 $0x8, v7;
	v25 =	vadd.s32 $0x10, v7;
	v26 =	vadd.s32 $0x18, v7;
	v27 =	vld [tilespmem:s11+$0x10E0]  }
0x10a: {  	v8 =	vadd.s32 $0x8, v4;
	v28 =	vadd.s32 $0x10, v4;
	v29 =	vadd.s32 $0x18, v4;
	v9 =	vld.idx.msk [tilespmem:v0+s4+$0x0], $0xffff  }
0x10b: {  	v10 =	vld.idx.msk [tilespmem:v6+s4+$0x0], $0xffff;
	v13 =	vadd.s32 $0x8, v5;
	v30 =	vadd.s32 $0x10, v5;
	v31 =	vadd.s32 $0x18, v5  }
0x10c: {  	v12 =	vadd.s32 $0x8, v0;
	v11 =	vld.idx.msk [tilespmem:v7+s4+$0x0], $0xffff;
	v32 =	vadd.s32 $0x8, v3;
	v33 =	vadd.s32 $0x10, v3  }
0x10d: {  	s2 =	sshll.u32 s6, $0x7;
	v34 =	vadd.s32 $0x18, v3;
	v14 =	vld.idx.msk [tilespmem:v4+s4+$0x0], $0xffff;
	v35 =	vadd.s32 $0x8, v24;
	v36 =	vadd.s32 $0x10, v24  }
0x10e: {  	s2 =	sand.u32 $0x3FFFF000, s2;
	v37 =	vadd.s32 $0x18, v24;
	v19 =	vld.idx.msk [tilespmem:v5+s4+$0x0], $0xffff;
	v38 =	vadd.s32 $0x8, v27;
	v39 =	vadd.s32 $0x10, v27  }
0x10f: {  	v40 =	vadd.s32 $0x20, v6;
	s2 =	sor.u32 s8, s2;
	v41 =	vadd.s32 $0x20, v7;
	v43 =	vadd.s32 $0x18, v27;
	v42 =	vld.idx.msk [tilespmem:v3+s4+$0x0], $0xffff  }
0x110: {  	v44 =	vadd.s32 $0x20, v4;
	v45 =	vadd.s32 $0x20, v5;
	v46 =	vadd.s32 $0x20, v3;
	v47 =	vld.idx.msk [tilespmem:v24+s4+$0x0], $0xffff;
	[tilespmem:s2+$0xA0F0] =	vst v9  }
0x111: {  	v20 =	vadd.s32 $0x28, v6;
	v48 =	vadd.s32 $0x20, v24;
	v49 =	vadd.s32 $0x20, v27;
	[tilespmem:s2+$0xA080] =	vst v10;
	v50 =	vld.idx.msk [tilespmem:v12+s4+$0x0], $0xffff  }
0x112: {  	v21 =	vadd.s32 $0x28, v7;
	v18 =	vadd.s32 $0x28, v4;
	v16 =	vadd.s32 $0x28, v5;
	[tilespmem:s2+$0xA090] =	vst v11;
	v51 =	vld.idx.msk [tilespmem:v27+s4+$0x0], $0xffff  }
0x113: {  	v53 =	vadd.s32 $0x10, v0;
	v17 =	vadd.s32 $0x28, v3;
	v15 =	vadd.s32 $0x28, v24;
	v52 =	vld.idx.msk [tilespmem:v1+s4+$0x0], $0xffff;
	[tilespmem:s2+$0xA0A0] =	vst v14  }
0x114: {  	v12 =	vadd.s32 $0x30, v6;
	v10 =	vadd.s32 $0x30, v7;
	v54 =	vld.idx.msk [tilespmem:v2+s4+$0x0], $0xffff;
	[tilespmem:s2+$0xA0B0] =	vst v19;
	v19 =	vadd.s32 $0x28, v27  }
0x115: {  	v9 =	vadd.s32 $0x30, v3;
	v11 =	vadd.s32 $0x30, v5;
	v14 =	vadd.s32 $0x30, v4;
	v55 =	vld.idx.msk [tilespmem:v8+s4+$0x0], $0xffff;
	[tilespmem:s2+$0xA0C0] =	vst v42  }
0x116: {  	v2 =	vadd.s32 $0x38, v6;
	v8 =	vadd.s32 $0x30, v27;
	v42 =	vld.idx.msk [tilespmem:v13+s4+$0x0], $0xffff;
	[tilespmem:s2+$0xA0D0] =	vst v47;
	v13 =	vadd.s32 $0x30, v24  }
0x117: {  	v7 =	vadd.s32 $0x38, v7;
	v6 =	vadd.s32 $0x38, v4;
	v4 =	vadd.s32 $0x38, v5;
	v32 =	vld.idx.msk [tilespmem:v32+s4+$0x0], $0xffff;
	[tilespmem:s2+$0xA170] =	vst v50  }
0x118: {  	v1 =	vadd.s32 $0x38, v27;
	v5 =	vadd.s32 $0x38, v3;
	v3 =	vadd.s32 $0x38, v24;
	[tilespmem:s2+$0xA0E0] =	vst v51;
	v24 =	vld.idx.msk [tilespmem:v53+s4+$0x0], $0xffff  }
0x119: {  	[tilespmem:s2+$0xA100] =	vst v52;
	v27 =	vld.idx.msk [tilespmem:v35+s4+$0x0], $0xffff  }
0x11a: {  	[tilespmem:s2+$0xA110] =	vst v54;
	v35 =	vld.idx.msk [tilespmem:v38+s4+$0x0], $0xffff;
	v38 =	vadd.s32 $0x18, v0  }
0x11b: {  	v22 =	vld.idx.msk [tilespmem:v22+s4+$0x0], $0xffff;
	[tilespmem:s2+$0xA120] =	vst v55  }
0x11c: {  	v25 =	vld.idx.msk [tilespmem:v25+s4+$0x0], $0xffff;
	[tilespmem:s2+$0xA130] =	vst v42  }
0x11d: {  	v28 =	vld.idx.msk [tilespmem:v28+s4+$0x0], $0xffff;
	[tilespmem:s2+$0xA140] =	vst v32  }
0x11e: {  	v30 =	vld.idx.msk [tilespmem:v30+s4+$0x0], $0xffff;
	[tilespmem:s2+$0xA1F0] =	vst v24  }
0x11f: {  	[tilespmem:s2+$0xA150] =	vst v27;
	v24 =	vld.idx.msk [tilespmem:v38+s4+$0x0], $0xffff  }
0x120: {  	v27 =	vld.idx.msk [tilespmem:v33+s4+$0x0], $0xffff;
	[tilespmem:s2+$0xA160] =	vst v35  }
0x121: {  	v32 =	vadd.s32 $0x20, v0;
	[tilespmem:s2+$0xA180] =	vst v22;
	v22 =	vld.idx.msk [tilespmem:v36+s4+$0x0], $0xffff  }
0x122: {  	[tilespmem:s2+$0xA190] =	vst v25;
	v25 =	vld.idx.msk [tilespmem:v39+s4+$0x0], $0xffff  }
0x123: {  	v23 =	vld.idx.msk [tilespmem:v23+s4+$0x0], $0xffff;
	[tilespmem:s2+$0xA1A0] =	vst v28  }
0x124: {  	v26 =	vld.idx.msk [tilespmem:v26+s4+$0x0], $0xffff;
	[tilespmem:s2+$0xA1B0] =	vst v30  }
0x125: {  	v28 =	vld.idx.msk [tilespmem:v29+s4+$0x0], $0xffff;
	[tilespmem:s2+$0xA270] =	vst v24  }
0x126: {  	[tilespmem:s2+$0xA1C0] =	vst v27;
	v24 =	vld.idx.msk [tilespmem:v32+s4+$0x0], $0xffff  }
0x127: {  	v27 =	vld.idx.msk [tilespmem:v31+s4+$0x0], $0xffff;
	[tilespmem:s2+$0xA1D0] =	vst v22  }
0x128: {  	v22 =	vld.idx.msk [tilespmem:v34+s4+$0x0], $0xffff;
	[tilespmem:s2+$0xA1E0] =	vst v25;
	v25 =	vadd.s32 $0x28, v0  }
0x129: {  	[tilespmem:s2+$0xA200] =	vst v23;
	v23 =	vld.idx.msk [tilespmem:v37+s4+$0x0], $0xffff  }
0x12a: {  	[tilespmem:s2+$0xA210] =	vst v26;
	v26 =	vld.idx.msk [tilespmem:v43+s4+$0x0], $0xffff  }
0x12b: {  	v29 =	vld.idx.msk [tilespmem:v40+s4+$0x0], $0xffff;
	[tilespmem:s2+$0xA220] =	vst v28  }
0x12c: {  	v28 =	vld.idx.msk [tilespmem:v41+s4+$0x0], $0xffff;
	[tilespmem:s2+$0xA2F0] =	vst v24  }
0x12d: {  	[tilespmem:s2+$0xA230] =	vst v27;
	v24 =	vld.idx.msk [tilespmem:v25+s4+$0x0], $0xffff  }
0x12e: {  	v25 =	vld.idx.msk [tilespmem:v44+s4+$0x0], $0xffff;
	[tilespmem:s2+$0xA240] =	vst v22  }
0x12f: {  	v22 =	vld.idx.msk [tilespmem:v45+s4+$0x0], $0xffff;
	[tilespmem:s2+$0xA250] =	vst v23;
	v23 =	vadd.s32 $0x30, v0  }
0x130: {  	v27 =	vld.idx.msk [tilespmem:v46+s4+$0x0], $0xffff;
	[tilespmem:s2+$0xA260] =	vst v26  }
0x131: {  	[tilespmem:s2+$0xA280] =	vst v29;
	v26 =	vld.idx.msk [tilespmem:v48+s4+$0x0], $0xffff  }
0x132: {  	[tilespmem:s2+$0xA290] =	vst v28;
	v28 =	vld.idx.msk [tilespmem:v49+s4+$0x0], $0xffff  }
0x133: {  	v20 =	vld.idx.msk [tilespmem:v20+s4+$0x0], $0xffff;
	[tilespmem:s2+$0xA370] =	vst v24  }
0x134: {  	[tilespmem:s2+$0xA2A0] =	vst v25;
	v23 =	vld.idx.msk [tilespmem:v23+s4+$0x0], $0xffff  }
0x135: {  	v21 =	vld.idx.msk [tilespmem:v21+s4+$0x0], $0xffff;
	[tilespmem:s2+$0xA2B0] =	vst v22  }
0x136: {  	v0 =	vadd.s32 $0x38, v0;
	v18 =	vld.idx.msk [tilespmem:v18+s4+$0x0], $0xffff;
	[tilespmem:s2+$0xA2C0] =	vst v27  }
0x137: {  	v16 =	vld.idx.msk [tilespmem:v16+s4+$0x0], $0xffff;
	[tilespmem:s2+$0xA2D0] =	vst v26  }
0x138: {  	v17 =	vld.idx.msk [tilespmem:v17+s4+$0x0], $0xffff;
	[tilespmem:s2+$0xA2E0] =	vst v28  }
0x139: {  	[tilespmem:s2+$0xA300] =	vst v20;
	v15 =	vld.idx.msk [tilespmem:v15+s4+$0x0], $0xffff  }
0x13a: {  	v19 =	vld.idx.msk [tilespmem:v19+s4+$0x0], $0xffff;
	[tilespmem:s2+$0xA3F0] =	vst v23  }
0x13b: {  	[tilespmem:s2+$0xA310] =	vst v21;
	v0 =	vld.idx.msk [tilespmem:v0+s4+$0x0], $0xffff  }
0x13c: {  	v12 =	vld.idx.msk [tilespmem:v12+s4+$0x0], $0xffff;
	[tilespmem:s2+$0xA320] =	vst v18  }
0x13d: {  	v18 =	vld.idx.msk [tilespmem:v10+s4+$0x0], $0xffff;
	[tilespmem:s2+$0xA330] =	vst v16  }
0x13e: {  	v14 =	vld.idx.msk [tilespmem:v14+s4+$0x0], $0xffff;
	[tilespmem:s2+$0xA340] =	vst v17  }
0x13f: {  	v16 =	vld.idx.msk [tilespmem:v11+s4+$0x0], $0xffff;
	[tilespmem:s2+$0xA350] =	vst v15  }
0x140: {  	v11 =	vld.idx.msk [tilespmem:v9+s4+$0x0], $0xffff;
	[tilespmem:s2+$0xA360] =	vst v19  }
.Ltmp1:
0x141: {  	v10 =	vld.idx.msk [tilespmem:v13+s4+$0x0], $0xffff;
	[tilespmem:s2+$0xA470] =	vst v0;
	(pc) =	sbr.rel @p0 .LBB2_4-.Ltmp1, $4  }
0x142: {  	[tilespmem:s2+$0xA380] =	vst v12;
	v9 =	vld.idx.msk [tilespmem:v8+s4+$0x0], $0xffff  }
0x143: {  	v8 =	vld.idx.msk [tilespmem:v2+s4+$0x0], $0xffff;
	[tilespmem:s2+$0xA390] =	vst v18  }
0x144: {  	v7 =	vld.idx.msk [tilespmem:v7+s4+$0x0], $0xffff;
	[tilespmem:s2+$0xA3A0] =	vst v14  }
0x145: {  	v2 =	vld.idx.msk [tilespmem:v6+s4+$0x0], $0xffff;
	[tilespmem:s2+$0xA3B0] =	vst v16  }
0x146: {  	_ =	sdelay $0x2  }
0x147: {  	[tilespmem:s2+$0xA3C0] =	vst v11  }
0x148: {  	v0 =	vld.idx.msk [tilespmem:v4+s4+$0x0], $0xffff;
	[tilespmem:s2+$0xA3D0] =	vst v10  }
0x149: {  	v63 =	vld.idx.msk [tilespmem:v5+s4+$0x0], $0xffff;
	[tilespmem:s2+$0xA3E0] =	vst v9  }
0x14a: {  	v3 =	vld.idx.msk [tilespmem:v3+s4+$0x0], $0xffff;
	[tilespmem:s2+$0xA400] =	vst v8  }
0x14b: {  	v1 =	vld.idx.msk [tilespmem:v1+s4+$0x0], $0xffff;
	[tilespmem:s2+$0xA410] =	vst v7  }
0x14c: {  	[tilespmem:s2+$0xA420] =	vst v2  }
0x14d: {  	[tilespmem:s2+$0xA430] =	vst v0  }
0x14e: {  	[tilespmem:s2+$0xA440] =	vst v63  }
0x14f: {  	[tilespmem:s2+$0xA450] =	vst v3  }
0x150: {  	[tilespmem:s2+$0xA460] =	vst v1  }
0x151: {  	s0 =	rddreg [dreg:$0x7]  }
0x152: {  	[hbm4b:s0+s23] =	stream.strided.scatter [tilespmem:s28], [sflag:$0x4], $0x8000, s24, s23, $0x38;
	[tilespmem:$0x12080] =	vst v63  }
0x153: {  	s13 =	rddreg [dreg:$0x8];
	s0 =	simm.s32 $0x1  }
0x154: {  	[tilespmem:s20], [sflag:$0x2] =	stream.linear.gather [hbm4b:s13+s4], $0x1000, $0x38;
	[tilespmem:$0x12080] =	vst v63  }
.LBB2_6:
0x155: {  	_ =	swait.ge [sflag:s29], $0x8000  }
0x156: {  	[sflag:s29] =	ssyncset.done $0x0  }
0x157: {  	[sflag:s29] =	ssyncadd.s32 $0xFFFF8000  }
0x158: {  	s2 =	simm.s32 $0x0;
	s6 =	simm.s32 $0x0;
	_ =	swait.ge [sflag:s22], $0x1000  }
0x159: {  	s8 =	sand.u32 $0xC00, s2;
	s6 =	sand.u32 $0x3FFFFF80, s6;
	[sflag:s22] =	ssyncset.done $0x0  }
0x15a: {  	s6 =	sadd.s32 s8, s6;
	[sflag:s22] =	ssyncadd.s32 $0xFFFFF000  }
0x15b: {  	v7 =	vld [tilespmem:s6+$0xF0]  }
0x15c: {  	v6 =	vld [tilespmem:s6+$0x80]  }
0x15d: {  	v5 =	vld [tilespmem:s6+$0x90]  }
0x15e: {  	v4 =	vld [tilespmem:s6+$0xA0]  }
0x15f: {  	v3 =	vld [tilespmem:s6+$0xB0]  }
0x160: {  	v0 =	vld [tilespmem:s6+$0xC0]  }
0x161: {  	v1 =	vld [tilespmem:s6+$0xD0]  }
0x162: {  	v2 =	vld [tilespmem:s6+$0xE0]  }
0x163: {  	v8 =	vld.idx.msk [tilespmem:v7+s4+$0x0], $0xffff  }
0x164: {  	v9 =	vld.idx.msk [tilespmem:v6+s4+$0x0], $0xffff  }
0x165: {  	v10 =	vld.idx.msk [tilespmem:v5+s4+$0x0], $0xffff  }
0x166: {  	s13 =	simm.s32 $0x0;
	v11 =	vadd.s32 $0x8, v7;
	v12 =	vld.idx.msk [tilespmem:v4+s4+$0x0], $0xffff  }
0x167: {  	s6 =	sand.u32 $0x3FFFF000, s13;
	v13 =	vadd.s32 $0x8, v6;
	v14 =	vld.idx.msk [tilespmem:v3+s4+$0x0], $0xffff  }
0x168: {  	s6 =	sor.u32 s8, s6;
	v15 =	vadd.s32 $0x8, v5;
	v16 =	vld.idx.msk [tilespmem:v0+s4+$0x0], $0xffff  }
0x169: {  	v17 =	vadd.s32 $0x8, v4;
	v18 =	vld.idx.msk [tilespmem:v1+s4+$0x0], $0xffff;
	[tilespmem:s6+$0x20F0] =	vst v8  }
0x16a: {  	v19 =	vadd.s32 $0x8, v1;
	[tilespmem:s6+$0x2090] =	vst v10;
	v10 =	vld.idx.msk [tilespmem:v2+s4+$0x0], $0xffff  }
0x16b: {  	v8 =	vadd.s32 $0x8, v3;
	[tilespmem:s6+$0x2080] =	vst v9;
	v9 =	vld.idx.msk [tilespmem:v11+s4+$0x0], $0xffff  }
0x16c: {  	[tilespmem:s6+$0x20A0] =	vst v12;
	v11 =	vadd.s32 $0x8, v0;
	v13 =	vld.idx.msk [tilespmem:v13+s4+$0x0], $0xffff  }
0x16d: {  	v26 =	vadd.s32 $0x8, v2;
	[tilespmem:s6+$0x20B0] =	vst v14;
	v15 =	vld.idx.msk [tilespmem:v15+s4+$0x0], $0xffff  }
0x16e: {  	v25 =	vadd.s32 $0x10, v7;
	[tilespmem:s6+$0x20D0] =	vst v18;
	v17 =	vld.idx.msk [tilespmem:v17+s4+$0x0], $0xffff  }
0x16f: {  	v27 =	vadd.s32 $0x10, v6;
	[tilespmem:s6+$0x20C0] =	vst v16;
	v30 =	vld.idx.msk [tilespmem:v19+s4+$0x0], $0xffff  }
0x170: {  	v28 =	vadd.s32 $0x10, v5;
	v8 =	vld.idx.msk [tilespmem:v8+s4+$0x0], $0xffff;
	[tilespmem:s6+$0x20E0] =	vst v10  }
0x171: {  	v33 =	vadd.s32 $0x10, v1;
	v11 =	vld.idx.msk [tilespmem:v11+s4+$0x0], $0xffff;
	[tilespmem:s6+$0x2170] =	vst v9  }
0x172: {  	v9 =	vadd.s32 $0x10, v4;
	[tilespmem:s6+$0x2100] =	vst v13;
	v14 =	vld.idx.msk [tilespmem:v26+s4+$0x0], $0xffff  }
0x173: {  	v29 =	vadd.s32 $0x10, v3;
	[tilespmem:s6+$0x2110] =	vst v15;
	v10 =	vld.idx.msk [tilespmem:v25+s4+$0x0], $0xffff  }
0x174: {  	v32 =	vadd.s32 $0x10, v0;
	[tilespmem:s6+$0x2120] =	vst v17;
	v16 =	vld.idx.msk [tilespmem:v27+s4+$0x0], $0xffff  }
0x175: {  	v31 =	vadd.s32 $0x18, v7;
	[tilespmem:s6+$0x2150] =	vst v30;
	v18 =	vld.idx.msk [tilespmem:v28+s4+$0x0], $0xffff  }
0x176: {  	v36 =	vld.idx.msk [tilespmem:v33+s4+$0x0], $0xffff;
	[tilespmem:s6+$0x2130] =	vst v8;
	v8 =	vadd.s32 $0x10, v2  }
0x177: {  	v9 =	vld.idx.msk [tilespmem:v9+s4+$0x0], $0xffff;
	[tilespmem:s6+$0x2140] =	vst v11;
	v11 =	vadd.s32 $0x18, v6  }
0x178: {  	v12 =	vld.idx.msk [tilespmem:v29+s4+$0x0], $0xffff;
	[tilespmem:s6+$0x21F0] =	vst v10;
	v10 =	vadd.s32 $0x18, v5  }
0x179: {  	v35 =	vadd.s32 $0x18, v4;
	[tilespmem:s6+$0x2160] =	vst v14;
	v19 =	vld.idx.msk [tilespmem:v32+s4+$0x0], $0xffff  }
0x17a: {  	v38 =	vadd.s32 $0x18, v3;
	[tilespmem:s6+$0x2180] =	vst v16;
	v34 =	vld.idx.msk [tilespmem:v31+s4+$0x0], $0xffff  }
0x17b: {  	v39 =	vadd.s32 $0x18, v0;
	[tilespmem:s6+$0x2190] =	vst v18;
	v8 =	vld.idx.msk [tilespmem:v8+s4+$0x0], $0xffff  }
0x17c: {  	v37 =	vadd.s32 $0x20, v7;
	[tilespmem:s6+$0x21D0] =	vst v36;
	v11 =	vld.idx.msk [tilespmem:v11+s4+$0x0], $0xffff  }
0x17d: {  	[tilespmem:s6+$0x21A0] =	vst v9;
	v9 =	vadd.s32 $0x18, v1;
	v10 =	vld.idx.msk [tilespmem:v10+s4+$0x0], $0xffff  }
0x17e: {  	v40 =	vadd.s32 $0x18, v2;
	[tilespmem:s6+$0x21B0] =	vst v12;
	v15 =	vld.idx.msk [tilespmem:v35+s4+$0x0], $0xffff  }
0x17f: {  	v41 =	vadd.s32 $0x20, v6;
	[tilespmem:s6+$0x21C0] =	vst v19;
	v17 =	vld.idx.msk [tilespmem:v38+s4+$0x0], $0xffff  }
0x180: {  	v42 =	vadd.s32 $0x20, v5;
	[tilespmem:s6+$0x2270] =	vst v34;
	v43 =	vld.idx.msk [tilespmem:v39+s4+$0x0], $0xffff  }
0x181: {  	v44 =	vadd.s32 $0x20, v4;
	v16 =	vld.idx.msk [tilespmem:v37+s4+$0x0], $0xffff;
	[tilespmem:s6+$0x21E0] =	vst v8  }
0x182: {  	v45 =	vadd.s32 $0x20, v0;
	[tilespmem:s6+$0x2200] =	vst v11;
	v9 =	vld.idx.msk [tilespmem:v9+s4+$0x0], $0xffff  }
0x183: {  	v8 =	vadd.s32 $0x28, v7;
	[tilespmem:s6+$0x2210] =	vst v10;
	v10 =	vld.idx.msk [tilespmem:v40+s4+$0x0], $0xffff  }
0x184: {  	v11 =	vadd.s32 $0x20, v3;
	v13 =	vld.idx.msk [tilespmem:v41+s4+$0x0], $0xffff;
	[tilespmem:s6+$0x2220] =	vst v15  }
0x185: {  	v46 =	vadd.s32 $0x20, v1;
	[tilespmem:s6+$0x2230] =	vst v17;
	v19 =	vld.idx.msk [tilespmem:v42+s4+$0x0], $0xffff  }
0x186: {  	v47 =	vadd.s32 $0x20, v2;
	v18 =	vld.idx.msk [tilespmem:v44+s4+$0x0], $0xffff;
	[tilespmem:s6+$0x2240] =	vst v43  }
0x187: {  	v48 =	vadd.s32 $0x28, v6;
	[tilespmem:s6+$0x22F0] =	vst v16;
	v12 =	vld.idx.msk [tilespmem:v45+s4+$0x0], $0xffff  }
0x188: {  	v49 =	vadd.s32 $0x28, v5;
	v8 =	vld.idx.msk [tilespmem:v8+s4+$0x0], $0xffff;
	[tilespmem:s6+$0x2250] =	vst v9  }
0x189: {  	v52 =	vadd.s32 $0x28, v0;
	v11 =	vld.idx.msk [tilespmem:v11+s4+$0x0], $0xffff;
	[tilespmem:s6+$0x2260] =	vst v10  }
0x18a: {  	v9 =	vadd.s32 $0x30, v7;
	[tilespmem:s6+$0x2280] =	vst v13;
	v50 =	vld.idx.msk [tilespmem:v46+s4+$0x0], $0xffff  }
0x18b: {  	v10 =	vadd.s32 $0x28, v4;
	[tilespmem:s6+$0x2290] =	vst v19;
	v16 =	vld.idx.msk [tilespmem:v47+s4+$0x0], $0xffff  }
0x18c: {  	v51 =	vadd.s32 $0x28, v3;
	v17 =	vld.idx.msk [tilespmem:v48+s4+$0x0], $0xffff;
	[tilespmem:s6+$0x22A0] =	vst v18  }
0x18d: {  	v53 =	vadd.s32 $0x28, v2;
	v14 =	vld.idx.msk [tilespmem:v49+s4+$0x0], $0xffff;
	[tilespmem:s6+$0x22C0] =	vst v12  }
0x18e: {  	[tilespmem:s6+$0x2370] =	vst v8;
	v8 =	vadd.s32 $0x28, v1;
	v56 =	vld.idx.msk [tilespmem:v52+s4+$0x0], $0xffff  }
0x18f: {  	v55 =	vadd.s32 $0x30, v5;
	v9 =	vld.idx.msk [tilespmem:v9+s4+$0x0], $0xffff;
	[tilespmem:s6+$0x22B0] =	vst v11  }
0x190: {  	v11 =	vadd.s32 $0x30, v6;
	v10 =	vld.idx.msk [tilespmem:v10+s4+$0x0], $0xffff;
	[tilespmem:s6+$0x22D0] =	vst v50  }
0x191: {  	v7 =	vadd.s32 $0x38, v7;
	v54 =	vld.idx.msk [tilespmem:v51+s4+$0x0], $0xffff;
	[tilespmem:s6+$0x22E0] =	vst v16  }
0x192: {  	v57 =	vadd.s32 $0x30, v4;
	[tilespmem:s6+$0x2300] =	vst v17;
	v18 =	vld.idx.msk [tilespmem:v53+s4+$0x0], $0xffff  }
0x193: {  	v58 =	vadd.s32 $0x30, v3;
	[tilespmem:s6+$0x2310] =	vst v14;
	v8 =	vld.idx.msk [tilespmem:v8+s4+$0x0], $0xffff  }
0x194: {  	v13 =	vld.idx.msk [tilespmem:v55+s4+$0x0], $0xffff;
	[tilespmem:s6+$0x23F0] =	vst v9;
	v9 =	vadd.s32 $0x30, v0  }
0x195: {  	v59 =	vadd.s32 $0x30, v1;
	[tilespmem:s6+$0x2340] =	vst v56;
	v60 =	vld.idx.msk [tilespmem:v11+s4+$0x0], $0xffff  }
0x196: {  	v5 =	vadd.s32 $0x38, v5;
	v7 =	vld.idx.msk [tilespmem:v7+s4+$0x0], $0xffff;
	[tilespmem:s6+$0x2320] =	vst v10  }
0x197: {  	v20 =	vadd.s32 $0x30, v2;
	[tilespmem:s6+$0x2330] =	vst v54;
	v61 =	vld.idx.msk [tilespmem:v57+s4+$0x0], $0xffff  }
0x198: {  	v6 =	vadd.s32 $0x38, v6;
	v62 =	vld.idx.msk [tilespmem:v58+s4+$0x0], $0xffff;
	[tilespmem:s6+$0x2360] =	vst v18  }
0x199: {  	v63 =	vadd.s32 $0x38, v4;
	[tilespmem:s6+$0x2350] =	vst v8;
	v11 =	vld.idx.msk [tilespmem:v9+s4+$0x0], $0xffff  }
0x19a: {  	v4 =	vadd.s32 $0x38, v3;
	[tilespmem:s6+$0x2390] =	vst v13;
	v10 =	vld.idx.msk [tilespmem:v59+s4+$0x0], $0xffff  }
0x19b: {  	[tilespmem:s6+$0x2470] =	vst v7;
	v7 =	vld.idx.msk [tilespmem:v5+s4+$0x0], $0xffff;
	v5 =	vadd.s32 $0x38, v0  }
0x19c: {  	v3 =	vadd.s32 $0x38, v1;
	[tilespmem:s6+$0x2380] =	vst v60;
	v9 =	vld.idx.msk [tilespmem:v20+s4+$0x0], $0xffff  }
0x19d: {  	v1 =	vadd.s32 $0x38, v2;
	v8 =	vld.idx.msk [tilespmem:v6+s4+$0x0], $0xffff;
	[tilespmem:s6+$0x23A0] =	vst v61  }
0x19e: {  	s8 =	simm.s32 $0x0;
	[tilespmem:s6+$0x23B0] =	vst v62;
	v2 =	vld.idx.msk [tilespmem:v63+s4+$0x0], $0xffff  }
.LBB2_7:
0x19f: {  	s8 =	sadd.s32 $0x8, s8;
	v4 =	vld.idx.msk [tilespmem:v4+s4+$0x0], $0xffff;
	[tilespmem:s6+$0x23C0] =	vst v11  }
0x1a0: {  	s2 =	sadd.s32 $0x400, s2;
	s12 =	sshll.u32 s8, $0x2;
	p0 =	slt.u32 s8, $0xF8;
	v5 =	vld.idx.msk [tilespmem:v5+s4+$0x0], $0xffff;
	[tilespmem:s6+$0x23D0] =	vst v10  }
0x1a1: {  	s11 =	sand.u32 $0xC00, s2;
	s12 =	sand.u32 $0x3FFFFF80, s12;
	v3 =	vld.idx.msk [tilespmem:v3+s4+$0x0], $0xffff;
	[tilespmem:s6+$0x23E0] =	vst v9  }
0x1a2: {  	s12 =	sadd.s32 s11, s12;
	[tilespmem:s6+$0x2400] =	vst v8;
	v1 =	vld.idx.msk [tilespmem:v1+s4+$0x0], $0xffff  }
0x1a3: {  	v0 =	vld [tilespmem:s12+$0xF0];
	[tilespmem:s6+$0x2410] =	vst v7  }
0x1a4: {  	v6 =	vld [tilespmem:s12+$0x80];
	[tilespmem:s6+$0x2420] =	vst v2  }
0x1a5: {  	v7 =	vld [tilespmem:s12+$0x90];
	[tilespmem:s6+$0x2430] =	vst v4  }
0x1a6: {  	v4 =	vld [tilespmem:s12+$0xA0];
	[tilespmem:s6+$0x2440] =	vst v5  }
0x1a7: {  	v5 =	vld [tilespmem:s12+$0xB0];
	[tilespmem:s6+$0x2450] =	vst v3  }
0x1a8: {  	v3 =	vld [tilespmem:s12+$0xC0];
	[tilespmem:s6+$0x2460] =	vst v1  }
0x1a9: {  	v1 =	vadd.s32 $0x8, v6;
	v22 =	vadd.s32 $0x10, v6;
	v23 =	vadd.s32 $0x18, v6;
	v24 =	vld [tilespmem:s12+$0xD0]  }
0x1aa: {  	v2 =	vadd.s32 $0x8, v7;
	v25 =	vadd.s32 $0x10, v7;
	v26 =	vadd.s32 $0x18, v7;
	v27 =	vld [tilespmem:s12+$0xE0]  }
0x1ab: {  	v8 =	vadd.s32 $0x8, v4;
	v28 =	vadd.s32 $0x10, v4;
	v29 =	vadd.s32 $0x18, v4;
	v9 =	vld.idx.msk [tilespmem:v0+s4+$0x0], $0xffff  }
0x1ac: {  	v10 =	vld.idx.msk [tilespmem:v6+s4+$0x0], $0xffff;
	v13 =	vadd.s32 $0x8, v5;
	v30 =	vadd.s32 $0x10, v5;
	v31 =	vadd.s32 $0x18, v5  }
0x1ad: {  	v12 =	vadd.s32 $0x8, v0;
	v11 =	vld.idx.msk [tilespmem:v7+s4+$0x0], $0xffff;
	v32 =	vadd.s32 $0x8, v3;
	v33 =	vadd.s32 $0x10, v3  }
0x1ae: {  	s6 =	sshll.u32 s8, $0x7;
	v34 =	vadd.s32 $0x18, v3;
	v14 =	vld.idx.msk [tilespmem:v4+s4+$0x0], $0xffff;
	v35 =	vadd.s32 $0x8, v24;
	v36 =	vadd.s32 $0x10, v24  }
0x1af: {  	s6 =	sand.u32 $0x3FFFF000, s6;
	v37 =	vadd.s32 $0x18, v24;
	v19 =	vld.idx.msk [tilespmem:v5+s4+$0x0], $0xffff;
	v38 =	vadd.s32 $0x8, v27;
	v39 =	vadd.s32 $0x10, v27  }
0x1b0: {  	v40 =	vadd.s32 $0x20, v6;
	s6 =	sor.u32 s11, s6;
	v41 =	vadd.s32 $0x20, v7;
	v43 =	vadd.s32 $0x18, v27;
	v42 =	vld.idx.msk [tilespmem:v3+s4+$0x0], $0xffff  }
0x1b1: {  	v44 =	vadd.s32 $0x20, v4;
	v45 =	vadd.s32 $0x20, v5;
	v46 =	vadd.s32 $0x20, v3;
	v47 =	vld.idx.msk [tilespmem:v24+s4+$0x0], $0xffff;
	[tilespmem:s6+$0x20F0] =	vst v9  }
0x1b2: {  	v20 =	vadd.s32 $0x28, v6;
	v48 =	vadd.s32 $0x20, v24;
	v49 =	vadd.s32 $0x20, v27;
	[tilespmem:s6+$0x2080] =	vst v10;
	v50 =	vld.idx.msk [tilespmem:v12+s4+$0x0], $0xffff  }
0x1b3: {  	v21 =	vadd.s32 $0x28, v7;
	v18 =	vadd.s32 $0x28, v4;
	v16 =	vadd.s32 $0x28, v5;
	[tilespmem:s6+$0x2090] =	vst v11;
	v51 =	vld.idx.msk [tilespmem:v27+s4+$0x0], $0xffff  }
0x1b4: {  	v53 =	vadd.s32 $0x10, v0;
	v17 =	vadd.s32 $0x28, v3;
	v15 =	vadd.s32 $0x28, v24;
	v52 =	vld.idx.msk [tilespmem:v1+s4+$0x0], $0xffff;
	[tilespmem:s6+$0x20A0] =	vst v14  }
0x1b5: {  	v12 =	vadd.s32 $0x30, v6;
	v10 =	vadd.s32 $0x30, v7;
	v54 =	vld.idx.msk [tilespmem:v2+s4+$0x0], $0xffff;
	[tilespmem:s6+$0x20B0] =	vst v19;
	v19 =	vadd.s32 $0x28, v27  }
0x1b6: {  	v9 =	vadd.s32 $0x30, v3;
	v11 =	vadd.s32 $0x30, v5;
	v14 =	vadd.s32 $0x30, v4;
	v55 =	vld.idx.msk [tilespmem:v8+s4+$0x0], $0xffff;
	[tilespmem:s6+$0x20C0] =	vst v42  }
0x1b7: {  	v2 =	vadd.s32 $0x38, v6;
	v8 =	vadd.s32 $0x30, v27;
	v42 =	vld.idx.msk [tilespmem:v13+s4+$0x0], $0xffff;
	[tilespmem:s6+$0x20D0] =	vst v47;
	v13 =	vadd.s32 $0x30, v24  }
0x1b8: {  	v7 =	vadd.s32 $0x38, v7;
	v6 =	vadd.s32 $0x38, v4;
	v4 =	vadd.s32 $0x38, v5;
	v32 =	vld.idx.msk [tilespmem:v32+s4+$0x0], $0xffff;
	[tilespmem:s6+$0x2170] =	vst v50  }
0x1b9: {  	v1 =	vadd.s32 $0x38, v27;
	v5 =	vadd.s32 $0x38, v3;
	v3 =	vadd.s32 $0x38, v24;
	[tilespmem:s6+$0x20E0] =	vst v51;
	v24 =	vld.idx.msk [tilespmem:v53+s4+$0x0], $0xffff  }
0x1ba: {  	[tilespmem:s6+$0x2100] =	vst v52;
	v27 =	vld.idx.msk [tilespmem:v35+s4+$0x0], $0xffff  }
0x1bb: {  	[tilespmem:s6+$0x2110] =	vst v54;
	v35 =	vld.idx.msk [tilespmem:v38+s4+$0x0], $0xffff;
	v38 =	vadd.s32 $0x18, v0  }
0x1bc: {  	v22 =	vld.idx.msk [tilespmem:v22+s4+$0x0], $0xffff;
	[tilespmem:s6+$0x2120] =	vst v55  }
0x1bd: {  	v25 =	vld.idx.msk [tilespmem:v25+s4+$0x0], $0xffff;
	[tilespmem:s6+$0x2130] =	vst v42  }
0x1be: {  	v28 =	vld.idx.msk [tilespmem:v28+s4+$0x0], $0xffff;
	[tilespmem:s6+$0x2140] =	vst v32  }
0x1bf: {  	v30 =	vld.idx.msk [tilespmem:v30+s4+$0x0], $0xffff;
	[tilespmem:s6+$0x21F0] =	vst v24  }
0x1c0: {  	[tilespmem:s6+$0x2150] =	vst v27;
	v24 =	vld.idx.msk [tilespmem:v38+s4+$0x0], $0xffff  }
0x1c1: {  	v27 =	vld.idx.msk [tilespmem:v33+s4+$0x0], $0xffff;
	[tilespmem:s6+$0x2160] =	vst v35  }
0x1c2: {  	v32 =	vadd.s32 $0x20, v0;
	[tilespmem:s6+$0x2180] =	vst v22;
	v22 =	vld.idx.msk [tilespmem:v36+s4+$0x0], $0xffff  }
0x1c3: {  	[tilespmem:s6+$0x2190] =	vst v25;
	v25 =	vld.idx.msk [tilespmem:v39+s4+$0x0], $0xffff  }
0x1c4: {  	v23 =	vld.idx.msk [tilespmem:v23+s4+$0x0], $0xffff;
	[tilespmem:s6+$0x21A0] =	vst v28  }
0x1c5: {  	v26 =	vld.idx.msk [tilespmem:v26+s4+$0x0], $0xffff;
	[tilespmem:s6+$0x21B0] =	vst v30  }
0x1c6: {  	v28 =	vld.idx.msk [tilespmem:v29+s4+$0x0], $0xffff;
	[tilespmem:s6+$0x2270] =	vst v24  }
0x1c7: {  	[tilespmem:s6+$0x21C0] =	vst v27;
	v24 =	vld.idx.msk [tilespmem:v32+s4+$0x0], $0xffff  }
0x1c8: {  	v27 =	vld.idx.msk [tilespmem:v31+s4+$0x0], $0xffff;
	[tilespmem:s6+$0x21D0] =	vst v22  }
0x1c9: {  	v22 =	vld.idx.msk [tilespmem:v34+s4+$0x0], $0xffff;
	[tilespmem:s6+$0x21E0] =	vst v25;
	v25 =	vadd.s32 $0x28, v0  }
0x1ca: {  	[tilespmem:s6+$0x2200] =	vst v23;
	v23 =	vld.idx.msk [tilespmem:v37+s4+$0x0], $0xffff  }
0x1cb: {  	[tilespmem:s6+$0x2210] =	vst v26;
	v26 =	vld.idx.msk [tilespmem:v43+s4+$0x0], $0xffff  }
0x1cc: {  	v29 =	vld.idx.msk [tilespmem:v40+s4+$0x0], $0xffff;
	[tilespmem:s6+$0x2220] =	vst v28  }
0x1cd: {  	v28 =	vld.idx.msk [tilespmem:v41+s4+$0x0], $0xffff;
	[tilespmem:s6+$0x22F0] =	vst v24  }
0x1ce: {  	[tilespmem:s6+$0x2230] =	vst v27;
	v24 =	vld.idx.msk [tilespmem:v25+s4+$0x0], $0xffff  }
0x1cf: {  	v25 =	vld.idx.msk [tilespmem:v44+s4+$0x0], $0xffff;
	[tilespmem:s6+$0x2240] =	vst v22  }
0x1d0: {  	v22 =	vld.idx.msk [tilespmem:v45+s4+$0x0], $0xffff;
	[tilespmem:s6+$0x2250] =	vst v23;
	v23 =	vadd.s32 $0x30, v0  }
0x1d1: {  	v27 =	vld.idx.msk [tilespmem:v46+s4+$0x0], $0xffff;
	[tilespmem:s6+$0x2260] =	vst v26  }
0x1d2: {  	[tilespmem:s6+$0x2280] =	vst v29;
	v26 =	vld.idx.msk [tilespmem:v48+s4+$0x0], $0xffff  }
0x1d3: {  	[tilespmem:s6+$0x2290] =	vst v28;
	v28 =	vld.idx.msk [tilespmem:v49+s4+$0x0], $0xffff  }
0x1d4: {  	v20 =	vld.idx.msk [tilespmem:v20+s4+$0x0], $0xffff;
	[tilespmem:s6+$0x2370] =	vst v24  }
0x1d5: {  	[tilespmem:s6+$0x22A0] =	vst v25;
	v23 =	vld.idx.msk [tilespmem:v23+s4+$0x0], $0xffff  }
0x1d6: {  	v21 =	vld.idx.msk [tilespmem:v21+s4+$0x0], $0xffff;
	[tilespmem:s6+$0x22B0] =	vst v22  }
0x1d7: {  	v0 =	vadd.s32 $0x38, v0;
	v18 =	vld.idx.msk [tilespmem:v18+s4+$0x0], $0xffff;
	[tilespmem:s6+$0x22C0] =	vst v27  }
0x1d8: {  	v16 =	vld.idx.msk [tilespmem:v16+s4+$0x0], $0xffff;
	[tilespmem:s6+$0x22D0] =	vst v26  }
0x1d9: {  	v17 =	vld.idx.msk [tilespmem:v17+s4+$0x0], $0xffff;
	[tilespmem:s6+$0x22E0] =	vst v28  }
0x1da: {  	[tilespmem:s6+$0x2300] =	vst v20;
	v15 =	vld.idx.msk [tilespmem:v15+s4+$0x0], $0xffff  }
0x1db: {  	v19 =	vld.idx.msk [tilespmem:v19+s4+$0x0], $0xffff;
	[tilespmem:s6+$0x23F0] =	vst v23  }
0x1dc: {  	[tilespmem:s6+$0x2310] =	vst v21;
	v0 =	vld.idx.msk [tilespmem:v0+s4+$0x0], $0xffff  }
0x1dd: {  	v12 =	vld.idx.msk [tilespmem:v12+s4+$0x0], $0xffff;
	[tilespmem:s6+$0x2320] =	vst v18  }
0x1de: {  	v18 =	vld.idx.msk [tilespmem:v10+s4+$0x0], $0xffff;
	[tilespmem:s6+$0x2330] =	vst v16  }
0x1df: {  	v14 =	vld.idx.msk [tilespmem:v14+s4+$0x0], $0xffff;
	[tilespmem:s6+$0x2340] =	vst v17  }
0x1e0: {  	v16 =	vld.idx.msk [tilespmem:v11+s4+$0x0], $0xffff;
	[tilespmem:s6+$0x2350] =	vst v15  }
0x1e1: {  	v11 =	vld.idx.msk [tilespmem:v9+s4+$0x0], $0xffff;
	[tilespmem:s6+$0x2360] =	vst v19  }
.Ltmp2:
0x1e2: {  	v10 =	vld.idx.msk [tilespmem:v13+s4+$0x0], $0xffff;
	[tilespmem:s6+$0x2470] =	vst v0;
	(pc) =	sbr.rel @p0 .LBB2_7-.Ltmp2, $4  }
0x1e3: {  	[tilespmem:s6+$0x2380] =	vst v12;
	v9 =	vld.idx.msk [tilespmem:v8+s4+$0x0], $0xffff  }
0x1e4: {  	v8 =	vld.idx.msk [tilespmem:v2+s4+$0x0], $0xffff;
	[tilespmem:s6+$0x2390] =	vst v18  }
0x1e5: {  	v7 =	vld.idx.msk [tilespmem:v7+s4+$0x0], $0xffff;
	[tilespmem:s6+$0x23A0] =	vst v14  }
0x1e6: {  	v2 =	vld.idx.msk [tilespmem:v6+s4+$0x0], $0xffff;
	[tilespmem:s6+$0x23B0] =	vst v16  }
0x1e7: {  	_ =	sdelay $0x2  }
0x1e8: {  	[tilespmem:s6+$0x23C0] =	vst v11  }
0x1e9: {  	v0 =	vld.idx.msk [tilespmem:v4+s4+$0x0], $0xffff;
	[tilespmem:s6+$0x23D0] =	vst v10  }
0x1ea: {  	v4 =	vld.idx.msk [tilespmem:v5+s4+$0x0], $0xffff;
	[tilespmem:s6+$0x23E0] =	vst v9  }
0x1eb: {  	v3 =	vld.idx.msk [tilespmem:v3+s4+$0x0], $0xffff;
	[tilespmem:s6+$0x2400] =	vst v8  }
0x1ec: {  	v1 =	vld.idx.msk [tilespmem:v1+s4+$0x0], $0xffff;
	[tilespmem:s6+$0x2410] =	vst v7  }
0x1ed: {  	[tilespmem:s6+$0x2420] =	vst v2  }
0x1ee: {  	s2 =	sshll.u32 s0, $0x15;
	[tilespmem:s6+$0x2430] =	vst v0  }
0x1ef: {  	s2 =	sor.u32 s5, s2;
	[tilespmem:s6+$0x2440] =	vst v4  }
0x1f0: {  	s11 =	sshll.u32 s0, $0x12;
	s2 =	sshrl.u32 s2, $0x3;
	[tilespmem:s6+$0x2450] =	vst v3  }
0x1f1: {  	s8 =	sadd.s32 s3, s2;
	[tilespmem:s6+$0x2460] =	vst v1;
	s6 =	sadd.s32 s14, s11  }
0x1f2: {  	[hbm4b:s8+s23] =	stream.strided.scatter [tilespmem:s25], [sflag:$0x3], $0x8000, s24, s23, $0x38;
	[tilespmem:$0x12080] =	vst v63  }
0x1f3: {  	s6 =	sshrl.u32 s6, $0x3  }
0x1f4: {  	s8 =	sadd.s32 s1, s6;
	s6 =	simm.s32 $0x0  }
0x1f5: {  	[tilespmem:s19], [sflag:$0x1] =	stream.linear.gather [hbm4b:s8+s6], $0x1000, $0x38;
	[tilespmem:$0x12080] =	vst v63  }
0x1f6: {  	_ =	swait.ge [sflag:s30], $0x8000  }
0x1f7: {  	[sflag:s30] =	ssyncset.done $0x0  }
0x1f8: {  	[sflag:s30] =	ssyncadd.s32 $0xFFFF8000  }
0x1f9: {  	s12 =	simm.s32 $0x0;
	_ =	swait.ge [sflag:s26], $0x1000  }
0x1fa: {  	s11 =	sand.u32 $0xC00, s6;
	s8 =	sand.u32 $0x3FFFFF80, s12;
	[sflag:s26] =	ssyncset.done $0x0  }
0x1fb: {  	s8 =	sadd.s32 s11, s8;
	[sflag:s26] =	ssyncadd.s32 $0xFFFFF000  }
0x1fc: {  	v7 =	vld [tilespmem:s8+$0x10F0]  }
0x1fd: {  	v6 =	vld [tilespmem:s8+$0x1080]  }
0x1fe: {  	v5 =	vld [tilespmem:s8+$0x1090]  }
0x1ff: {  	v4 =	vld [tilespmem:s8+$0x10A0]  }
0x200: {  	v3 =	vld [tilespmem:s8+$0x10B0]  }
0x201: {  	v0 =	vld [tilespmem:s8+$0x10C0]  }
0x202: {  	v1 =	vld [tilespmem:s8+$0x10D0]  }
0x203: {  	v2 =	vld [tilespmem:s8+$0x10E0]  }
0x204: {  	v8 =	vld.idx.msk [tilespmem:v7+s4+$0x0], $0xffff  }
0x205: {  	v9 =	vld.idx.msk [tilespmem:v6+s4+$0x0], $0xffff  }
0x206: {  	v10 =	vld.idx.msk [tilespmem:v5+s4+$0x0], $0xffff  }
0x207: {  	s13 =	simm.s32 $0x0;
	v11 =	vadd.s32 $0x8, v7;
	v12 =	vld.idx.msk [tilespmem:v4+s4+$0x0], $0xffff  }
0x208: {  	s8 =	sand.u32 $0x3FFFF000, s13;
	v13 =	vadd.s32 $0x8, v6;
	v14 =	vld.idx.msk [tilespmem:v3+s4+$0x0], $0xffff  }
0x209: {  	s8 =	sor.u32 s11, s8;
	v15 =	vadd.s32 $0x8, v5;
	v16 =	vld.idx.msk [tilespmem:v0+s4+$0x0], $0xffff  }
0x20a: {  	v17 =	vadd.s32 $0x8, v4;
	v18 =	vld.idx.msk [tilespmem:v1+s4+$0x0], $0xffff;
	[tilespmem:s8+$0xA0F0] =	vst v8  }
0x20b: {  	v19 =	vadd.s32 $0x8, v1;
	[tilespmem:s8+$0xA090] =	vst v10;
	v10 =	vld.idx.msk [tilespmem:v2+s4+$0x0], $0xffff  }
0x20c: {  	v8 =	vadd.s32 $0x8, v3;
	[tilespmem:s8+$0xA080] =	vst v9;
	v9 =	vld.idx.msk [tilespmem:v11+s4+$0x0], $0xffff  }
0x20d: {  	[tilespmem:s8+$0xA0A0] =	vst v12;
	v11 =	vadd.s32 $0x8, v0;
	v13 =	vld.idx.msk [tilespmem:v13+s4+$0x0], $0xffff  }
0x20e: {  	v26 =	vadd.s32 $0x8, v2;
	[tilespmem:s8+$0xA0B0] =	vst v14;
	v15 =	vld.idx.msk [tilespmem:v15+s4+$0x0], $0xffff  }
0x20f: {  	v25 =	vadd.s32 $0x10, v7;
	[tilespmem:s8+$0xA0D0] =	vst v18;
	v17 =	vld.idx.msk [tilespmem:v17+s4+$0x0], $0xffff  }
0x210: {  	v27 =	vadd.s32 $0x10, v6;
	[tilespmem:s8+$0xA0C0] =	vst v16;
	v30 =	vld.idx.msk [tilespmem:v19+s4+$0x0], $0xffff  }
0x211: {  	v28 =	vadd.s32 $0x10, v5;
	v8 =	vld.idx.msk [tilespmem:v8+s4+$0x0], $0xffff;
	[tilespmem:s8+$0xA0E0] =	vst v10  }
0x212: {  	v33 =	vadd.s32 $0x10, v1;
	v11 =	vld.idx.msk [tilespmem:v11+s4+$0x0], $0xffff;
	[tilespmem:s8+$0xA170] =	vst v9  }
0x213: {  	v9 =	vadd.s32 $0x10, v4;
	[tilespmem:s8+$0xA100] =	vst v13;
	v14 =	vld.idx.msk [tilespmem:v26+s4+$0x0], $0xffff  }
0x214: {  	v29 =	vadd.s32 $0x10, v3;
	[tilespmem:s8+$0xA110] =	vst v15;
	v10 =	vld.idx.msk [tilespmem:v25+s4+$0x0], $0xffff  }
0x215: {  	v32 =	vadd.s32 $0x10, v0;
	[tilespmem:s8+$0xA120] =	vst v17;
	v16 =	vld.idx.msk [tilespmem:v27+s4+$0x0], $0xffff  }
0x216: {  	v31 =	vadd.s32 $0x18, v7;
	[tilespmem:s8+$0xA150] =	vst v30;
	v18 =	vld.idx.msk [tilespmem:v28+s4+$0x0], $0xffff  }
0x217: {  	v36 =	vld.idx.msk [tilespmem:v33+s4+$0x0], $0xffff;
	[tilespmem:s8+$0xA130] =	vst v8;
	v8 =	vadd.s32 $0x10, v2  }
0x218: {  	v9 =	vld.idx.msk [tilespmem:v9+s4+$0x0], $0xffff;
	[tilespmem:s8+$0xA140] =	vst v11;
	v11 =	vadd.s32 $0x18, v6  }
0x219: {  	v12 =	vld.idx.msk [tilespmem:v29+s4+$0x0], $0xffff;
	[tilespmem:s8+$0xA1F0] =	vst v10;
	v10 =	vadd.s32 $0x18, v5  }
0x21a: {  	v35 =	vadd.s32 $0x18, v4;
	[tilespmem:s8+$0xA160] =	vst v14;
	v19 =	vld.idx.msk [tilespmem:v32+s4+$0x0], $0xffff  }
0x21b: {  	v38 =	vadd.s32 $0x18, v3;
	[tilespmem:s8+$0xA180] =	vst v16;
	v34 =	vld.idx.msk [tilespmem:v31+s4+$0x0], $0xffff  }
0x21c: {  	v39 =	vadd.s32 $0x18, v0;
	[tilespmem:s8+$0xA190] =	vst v18;
	v8 =	vld.idx.msk [tilespmem:v8+s4+$0x0], $0xffff  }
0x21d: {  	v37 =	vadd.s32 $0x20, v7;
	[tilespmem:s8+$0xA1D0] =	vst v36;
	v11 =	vld.idx.msk [tilespmem:v11+s4+$0x0], $0xffff  }
0x21e: {  	[tilespmem:s8+$0xA1A0] =	vst v9;
	v9 =	vadd.s32 $0x18, v1;
	v10 =	vld.idx.msk [tilespmem:v10+s4+$0x0], $0xffff  }
0x21f: {  	v40 =	vadd.s32 $0x18, v2;
	[tilespmem:s8+$0xA1B0] =	vst v12;
	v15 =	vld.idx.msk [tilespmem:v35+s4+$0x0], $0xffff  }
0x220: {  	v41 =	vadd.s32 $0x20, v6;
	[tilespmem:s8+$0xA1C0] =	vst v19;
	v17 =	vld.idx.msk [tilespmem:v38+s4+$0x0], $0xffff  }
0x221: {  	v42 =	vadd.s32 $0x20, v5;
	[tilespmem:s8+$0xA270] =	vst v34;
	v43 =	vld.idx.msk [tilespmem:v39+s4+$0x0], $0xffff  }
0x222: {  	v44 =	vadd.s32 $0x20, v4;
	v16 =	vld.idx.msk [tilespmem:v37+s4+$0x0], $0xffff;
	[tilespmem:s8+$0xA1E0] =	vst v8  }
0x223: {  	v45 =	vadd.s32 $0x20, v0;
	[tilespmem:s8+$0xA200] =	vst v11;
	v9 =	vld.idx.msk [tilespmem:v9+s4+$0x0], $0xffff  }
0x224: {  	v8 =	vadd.s32 $0x28, v7;
	[tilespmem:s8+$0xA210] =	vst v10;
	v10 =	vld.idx.msk [tilespmem:v40+s4+$0x0], $0xffff  }
0x225: {  	v11 =	vadd.s32 $0x20, v3;
	v13 =	vld.idx.msk [tilespmem:v41+s4+$0x0], $0xffff;
	[tilespmem:s8+$0xA220] =	vst v15  }
0x226: {  	v46 =	vadd.s32 $0x20, v1;
	[tilespmem:s8+$0xA230] =	vst v17;
	v19 =	vld.idx.msk [tilespmem:v42+s4+$0x0], $0xffff  }
0x227: {  	v47 =	vadd.s32 $0x20, v2;
	v18 =	vld.idx.msk [tilespmem:v44+s4+$0x0], $0xffff;
	[tilespmem:s8+$0xA240] =	vst v43  }
0x228: {  	v48 =	vadd.s32 $0x28, v6;
	[tilespmem:s8+$0xA2F0] =	vst v16;
	v12 =	vld.idx.msk [tilespmem:v45+s4+$0x0], $0xffff  }
0x229: {  	v49 =	vadd.s32 $0x28, v5;
	v8 =	vld.idx.msk [tilespmem:v8+s4+$0x0], $0xffff;
	[tilespmem:s8+$0xA250] =	vst v9  }
0x22a: {  	v52 =	vadd.s32 $0x28, v0;
	v11 =	vld.idx.msk [tilespmem:v11+s4+$0x0], $0xffff;
	[tilespmem:s8+$0xA260] =	vst v10  }
0x22b: {  	v9 =	vadd.s32 $0x30, v7;
	[tilespmem:s8+$0xA280] =	vst v13;
	v50 =	vld.idx.msk [tilespmem:v46+s4+$0x0], $0xffff  }
0x22c: {  	v10 =	vadd.s32 $0x28, v4;
	[tilespmem:s8+$0xA290] =	vst v19;
	v16 =	vld.idx.msk [tilespmem:v47+s4+$0x0], $0xffff  }
0x22d: {  	v51 =	vadd.s32 $0x28, v3;
	v17 =	vld.idx.msk [tilespmem:v48+s4+$0x0], $0xffff;
	[tilespmem:s8+$0xA2A0] =	vst v18  }
0x22e: {  	v53 =	vadd.s32 $0x28, v2;
	v14 =	vld.idx.msk [tilespmem:v49+s4+$0x0], $0xffff;
	[tilespmem:s8+$0xA2C0] =	vst v12  }
0x22f: {  	[tilespmem:s8+$0xA370] =	vst v8;
	v8 =	vadd.s32 $0x28, v1;
	v56 =	vld.idx.msk [tilespmem:v52+s4+$0x0], $0xffff  }
0x230: {  	v55 =	vadd.s32 $0x30, v5;
	v9 =	vld.idx.msk [tilespmem:v9+s4+$0x0], $0xffff;
	[tilespmem:s8+$0xA2B0] =	vst v11  }
0x231: {  	v11 =	vadd.s32 $0x30, v6;
	v10 =	vld.idx.msk [tilespmem:v10+s4+$0x0], $0xffff;
	[tilespmem:s8+$0xA2D0] =	vst v50  }
0x232: {  	v7 =	vadd.s32 $0x38, v7;
	v54 =	vld.idx.msk [tilespmem:v51+s4+$0x0], $0xffff;
	[tilespmem:s8+$0xA2E0] =	vst v16  }
0x233: {  	v57 =	vadd.s32 $0x30, v4;
	[tilespmem:s8+$0xA300] =	vst v17;
	v18 =	vld.idx.msk [tilespmem:v53+s4+$0x0], $0xffff  }
0x234: {  	v58 =	vadd.s32 $0x30, v3;
	[tilespmem:s8+$0xA310] =	vst v14;
	v8 =	vld.idx.msk [tilespmem:v8+s4+$0x0], $0xffff  }
0x235: {  	v13 =	vld.idx.msk [tilespmem:v55+s4+$0x0], $0xffff;
	[tilespmem:s8+$0xA3F0] =	vst v9;
	v9 =	vadd.s32 $0x30, v0  }
0x236: {  	v59 =	vadd.s32 $0x30, v1;
	[tilespmem:s8+$0xA340] =	vst v56;
	v60 =	vld.idx.msk [tilespmem:v11+s4+$0x0], $0xffff  }
0x237: {  	v5 =	vadd.s32 $0x38, v5;
	v7 =	vld.idx.msk [tilespmem:v7+s4+$0x0], $0xffff;
	[tilespmem:s8+$0xA320] =	vst v10  }
0x238: {  	v20 =	vadd.s32 $0x30, v2;
	[tilespmem:s8+$0xA330] =	vst v54;
	v61 =	vld.idx.msk [tilespmem:v57+s4+$0x0], $0xffff  }
0x239: {  	v6 =	vadd.s32 $0x38, v6;
	v62 =	vld.idx.msk [tilespmem:v58+s4+$0x0], $0xffff;
	[tilespmem:s8+$0xA360] =	vst v18  }
0x23a: {  	v63 =	vadd.s32 $0x38, v4;
	[tilespmem:s8+$0xA350] =	vst v8;
	v11 =	vld.idx.msk [tilespmem:v9+s4+$0x0], $0xffff  }
0x23b: {  	v4 =	vadd.s32 $0x38, v3;
	[tilespmem:s8+$0xA390] =	vst v13;
	v10 =	vld.idx.msk [tilespmem:v59+s4+$0x0], $0xffff  }
0x23c: {  	[tilespmem:s8+$0xA470] =	vst v7;
	v7 =	vld.idx.msk [tilespmem:v5+s4+$0x0], $0xffff;
	v5 =	vadd.s32 $0x38, v0  }
0x23d: {  	v3 =	vadd.s32 $0x38, v1;
	[tilespmem:s8+$0xA380] =	vst v60;
	v9 =	vld.idx.msk [tilespmem:v20+s4+$0x0], $0xffff  }
0x23e: {  	v1 =	vadd.s32 $0x38, v2;
	v8 =	vld.idx.msk [tilespmem:v6+s4+$0x0], $0xffff;
	[tilespmem:s8+$0xA3A0] =	vst v61  }
0x23f: {  	s11 =	simm.s32 $0x0;
	[tilespmem:s8+$0xA3B0] =	vst v62;
	v2 =	vld.idx.msk [tilespmem:v63+s4+$0x0], $0xffff  }
.LBB2_9:
0x240: {  	s11 =	sadd.s32 $0x8, s11;
	v4 =	vld.idx.msk [tilespmem:v4+s4+$0x0], $0xffff;
	[tilespmem:s8+$0xA3C0] =	vst v11  }
0x241: {  	s6 =	sadd.s32 $0x400, s6;
	s13 =	sshll.u32 s11, $0x2;
	p0 =	slt.u32 s11, $0xF8;
	v5 =	vld.idx.msk [tilespmem:v5+s4+$0x0], $0xffff;
	[tilespmem:s8+$0xA3D0] =	vst v10  }
0x242: {  	s12 =	sand.u32 $0xC00, s6;
	s13 =	sand.u32 $0x3FFFFF80, s13;
	v3 =	vld.idx.msk [tilespmem:v3+s4+$0x0], $0xffff;
	[tilespmem:s8+$0xA3E0] =	vst v9  }
0x243: {  	s13 =	sadd.s32 s12, s13;
	[tilespmem:s8+$0xA400] =	vst v8;
	v1 =	vld.idx.msk [tilespmem:v1+s4+$0x0], $0xffff  }
0x244: {  	v0 =	vld [tilespmem:s13+$0x10F0];
	[tilespmem:s8+$0xA410] =	vst v7  }
0x245: {  	v6 =	vld [tilespmem:s13+$0x1080];
	[tilespmem:s8+$0xA420] =	vst v2  }
0x246: {  	v7 =	vld [tilespmem:s13+$0x1090];
	[tilespmem:s8+$0xA430] =	vst v4  }
0x247: {  	v4 =	vld [tilespmem:s13+$0x10A0];
	[tilespmem:s8+$0xA440] =	vst v5  }
0x248: {  	v5 =	vld [tilespmem:s13+$0x10B0];
	[tilespmem:s8+$0xA450] =	vst v3  }
0x249: {  	v3 =	vld [tilespmem:s13+$0x10C0];
	[tilespmem:s8+$0xA460] =	vst v1  }
0x24a: {  	v1 =	vadd.s32 $0x8, v6;
	v22 =	vadd.s32 $0x10, v6;
	v23 =	vadd.s32 $0x18, v6;
	v24 =	vld [tilespmem:s13+$0x10D0]  }
0x24b: {  	v2 =	vadd.s32 $0x8, v7;
	v25 =	vadd.s32 $0x10, v7;
	v26 =	vadd.s32 $0x18, v7;
	v27 =	vld [tilespmem:s13+$0x10E0]  }
0x24c: {  	v8 =	vadd.s32 $0x8, v4;
	v28 =	vadd.s32 $0x10, v4;
	v29 =	vadd.s32 $0x18, v4;
	v9 =	vld.idx.msk [tilespmem:v0+s4+$0x0], $0xffff  }
0x24d: {  	v10 =	vld.idx.msk [tilespmem:v6+s4+$0x0], $0xffff;
	v13 =	vadd.s32 $0x8, v5;
	v30 =	vadd.s32 $0x10, v5;
	v31 =	vadd.s32 $0x18, v5  }
0x24e: {  	v12 =	vadd.s32 $0x8, v0;
	v11 =	vld.idx.msk [tilespmem:v7+s4+$0x0], $0xffff;
	v32 =	vadd.s32 $0x8, v3;
	v33 =	vadd.s32 $0x10, v3  }
0x24f: {  	s8 =	sshll.u32 s11, $0x7;
	v34 =	vadd.s32 $0x18, v3;
	v14 =	vld.idx.msk [tilespmem:v4+s4+$0x0], $0xffff;
	v35 =	vadd.s32 $0x8, v24;
	v36 =	vadd.s32 $0x10, v24  }
0x250: {  	s8 =	sand.u32 $0x3FFFF000, s8;
	v37 =	vadd.s32 $0x18, v24;
	v19 =	vld.idx.msk [tilespmem:v5+s4+$0x0], $0xffff;
	v38 =	vadd.s32 $0x8, v27;
	v39 =	vadd.s32 $0x10, v27  }
0x251: {  	v40 =	vadd.s32 $0x20, v6;
	s8 =	sor.u32 s12, s8;
	v41 =	vadd.s32 $0x20, v7;
	v43 =	vadd.s32 $0x18, v27;
	v42 =	vld.idx.msk [tilespmem:v3+s4+$0x0], $0xffff  }
0x252: {  	v44 =	vadd.s32 $0x20, v4;
	v45 =	vadd.s32 $0x20, v5;
	v46 =	vadd.s32 $0x20, v3;
	v47 =	vld.idx.msk [tilespmem:v24+s4+$0x0], $0xffff;
	[tilespmem:s8+$0xA0F0] =	vst v9  }
0x253: {  	v20 =	vadd.s32 $0x28, v6;
	v48 =	vadd.s32 $0x20, v24;
	v49 =	vadd.s32 $0x20, v27;
	[tilespmem:s8+$0xA080] =	vst v10;
	v50 =	vld.idx.msk [tilespmem:v12+s4+$0x0], $0xffff  }
0x254: {  	v21 =	vadd.s32 $0x28, v7;
	v18 =	vadd.s32 $0x28, v4;
	v16 =	vadd.s32 $0x28, v5;
	[tilespmem:s8+$0xA090] =	vst v11;
	v51 =	vld.idx.msk [tilespmem:v27+s4+$0x0], $0xffff  }
0x255: {  	v53 =	vadd.s32 $0x10, v0;
	v17 =	vadd.s32 $0x28, v3;
	v15 =	vadd.s32 $0x28, v24;
	v52 =	vld.idx.msk [tilespmem:v1+s4+$0x0], $0xffff;
	[tilespmem:s8+$0xA0A0] =	vst v14  }
0x256: {  	v12 =	vadd.s32 $0x30, v6;
	v10 =	vadd.s32 $0x30, v7;
	v54 =	vld.idx.msk [tilespmem:v2+s4+$0x0], $0xffff;
	[tilespmem:s8+$0xA0B0] =	vst v19;
	v19 =	vadd.s32 $0x28, v27  }
0x257: {  	v9 =	vadd.s32 $0x30, v3;
	v11 =	vadd.s32 $0x30, v5;
	v14 =	vadd.s32 $0x30, v4;
	v55 =	vld.idx.msk [tilespmem:v8+s4+$0x0], $0xffff;
	[tilespmem:s8+$0xA0C0] =	vst v42  }
0x258: {  	v2 =	vadd.s32 $0x38, v6;
	v8 =	vadd.s32 $0x30, v27;
	v42 =	vld.idx.msk [tilespmem:v13+s4+$0x0], $0xffff;
	[tilespmem:s8+$0xA0D0] =	vst v47;
	v13 =	vadd.s32 $0x30, v24  }
0x259: {  	v7 =	vadd.s32 $0x38, v7;
	v6 =	vadd.s32 $0x38, v4;
	v4 =	vadd.s32 $0x38, v5;
	v32 =	vld.idx.msk [tilespmem:v32+s4+$0x0], $0xffff;
	[tilespmem:s8+$0xA170] =	vst v50  }
0x25a: {  	v1 =	vadd.s32 $0x38, v27;
	v5 =	vadd.s32 $0x38, v3;
	v3 =	vadd.s32 $0x38, v24;
	[tilespmem:s8+$0xA0E0] =	vst v51;
	v24 =	vld.idx.msk [tilespmem:v53+s4+$0x0], $0xffff  }
0x25b: {  	[tilespmem:s8+$0xA100] =	vst v52;
	v27 =	vld.idx.msk [tilespmem:v35+s4+$0x0], $0xffff  }
0x25c: {  	[tilespmem:s8+$0xA110] =	vst v54;
	v35 =	vld.idx.msk [tilespmem:v38+s4+$0x0], $0xffff;
	v38 =	vadd.s32 $0x18, v0  }
0x25d: {  	v22 =	vld.idx.msk [tilespmem:v22+s4+$0x0], $0xffff;
	[tilespmem:s8+$0xA120] =	vst v55  }
0x25e: {  	v25 =	vld.idx.msk [tilespmem:v25+s4+$0x0], $0xffff;
	[tilespmem:s8+$0xA130] =	vst v42  }
0x25f: {  	v28 =	vld.idx.msk [tilespmem:v28+s4+$0x0], $0xffff;
	[tilespmem:s8+$0xA140] =	vst v32  }
0x260: {  	v30 =	vld.idx.msk [tilespmem:v30+s4+$0x0], $0xffff;
	[tilespmem:s8+$0xA1F0] =	vst v24  }
0x261: {  	[tilespmem:s8+$0xA150] =	vst v27;
	v24 =	vld.idx.msk [tilespmem:v38+s4+$0x0], $0xffff  }
0x262: {  	v27 =	vld.idx.msk [tilespmem:v33+s4+$0x0], $0xffff;
	[tilespmem:s8+$0xA160] =	vst v35  }
0x263: {  	v32 =	vadd.s32 $0x20, v0;
	[tilespmem:s8+$0xA180] =	vst v22;
	v22 =	vld.idx.msk [tilespmem:v36+s4+$0x0], $0xffff  }
0x264: {  	[tilespmem:s8+$0xA190] =	vst v25;
	v25 =	vld.idx.msk [tilespmem:v39+s4+$0x0], $0xffff  }
0x265: {  	v23 =	vld.idx.msk [tilespmem:v23+s4+$0x0], $0xffff;
	[tilespmem:s8+$0xA1A0] =	vst v28  }
0x266: {  	v26 =	vld.idx.msk [tilespmem:v26+s4+$0x0], $0xffff;
	[tilespmem:s8+$0xA1B0] =	vst v30  }
0x267: {  	v28 =	vld.idx.msk [tilespmem:v29+s4+$0x0], $0xffff;
	[tilespmem:s8+$0xA270] =	vst v24  }
0x268: {  	[tilespmem:s8+$0xA1C0] =	vst v27;
	v24 =	vld.idx.msk [tilespmem:v32+s4+$0x0], $0xffff  }
0x269: {  	v27 =	vld.idx.msk [tilespmem:v31+s4+$0x0], $0xffff;
	[tilespmem:s8+$0xA1D0] =	vst v22  }
0x26a: {  	v22 =	vld.idx.msk [tilespmem:v34+s4+$0x0], $0xffff;
	[tilespmem:s8+$0xA1E0] =	vst v25;
	v25 =	vadd.s32 $0x28, v0  }
0x26b: {  	[tilespmem:s8+$0xA200] =	vst v23;
	v23 =	vld.idx.msk [tilespmem:v37+s4+$0x0], $0xffff  }
0x26c: {  	[tilespmem:s8+$0xA210] =	vst v26;
	v26 =	vld.idx.msk [tilespmem:v43+s4+$0x0], $0xffff  }
0x26d: {  	v29 =	vld.idx.msk [tilespmem:v40+s4+$0x0], $0xffff;
	[tilespmem:s8+$0xA220] =	vst v28  }
0x26e: {  	v28 =	vld.idx.msk [tilespmem:v41+s4+$0x0], $0xffff;
	[tilespmem:s8+$0xA2F0] =	vst v24  }
0x26f: {  	[tilespmem:s8+$0xA230] =	vst v27;
	v24 =	vld.idx.msk [tilespmem:v25+s4+$0x0], $0xffff  }
0x270: {  	v25 =	vld.idx.msk [tilespmem:v44+s4+$0x0], $0xffff;
	[tilespmem:s8+$0xA240] =	vst v22  }
0x271: {  	v22 =	vld.idx.msk [tilespmem:v45+s4+$0x0], $0xffff;
	[tilespmem:s8+$0xA250] =	vst v23;
	v23 =	vadd.s32 $0x30, v0  }
0x272: {  	v27 =	vld.idx.msk [tilespmem:v46+s4+$0x0], $0xffff;
	[tilespmem:s8+$0xA260] =	vst v26  }
0x273: {  	[tilespmem:s8+$0xA280] =	vst v29;
	v26 =	vld.idx.msk [tilespmem:v48+s4+$0x0], $0xffff  }
0x274: {  	[tilespmem:s8+$0xA290] =	vst v28;
	v28 =	vld.idx.msk [tilespmem:v49+s4+$0x0], $0xffff  }
0x275: {  	v20 =	vld.idx.msk [tilespmem:v20+s4+$0x0], $0xffff;
	[tilespmem:s8+$0xA370] =	vst v24  }
0x276: {  	[tilespmem:s8+$0xA2A0] =	vst v25;
	v23 =	vld.idx.msk [tilespmem:v23+s4+$0x0], $0xffff  }
0x277: {  	v21 =	vld.idx.msk [tilespmem:v21+s4+$0x0], $0xffff;
	[tilespmem:s8+$0xA2B0] =	vst v22  }
0x278: {  	v0 =	vadd.s32 $0x38, v0;
	v18 =	vld.idx.msk [tilespmem:v18+s4+$0x0], $0xffff;
	[tilespmem:s8+$0xA2C0] =	vst v27  }
0x279: {  	v16 =	vld.idx.msk [tilespmem:v16+s4+$0x0], $0xffff;
	[tilespmem:s8+$0xA2D0] =	vst v26  }
0x27a: {  	v17 =	vld.idx.msk [tilespmem:v17+s4+$0x0], $0xffff;
	[tilespmem:s8+$0xA2E0] =	vst v28  }
0x27b: {  	[tilespmem:s8+$0xA300] =	vst v20;
	v15 =	vld.idx.msk [tilespmem:v15+s4+$0x0], $0xffff  }
0x27c: {  	v19 =	vld.idx.msk [tilespmem:v19+s4+$0x0], $0xffff;
	[tilespmem:s8+$0xA3F0] =	vst v23  }
0x27d: {  	[tilespmem:s8+$0xA310] =	vst v21;
	v0 =	vld.idx.msk [tilespmem:v0+s4+$0x0], $0xffff  }
0x27e: {  	v12 =	vld.idx.msk [tilespmem:v12+s4+$0x0], $0xffff;
	[tilespmem:s8+$0xA320] =	vst v18  }
0x27f: {  	v18 =	vld.idx.msk [tilespmem:v10+s4+$0x0], $0xffff;
	[tilespmem:s8+$0xA330] =	vst v16  }
0x280: {  	v14 =	vld.idx.msk [tilespmem:v14+s4+$0x0], $0xffff;
	[tilespmem:s8+$0xA340] =	vst v17  }
0x281: {  	v16 =	vld.idx.msk [tilespmem:v11+s4+$0x0], $0xffff;
	[tilespmem:s8+$0xA350] =	vst v15  }
0x282: {  	v11 =	vld.idx.msk [tilespmem:v9+s4+$0x0], $0xffff;
	[tilespmem:s8+$0xA360] =	vst v19  }
.Ltmp3:
0x283: {  	v10 =	vld.idx.msk [tilespmem:v13+s4+$0x0], $0xffff;
	[tilespmem:s8+$0xA470] =	vst v0;
	(pc) =	sbr.rel @p0 .LBB2_9-.Ltmp3, $4  }
0x284: {  	[tilespmem:s8+$0xA380] =	vst v12;
	v9 =	vld.idx.msk [tilespmem:v8+s4+$0x0], $0xffff  }
0x285: {  	v8 =	vld.idx.msk [tilespmem:v2+s4+$0x0], $0xffff;
	[tilespmem:s8+$0xA390] =	vst v18  }
0x286: {  	v7 =	vld.idx.msk [tilespmem:v7+s4+$0x0], $0xffff;
	[tilespmem:s8+$0xA3A0] =	vst v14  }
0x287: {  	v2 =	vld.idx.msk [tilespmem:v6+s4+$0x0], $0xffff;
	[tilespmem:s8+$0xA3B0] =	vst v16  }
0x288: {  	_ =	sdelay $0x2  }
0x289: {  	[tilespmem:s8+$0xA3C0] =	vst v11  }
0x28a: {  	v0 =	vld.idx.msk [tilespmem:v4+s4+$0x0], $0xffff;
	[tilespmem:s8+$0xA3D0] =	vst v10  }
0x28b: {  	v63 =	vld.idx.msk [tilespmem:v5+s4+$0x0], $0xffff;
	[tilespmem:s8+$0xA3E0] =	vst v9  }
0x28c: {  	v3 =	vld.idx.msk [tilespmem:v3+s4+$0x0], $0xffff;
	[tilespmem:s8+$0xA400] =	vst v8  }
0x28d: {  	v1 =	vld.idx.msk [tilespmem:v1+s4+$0x0], $0xffff;
	[tilespmem:s8+$0xA410] =	vst v7  }
0x28e: {  	[tilespmem:s8+$0xA420] =	vst v2  }
0x28f: {  	[tilespmem:s8+$0xA430] =	vst v0  }
0x290: {  	[tilespmem:s8+$0xA440] =	vst v63  }
0x291: {  	s6 =	sshll.u32 s0, $0x1;
	s0 =	sadd.s32 $0x1, s0;
	[tilespmem:s8+$0xA450] =	vst v3  }
0x292: {  	s2 =	sadd.s32 s2, s9;
	s13 =	smin.u32 s6, $0x15;
	p0 =	sne.s32 s0, $0xC;
	[tilespmem:s8+$0xA460] =	vst v1  }
0x293: {  	[hbm4b:s2+s23] =	stream.strided.scatter [tilespmem:s28], [sflag:$0x4], $0x8000, s24, s23, $0x38;
	[tilespmem:$0x12080] =	vst v63  }
.Ltmp4:
0x294: {  	s2 =	sshll.u32 s13, $0x11;
	(pc) =	sbr.rel @p0 .LBB2_6-.Ltmp4, $4  }
0x295: {  	s2 =	sadd.s32 s15, s2  }
0x296: {  	s2 =	sshrl.u32 s2, $0x3  }
0x297: {  	s2 =	sadd.s32 s1, s2  }
0x298: {  	[tilespmem:s20], [sflag:$0x2] =	stream.linear.gather [hbm4b:s2+s4], $0x1000, $0x38;
	[tilespmem:$0x12080] =	vst v63  }
0x299: {  	_ =	swait.ge [sflag:s29], $0x8000  }
0x29a: {  	[sflag:s29] =	ssyncset.done $0x0  }
0x29b: {  	[sflag:s29] =	ssyncadd.s32 $0xFFFF8000  }
0x29c: {  	s0 =	simm.s32 $0x0;
	s2 =	simm.s32 $0x0;
	_ =	swait.ge [sflag:s22], $0x1000  }
0x29d: {  	s6 =	sand.u32 $0xC00, s0;
	s2 =	sand.u32 $0x3FFFFF80, s2;
	[sflag:s22] =	ssyncset.done $0x0  }
0x29e: {  	s2 =	sadd.s32 s6, s2;
	[sflag:s22] =	ssyncadd.s32 $0xFFFFF000  }
0x29f: {  	v7 =	vld [tilespmem:s2+$0xF0]  }
0x2a0: {  	v6 =	vld [tilespmem:s2+$0x80]  }
0x2a1: {  	v5 =	vld [tilespmem:s2+$0x90]  }
0x2a2: {  	v4 =	vld [tilespmem:s2+$0xA0]  }
0x2a3: {  	v3 =	vld [tilespmem:s2+$0xB0]  }
0x2a4: {  	v0 =	vld [tilespmem:s2+$0xC0]  }
0x2a5: {  	v1 =	vld [tilespmem:s2+$0xD0]  }
0x2a6: {  	v2 =	vld [tilespmem:s2+$0xE0]  }
0x2a7: {  	v8 =	vld.idx.msk [tilespmem:v7+s4+$0x0], $0xffff  }
0x2a8: {  	v9 =	vld.idx.msk [tilespmem:v6+s4+$0x0], $0xffff  }
0x2a9: {  	v10 =	vld.idx.msk [tilespmem:v5+s4+$0x0], $0xffff  }
0x2aa: {  	s13 =	simm.s32 $0x0;
	v11 =	vadd.s32 $0x8, v7;
	v12 =	vld.idx.msk [tilespmem:v4+s4+$0x0], $0xffff  }
0x2ab: {  	s2 =	sand.u32 $0x3FFFF000, s13;
	v13 =	vadd.s32 $0x8, v6;
	v14 =	vld.idx.msk [tilespmem:v3+s4+$0x0], $0xffff  }
0x2ac: {  	s2 =	sor.u32 s6, s2;
	v15 =	vadd.s32 $0x8, v5;
	v16 =	vld.idx.msk [tilespmem:v0+s4+$0x0], $0xffff  }
0x2ad: {  	v17 =	vadd.s32 $0x8, v4;
	v18 =	vld.idx.msk [tilespmem:v1+s4+$0x0], $0xffff;
	[tilespmem:s2+$0x20F0] =	vst v8  }
0x2ae: {  	v19 =	vadd.s32 $0x8, v1;
	[tilespmem:s2+$0x2090] =	vst v10;
	v10 =	vld.idx.msk [tilespmem:v2+s4+$0x0], $0xffff  }
0x2af: {  	v8 =	vadd.s32 $0x8, v3;
	[tilespmem:s2+$0x2080] =	vst v9;
	v9 =	vld.idx.msk [tilespmem:v11+s4+$0x0], $0xffff  }
0x2b0: {  	[tilespmem:s2+$0x20A0] =	vst v12;
	v11 =	vadd.s32 $0x8, v0;
	v13 =	vld.idx.msk [tilespmem:v13+s4+$0x0], $0xffff  }
0x2b1: {  	v26 =	vadd.s32 $0x8, v2;
	[tilespmem:s2+$0x20B0] =	vst v14;
	v15 =	vld.idx.msk [tilespmem:v15+s4+$0x0], $0xffff  }
0x2b2: {  	v25 =	vadd.s32 $0x10, v7;
	[tilespmem:s2+$0x20D0] =	vst v18;
	v17 =	vld.idx.msk [tilespmem:v17+s4+$0x0], $0xffff  }
0x2b3: {  	v27 =	vadd.s32 $0x10, v6;
	[tilespmem:s2+$0x20C0] =	vst v16;
	v30 =	vld.idx.msk [tilespmem:v19+s4+$0x0], $0xffff  }
0x2b4: {  	v28 =	vadd.s32 $0x10, v5;
	v8 =	vld.idx.msk [tilespmem:v8+s4+$0x0], $0xffff;
	[tilespmem:s2+$0x20E0] =	vst v10  }
0x2b5: {  	v33 =	vadd.s32 $0x10, v1;
	v11 =	vld.idx.msk [tilespmem:v11+s4+$0x0], $0xffff;
	[tilespmem:s2+$0x2170] =	vst v9  }
0x2b6: {  	v9 =	vadd.s32 $0x10, v4;
	[tilespmem:s2+$0x2100] =	vst v13;
	v14 =	vld.idx.msk [tilespmem:v26+s4+$0x0], $0xffff  }
0x2b7: {  	v29 =	vadd.s32 $0x10, v3;
	[tilespmem:s2+$0x2110] =	vst v15;
	v10 =	vld.idx.msk [tilespmem:v25+s4+$0x0], $0xffff  }
0x2b8: {  	v32 =	vadd.s32 $0x10, v0;
	[tilespmem:s2+$0x2120] =	vst v17;
	v16 =	vld.idx.msk [tilespmem:v27+s4+$0x0], $0xffff  }
0x2b9: {  	v31 =	vadd.s32 $0x18, v7;
	[tilespmem:s2+$0x2150] =	vst v30;
	v18 =	vld.idx.msk [tilespmem:v28+s4+$0x0], $0xffff  }
0x2ba: {  	v36 =	vld.idx.msk [tilespmem:v33+s4+$0x0], $0xffff;
	[tilespmem:s2+$0x2130] =	vst v8;
	v8 =	vadd.s32 $0x10, v2  }
0x2bb: {  	v9 =	vld.idx.msk [tilespmem:v9+s4+$0x0], $0xffff;
	[tilespmem:s2+$0x2140] =	vst v11;
	v11 =	vadd.s32 $0x18, v6  }
0x2bc: {  	v12 =	vld.idx.msk [tilespmem:v29+s4+$0x0], $0xffff;
	[tilespmem:s2+$0x21F0] =	vst v10;
	v10 =	vadd.s32 $0x18, v5  }
0x2bd: {  	v35 =	vadd.s32 $0x18, v4;
	[tilespmem:s2+$0x2160] =	vst v14;
	v19 =	vld.idx.msk [tilespmem:v32+s4+$0x0], $0xffff  }
0x2be: {  	v38 =	vadd.s32 $0x18, v3;
	[tilespmem:s2+$0x2180] =	vst v16;
	v34 =	vld.idx.msk [tilespmem:v31+s4+$0x0], $0xffff  }
0x2bf: {  	v39 =	vadd.s32 $0x18, v0;
	[tilespmem:s2+$0x2190] =	vst v18;
	v8 =	vld.idx.msk [tilespmem:v8+s4+$0x0], $0xffff  }
0x2c0: {  	v37 =	vadd.s32 $0x20, v7;
	[tilespmem:s2+$0x21D0] =	vst v36;
	v11 =	vld.idx.msk [tilespmem:v11+s4+$0x0], $0xffff  }
0x2c1: {  	[tilespmem:s2+$0x21A0] =	vst v9;
	v9 =	vadd.s32 $0x18, v1;
	v10 =	vld.idx.msk [tilespmem:v10+s4+$0x0], $0xffff  }
0x2c2: {  	v40 =	vadd.s32 $0x18, v2;
	[tilespmem:s2+$0x21B0] =	vst v12;
	v15 =	vld.idx.msk [tilespmem:v35+s4+$0x0], $0xffff  }
0x2c3: {  	v41 =	vadd.s32 $0x20, v6;
	[tilespmem:s2+$0x21C0] =	vst v19;
	v17 =	vld.idx.msk [tilespmem:v38+s4+$0x0], $0xffff  }
0x2c4: {  	v42 =	vadd.s32 $0x20, v5;
	[tilespmem:s2+$0x2270] =	vst v34;
	v43 =	vld.idx.msk [tilespmem:v39+s4+$0x0], $0xffff  }
0x2c5: {  	v44 =	vadd.s32 $0x20, v4;
	v16 =	vld.idx.msk [tilespmem:v37+s4+$0x0], $0xffff;
	[tilespmem:s2+$0x21E0] =	vst v8  }
0x2c6: {  	v45 =	vadd.s32 $0x20, v0;
	[tilespmem:s2+$0x2200] =	vst v11;
	v9 =	vld.idx.msk [tilespmem:v9+s4+$0x0], $0xffff  }
0x2c7: {  	v8 =	vadd.s32 $0x28, v7;
	[tilespmem:s2+$0x2210] =	vst v10;
	v10 =	vld.idx.msk [tilespmem:v40+s4+$0x0], $0xffff  }
0x2c8: {  	v11 =	vadd.s32 $0x20, v3;
	v13 =	vld.idx.msk [tilespmem:v41+s4+$0x0], $0xffff;
	[tilespmem:s2+$0x2220] =	vst v15  }
0x2c9: {  	v46 =	vadd.s32 $0x20, v1;
	[tilespmem:s2+$0x2230] =	vst v17;
	v19 =	vld.idx.msk [tilespmem:v42+s4+$0x0], $0xffff  }
0x2ca: {  	v47 =	vadd.s32 $0x20, v2;
	v18 =	vld.idx.msk [tilespmem:v44+s4+$0x0], $0xffff;
	[tilespmem:s2+$0x2240] =	vst v43  }
0x2cb: {  	v48 =	vadd.s32 $0x28, v6;
	[tilespmem:s2+$0x22F0] =	vst v16;
	v12 =	vld.idx.msk [tilespmem:v45+s4+$0x0], $0xffff  }
0x2cc: {  	v49 =	vadd.s32 $0x28, v5;
	v8 =	vld.idx.msk [tilespmem:v8+s4+$0x0], $0xffff;
	[tilespmem:s2+$0x2250] =	vst v9  }
0x2cd: {  	v52 =	vadd.s32 $0x28, v0;
	v11 =	vld.idx.msk [tilespmem:v11+s4+$0x0], $0xffff;
	[tilespmem:s2+$0x2260] =	vst v10  }
0x2ce: {  	v9 =	vadd.s32 $0x30, v7;
	[tilespmem:s2+$0x2280] =	vst v13;
	v50 =	vld.idx.msk [tilespmem:v46+s4+$0x0], $0xffff  }
0x2cf: {  	v10 =	vadd.s32 $0x28, v4;
	[tilespmem:s2+$0x2290] =	vst v19;
	v16 =	vld.idx.msk [tilespmem:v47+s4+$0x0], $0xffff  }
0x2d0: {  	v51 =	vadd.s32 $0x28, v3;
	v17 =	vld.idx.msk [tilespmem:v48+s4+$0x0], $0xffff;
	[tilespmem:s2+$0x22A0] =	vst v18  }
0x2d1: {  	v53 =	vadd.s32 $0x28, v2;
	v14 =	vld.idx.msk [tilespmem:v49+s4+$0x0], $0xffff;
	[tilespmem:s2+$0x22C0] =	vst v12  }
0x2d2: {  	[tilespmem:s2+$0x2370] =	vst v8;
	v8 =	vadd.s32 $0x28, v1;
	v56 =	vld.idx.msk [tilespmem:v52+s4+$0x0], $0xffff  }
0x2d3: {  	v55 =	vadd.s32 $0x30, v5;
	v9 =	vld.idx.msk [tilespmem:v9+s4+$0x0], $0xffff;
	[tilespmem:s2+$0x22B0] =	vst v11  }
0x2d4: {  	v11 =	vadd.s32 $0x30, v6;
	v10 =	vld.idx.msk [tilespmem:v10+s4+$0x0], $0xffff;
	[tilespmem:s2+$0x22D0] =	vst v50  }
0x2d5: {  	v7 =	vadd.s32 $0x38, v7;
	v54 =	vld.idx.msk [tilespmem:v51+s4+$0x0], $0xffff;
	[tilespmem:s2+$0x22E0] =	vst v16  }
0x2d6: {  	v57 =	vadd.s32 $0x30, v4;
	[tilespmem:s2+$0x2300] =	vst v17;
	v18 =	vld.idx.msk [tilespmem:v53+s4+$0x0], $0xffff  }
0x2d7: {  	v58 =	vadd.s32 $0x30, v3;
	[tilespmem:s2+$0x2310] =	vst v14;
	v8 =	vld.idx.msk [tilespmem:v8+s4+$0x0], $0xffff  }
0x2d8: {  	v13 =	vld.idx.msk [tilespmem:v55+s4+$0x0], $0xffff;
	[tilespmem:s2+$0x23F0] =	vst v9;
	v9 =	vadd.s32 $0x30, v0  }
0x2d9: {  	v59 =	vadd.s32 $0x30, v1;
	[tilespmem:s2+$0x2340] =	vst v56;
	v60 =	vld.idx.msk [tilespmem:v11+s4+$0x0], $0xffff  }
0x2da: {  	v5 =	vadd.s32 $0x38, v5;
	v7 =	vld.idx.msk [tilespmem:v7+s4+$0x0], $0xffff;
	[tilespmem:s2+$0x2320] =	vst v10  }
0x2db: {  	v20 =	vadd.s32 $0x30, v2;
	[tilespmem:s2+$0x2330] =	vst v54;
	v61 =	vld.idx.msk [tilespmem:v57+s4+$0x0], $0xffff  }
0x2dc: {  	v6 =	vadd.s32 $0x38, v6;
	v62 =	vld.idx.msk [tilespmem:v58+s4+$0x0], $0xffff;
	[tilespmem:s2+$0x2360] =	vst v18  }
0x2dd: {  	v63 =	vadd.s32 $0x38, v4;
	[tilespmem:s2+$0x2350] =	vst v8;
	v11 =	vld.idx.msk [tilespmem:v9+s4+$0x0], $0xffff  }
0x2de: {  	v4 =	vadd.s32 $0x38, v3;
	[tilespmem:s2+$0x2390] =	vst v13;
	v10 =	vld.idx.msk [tilespmem:v59+s4+$0x0], $0xffff  }
0x2df: {  	[tilespmem:s2+$0x2470] =	vst v7;
	v7 =	vld.idx.msk [tilespmem:v5+s4+$0x0], $0xffff;
	v5 =	vadd.s32 $0x38, v0  }
0x2e0: {  	v3 =	vadd.s32 $0x38, v1;
	[tilespmem:s2+$0x2380] =	vst v60;
	v9 =	vld.idx.msk [tilespmem:v20+s4+$0x0], $0xffff  }
0x2e1: {  	v1 =	vadd.s32 $0x38, v2;
	v8 =	vld.idx.msk [tilespmem:v6+s4+$0x0], $0xffff;
	[tilespmem:s2+$0x23A0] =	vst v61  }
0x2e2: {  	s6 =	simm.s32 $0x0;
	[tilespmem:s2+$0x23B0] =	vst v62;
	v2 =	vld.idx.msk [tilespmem:v63+s4+$0x0], $0xffff  }
.LBB2_12:
0x2e3: {  	s6 =	sadd.s32 $0x8, s6;
	v4 =	vld.idx.msk [tilespmem:v4+s4+$0x0], $0xffff;
	[tilespmem:s2+$0x23C0] =	vst v11  }
0x2e4: {  	s0 =	sadd.s32 $0x400, s0;
	s11 =	sshll.u32 s6, $0x2;
	p0 =	slt.u32 s6, $0xF8;
	v5 =	vld.idx.msk [tilespmem:v5+s4+$0x0], $0xffff;
	[tilespmem:s2+$0x23D0] =	vst v10  }
0x2e5: {  	s8 =	sand.u32 $0xC00, s0;
	s11 =	sand.u32 $0x3FFFFF80, s11;
	v3 =	vld.idx.msk [tilespmem:v3+s4+$0x0], $0xffff;
	[tilespmem:s2+$0x23E0] =	vst v9  }
0x2e6: {  	s11 =	sadd.s32 s8, s11;
	[tilespmem:s2+$0x2400] =	vst v8;
	v1 =	vld.idx.msk [tilespmem:v1+s4+$0x0], $0xffff  }
0x2e7: {  	v0 =	vld [tilespmem:s11+$0xF0];
	[tilespmem:s2+$0x2410] =	vst v7  }
0x2e8: {  	v6 =	vld [tilespmem:s11+$0x80];
	[tilespmem:s2+$0x2420] =	vst v2  }
0x2e9: {  	v7 =	vld [tilespmem:s11+$0x90];
	[tilespmem:s2+$0x2430] =	vst v4  }
0x2ea: {  	v4 =	vld [tilespmem:s11+$0xA0];
	[tilespmem:s2+$0x2440] =	vst v5  }
0x2eb: {  	v5 =	vld [tilespmem:s11+$0xB0];
	[tilespmem:s2+$0x2450] =	vst v3  }
0x2ec: {  	v3 =	vld [tilespmem:s11+$0xC0];
	[tilespmem:s2+$0x2460] =	vst v1  }
0x2ed: {  	v1 =	vadd.s32 $0x8, v6;
	v22 =	vadd.s32 $0x10, v6;
	v23 =	vadd.s32 $0x18, v6;
	v24 =	vld [tilespmem:s11+$0xD0]  }
0x2ee: {  	v2 =	vadd.s32 $0x8, v7;
	v25 =	vadd.s32 $0x10, v7;
	v26 =	vadd.s32 $0x18, v7;
	v27 =	vld [tilespmem:s11+$0xE0]  }
0x2ef: {  	v8 =	vadd.s32 $0x8, v4;
	v28 =	vadd.s32 $0x10, v4;
	v29 =	vadd.s32 $0x18, v4;
	v9 =	vld.idx.msk [tilespmem:v0+s4+$0x0], $0xffff  }
0x2f0: {  	v10 =	vld.idx.msk [tilespmem:v6+s4+$0x0], $0xffff;
	v13 =	vadd.s32 $0x8, v5;
	v30 =	vadd.s32 $0x10, v5;
	v31 =	vadd.s32 $0x18, v5  }
0x2f1: {  	v12 =	vadd.s32 $0x8, v0;
	v11 =	vld.idx.msk [tilespmem:v7+s4+$0x0], $0xffff;
	v32 =	vadd.s32 $0x8, v3;
	v33 =	vadd.s32 $0x10, v3  }
0x2f2: {  	s2 =	sshll.u32 s6, $0x7;
	v34 =	vadd.s32 $0x18, v3;
	v14 =	vld.idx.msk [tilespmem:v4+s4+$0x0], $0xffff;
	v35 =	vadd.s32 $0x8, v24;
	v36 =	vadd.s32 $0x10, v24  }
0x2f3: {  	s2 =	sand.u32 $0x3FFFF000, s2;
	v37 =	vadd.s32 $0x18, v24;
	v19 =	vld.idx.msk [tilespmem:v5+s4+$0x0], $0xffff;
	v38 =	vadd.s32 $0x8, v27;
	v39 =	vadd.s32 $0x10, v27  }
0x2f4: {  	v40 =	vadd.s32 $0x20, v6;
	s2 =	sor.u32 s8, s2;
	v41 =	vadd.s32 $0x20, v7;
	v43 =	vadd.s32 $0x18, v27;
	v42 =	vld.idx.msk [tilespmem:v3+s4+$0x0], $0xffff  }
0x2f5: {  	v44 =	vadd.s32 $0x20, v4;
	v45 =	vadd.s32 $0x20, v5;
	v46 =	vadd.s32 $0x20, v3;
	v47 =	vld.idx.msk [tilespmem:v24+s4+$0x0], $0xffff;
	[tilespmem:s2+$0x20F0] =	vst v9  }
0x2f6: {  	v20 =	vadd.s32 $0x28, v6;
	v48 =	vadd.s32 $0x20, v24;
	v49 =	vadd.s32 $0x20, v27;
	[tilespmem:s2+$0x2080] =	vst v10;
	v50 =	vld.idx.msk [tilespmem:v12+s4+$0x0], $0xffff  }
0x2f7: {  	v21 =	vadd.s32 $0x28, v7;
	v18 =	vadd.s32 $0x28, v4;
	v16 =	vadd.s32 $0x28, v5;
	[tilespmem:s2+$0x2090] =	vst v11;
	v51 =	vld.idx.msk [tilespmem:v27+s4+$0x0], $0xffff  }
0x2f8: {  	v53 =	vadd.s32 $0x10, v0;
	v17 =	vadd.s32 $0x28, v3;
	v15 =	vadd.s32 $0x28, v24;
	v52 =	vld.idx.msk [tilespmem:v1+s4+$0x0], $0xffff;
	[tilespmem:s2+$0x20A0] =	vst v14  }
0x2f9: {  	v12 =	vadd.s32 $0x30, v6;
	v10 =	vadd.s32 $0x30, v7;
	v54 =	vld.idx.msk [tilespmem:v2+s4+$0x0], $0xffff;
	[tilespmem:s2+$0x20B0] =	vst v19;
	v19 =	vadd.s32 $0x28, v27  }
0x2fa: {  	v9 =	vadd.s32 $0x30, v3;
	v11 =	vadd.s32 $0x30, v5;
	v14 =	vadd.s32 $0x30, v4;
	v55 =	vld.idx.msk [tilespmem:v8+s4+$0x0], $0xffff;
	[tilespmem:s2+$0x20C0] =	vst v42  }
0x2fb: {  	v2 =	vadd.s32 $0x38, v6;
	v8 =	vadd.s32 $0x30, v27;
	v42 =	vld.idx.msk [tilespmem:v13+s4+$0x0], $0xffff;
	[tilespmem:s2+$0x20D0] =	vst v47;
	v13 =	vadd.s32 $0x30, v24  }
0x2fc: {  	v7 =	vadd.s32 $0x38, v7;
	v6 =	vadd.s32 $0x38, v4;
	v4 =	vadd.s32 $0x38, v5;
	v32 =	vld.idx.msk [tilespmem:v32+s4+$0x0], $0xffff;
	[tilespmem:s2+$0x2170] =	vst v50  }
0x2fd: {  	v1 =	vadd.s32 $0x38, v27;
	v5 =	vadd.s32 $0x38, v3;
	v3 =	vadd.s32 $0x38, v24;
	[tilespmem:s2+$0x20E0] =	vst v51;
	v24 =	vld.idx.msk [tilespmem:v53+s4+$0x0], $0xffff  }
0x2fe: {  	[tilespmem:s2+$0x2100] =	vst v52;
	v27 =	vld.idx.msk [tilespmem:v35+s4+$0x0], $0xffff  }
0x2ff: {  	[tilespmem:s2+$0x2110] =	vst v54;
	v35 =	vld.idx.msk [tilespmem:v38+s4+$0x0], $0xffff;
	v38 =	vadd.s32 $0x18, v0  }
0x300: {  	v22 =	vld.idx.msk [tilespmem:v22+s4+$0x0], $0xffff;
	[tilespmem:s2+$0x2120] =	vst v55  }
0x301: {  	v25 =	vld.idx.msk [tilespmem:v25+s4+$0x0], $0xffff;
	[tilespmem:s2+$0x2130] =	vst v42  }
0x302: {  	v28 =	vld.idx.msk [tilespmem:v28+s4+$0x0], $0xffff;
	[tilespmem:s2+$0x2140] =	vst v32  }
0x303: {  	v30 =	vld.idx.msk [tilespmem:v30+s4+$0x0], $0xffff;
	[tilespmem:s2+$0x21F0] =	vst v24  }
0x304: {  	[tilespmem:s2+$0x2150] =	vst v27;
	v24 =	vld.idx.msk [tilespmem:v38+s4+$0x0], $0xffff  }
0x305: {  	v27 =	vld.idx.msk [tilespmem:v33+s4+$0x0], $0xffff;
	[tilespmem:s2+$0x2160] =	vst v35  }
0x306: {  	v32 =	vadd.s32 $0x20, v0;
	[tilespmem:s2+$0x2180] =	vst v22;
	v22 =	vld.idx.msk [tilespmem:v36+s4+$0x0], $0xffff  }
0x307: {  	[tilespmem:s2+$0x2190] =	vst v25;
	v25 =	vld.idx.msk [tilespmem:v39+s4+$0x0], $0xffff  }
0x308: {  	v23 =	vld.idx.msk [tilespmem:v23+s4+$0x0], $0xffff;
	[tilespmem:s2+$0x21A0] =	vst v28  }
0x309: {  	v26 =	vld.idx.msk [tilespmem:v26+s4+$0x0], $0xffff;
	[tilespmem:s2+$0x21B0] =	vst v30  }
0x30a: {  	v28 =	vld.idx.msk [tilespmem:v29+s4+$0x0], $0xffff;
	[tilespmem:s2+$0x2270] =	vst v24  }
0x30b: {  	[tilespmem:s2+$0x21C0] =	vst v27;
	v24 =	vld.idx.msk [tilespmem:v32+s4+$0x0], $0xffff  }
0x30c: {  	v27 =	vld.idx.msk [tilespmem:v31+s4+$0x0], $0xffff;
	[tilespmem:s2+$0x21D0] =	vst v22  }
0x30d: {  	v22 =	vld.idx.msk [tilespmem:v34+s4+$0x0], $0xffff;
	[tilespmem:s2+$0x21E0] =	vst v25;
	v25 =	vadd.s32 $0x28, v0  }
0x30e: {  	[tilespmem:s2+$0x2200] =	vst v23;
	v23 =	vld.idx.msk [tilespmem:v37+s4+$0x0], $0xffff  }
0x30f: {  	[tilespmem:s2+$0x2210] =	vst v26;
	v26 =	vld.idx.msk [tilespmem:v43+s4+$0x0], $0xffff  }
0x310: {  	v29 =	vld.idx.msk [tilespmem:v40+s4+$0x0], $0xffff;
	[tilespmem:s2+$0x2220] =	vst v28  }
0x311: {  	v28 =	vld.idx.msk [tilespmem:v41+s4+$0x0], $0xffff;
	[tilespmem:s2+$0x22F0] =	vst v24  }
0x312: {  	[tilespmem:s2+$0x2230] =	vst v27;
	v24 =	vld.idx.msk [tilespmem:v25+s4+$0x0], $0xffff  }
0x313: {  	v25 =	vld.idx.msk [tilespmem:v44+s4+$0x0], $0xffff;
	[tilespmem:s2+$0x2240] =	vst v22  }
0x314: {  	v22 =	vld.idx.msk [tilespmem:v45+s4+$0x0], $0xffff;
	[tilespmem:s2+$0x2250] =	vst v23;
	v23 =	vadd.s32 $0x30, v0  }
0x315: {  	v27 =	vld.idx.msk [tilespmem:v46+s4+$0x0], $0xffff;
	[tilespmem:s2+$0x2260] =	vst v26  }
0x316: {  	[tilespmem:s2+$0x2280] =	vst v29;
	v26 =	vld.idx.msk [tilespmem:v48+s4+$0x0], $0xffff  }
0x317: {  	[tilespmem:s2+$0x2290] =	vst v28;
	v28 =	vld.idx.msk [tilespmem:v49+s4+$0x0], $0xffff  }
0x318: {  	v20 =	vld.idx.msk [tilespmem:v20+s4+$0x0], $0xffff;
	[tilespmem:s2+$0x2370] =	vst v24  }
0x319: {  	[tilespmem:s2+$0x22A0] =	vst v25;
	v23 =	vld.idx.msk [tilespmem:v23+s4+$0x0], $0xffff  }
0x31a: {  	v21 =	vld.idx.msk [tilespmem:v21+s4+$0x0], $0xffff;
	[tilespmem:s2+$0x22B0] =	vst v22  }
0x31b: {  	v0 =	vadd.s32 $0x38, v0;
	v18 =	vld.idx.msk [tilespmem:v18+s4+$0x0], $0xffff;
	[tilespmem:s2+$0x22C0] =	vst v27  }
0x31c: {  	v16 =	vld.idx.msk [tilespmem:v16+s4+$0x0], $0xffff;
	[tilespmem:s2+$0x22D0] =	vst v26  }
0x31d: {  	v17 =	vld.idx.msk [tilespmem:v17+s4+$0x0], $0xffff;
	[tilespmem:s2+$0x22E0] =	vst v28  }
0x31e: {  	[tilespmem:s2+$0x2300] =	vst v20;
	v15 =	vld.idx.msk [tilespmem:v15+s4+$0x0], $0xffff  }
0x31f: {  	v19 =	vld.idx.msk [tilespmem:v19+s4+$0x0], $0xffff;
	[tilespmem:s2+$0x23F0] =	vst v23  }
0x320: {  	[tilespmem:s2+$0x2310] =	vst v21;
	v0 =	vld.idx.msk [tilespmem:v0+s4+$0x0], $0xffff  }
0x321: {  	v12 =	vld.idx.msk [tilespmem:v12+s4+$0x0], $0xffff;
	[tilespmem:s2+$0x2320] =	vst v18  }
0x322: {  	v18 =	vld.idx.msk [tilespmem:v10+s4+$0x0], $0xffff;
	[tilespmem:s2+$0x2330] =	vst v16  }
0x323: {  	v14 =	vld.idx.msk [tilespmem:v14+s4+$0x0], $0xffff;
	[tilespmem:s2+$0x2340] =	vst v17  }
0x324: {  	v16 =	vld.idx.msk [tilespmem:v11+s4+$0x0], $0xffff;
	[tilespmem:s2+$0x2350] =	vst v15  }
0x325: {  	v11 =	vld.idx.msk [tilespmem:v9+s4+$0x0], $0xffff;
	[tilespmem:s2+$0x2360] =	vst v19  }
.Ltmp5:
0x326: {  	v10 =	vld.idx.msk [tilespmem:v13+s4+$0x0], $0xffff;
	[tilespmem:s2+$0x2470] =	vst v0;
	(pc) =	sbr.rel @p0 .LBB2_12-.Ltmp5, $4  }
0x327: {  	[tilespmem:s2+$0x2380] =	vst v12;
	v9 =	vld.idx.msk [tilespmem:v8+s4+$0x0], $0xffff  }
0x328: {  	v8 =	vld.idx.msk [tilespmem:v2+s4+$0x0], $0xffff;
	[tilespmem:s2+$0x2390] =	vst v18  }
0x329: {  	v7 =	vld.idx.msk [tilespmem:v7+s4+$0x0], $0xffff;
	[tilespmem:s2+$0x23A0] =	vst v14  }
0x32a: {  	v2 =	vld.idx.msk [tilespmem:v6+s4+$0x0], $0xffff;
	[tilespmem:s2+$0x23B0] =	vst v16  }
0x32b: {  	_ =	sdelay $0x2  }
0x32c: {  	[tilespmem:s2+$0x23C0] =	vst v11  }
0x32d: {  	v0 =	vld.idx.msk [tilespmem:v4+s4+$0x0], $0xffff;
	[tilespmem:s2+$0x23D0] =	vst v10  }
0x32e: {  	v63 =	vld.idx.msk [tilespmem:v5+s4+$0x0], $0xffff;
	[tilespmem:s2+$0x23E0] =	vst v9  }
0x32f: {  	v3 =	vld.idx.msk [tilespmem:v3+s4+$0x0], $0xffff;
	[tilespmem:s2+$0x2400] =	vst v8  }
0x330: {  	v1 =	vld.idx.msk [tilespmem:v1+s4+$0x0], $0xffff;
	[tilespmem:s2+$0x2410] =	vst v7  }
0x331: {  	[tilespmem:s2+$0x2420] =	vst v2  }
0x332: {  	[tilespmem:s2+$0x2430] =	vst v0  }
0x333: {  	[tilespmem:s2+$0x2440] =	vst v63  }
0x334: {  	[tilespmem:s2+$0x2450] =	vst v3  }
0x335: {  	[tilespmem:s2+$0x2460] =	vst v1  }
0x336: {  	[hbm4b:s16+s23] =	stream.strided.scatter [tilespmem:s25], [sflag:$0x3], $0x8000, s24, s23, $0x38;
	[tilespmem:$0x12080] =	vst v63  }
0x337: {  	_ = 	snop  }
0x338: {  	[tilespmem:s19], [sflag:$0x1] =	stream.linear.gather [hbm4b:s17+s4], $0x1000, $0x38;
	[tilespmem:$0x12080] =	vst v63  }
0x339: {  	_ =	swait.ge [sflag:s29], $0x8000  }
0x33a: {  	[sflag:s29] =	ssyncset.done $0x0  }
0x33b: {  	[sflag:s29] =	ssyncadd.s32 $0xFFFF8000  }
0x33c: {  	_ =	swait.ge [sflag:s30], $0x8000  }
0x33d: {  	[sflag:s30] =	ssyncset.done $0x0  }
0x33e: {  	s31 =	sadd.s32 $0x1, s31;
	[sflag:s30] =	ssyncadd.s32 $0xFFFF8000  }
0x33f: {  	p0 =	sne.s32 s31, s18;
	_ =	swait.ge [sflag:s22], $0x1000  }
.Ltmp6:
0x340: {  	[sflag:s22] =	ssyncset.done $0x0;
	(pc) =	sbr.rel @p0 .LBB2_1-.Ltmp6, $4  }
0x341: {  	[sflag:s22] =	ssyncadd.s32 $0xFFFFF000  }
0x342: {  	_ =	swait.ge [sflag:s26], $0x1000  }
0x343: {  	[sflag:s26] =	ssyncset.done $0x0  }
0x344: {  	[sflag:s26] =	ssyncadd.s32 $0xFFFFF000  }
0x345: {  	_ =	sfence.sel $0x180000  }
0x346: {  	[bflag:$0x0] =	sbarrier.arrive $0xFFFF  }
0x347: {  	_ =	strace $0x90000047  }
0x348: {  	s0 =	stileid.u32;
	[bflag:$0x2] =	sbarrier.arrive $0xFFFF  }
0x349: {  	p0 =	sne.s32 s0, $0x0;
	s0 =	rddreg [dreg:$0x3]  }
0x34a: {  	s0 =	sadd.s32 @!p0 $0x100000, s0  }
0x34b: {  	[sflag:s0] =	ssyncadd.tile.s32 @!p0 $0x1;
	_ =	shalt  }
.Lfunc_end2:
_tile_overlayer_lowered:
.L_overlay_start_2:
0x34c: {  	(tag) =	ssettag $0x2  }
0x34d: {  	s0 =	rddreg [dreg:$0x0];
	s2 =	stileid.u32  }
0x34e: {  	s1 =	rddreg [dreg:$0x1];
	p0 =	sne.s32 s2, $0x0  }
0x34f: {  	s3 =	rddreg [dreg:$0x2];
	[bflag:$0x3] =	sbarrier.arrive $0xFFFF;
	s2 =	simm.s32 @!p0 $0x1C05  }
0x350: {  	[timem:s3], [sflag:s2] =	dma.local @!p0 [hbm:s0], s1  }
0x351: {  	s0 =	simm.s32 @!p0 $0x5  }
0x352: {  	_ =	swait.ge @!p0 [sflag:s0], s1  }
0x353: {  	s1 =	ssub.s32 @!p0 $0x0, s1;
	[sflag:s0] =	ssyncset.done @!p0 $0x0  }
0x354: {  	[sflag:s0] =	ssyncadd.s32 @!p0 s1  }
0x355: {  	[bflag:$0x3] =	sbarrier.arrive $0xFFFF  }
0x356: {  	_ =	shalt  }

</sc_bundles>
